<compile_context>
chip_gen: v7x
topology: tpu7x:2x2x1
jax: 0.10.2.dev20260603
libtpu: 0.0.44.dev20260713+nightly
codegen_flags: <defaults>
</compile_context>

<pallas_src>
import functools

import jax
import jax.numpy as jnp
from jax import lax
from jax.experimental import pallas as pl
from jax.experimental.pallas import tpu as pltpu
from jax.experimental.pallas import tpu_sc as plsc

N = 10000
E = 320000
D = 128
ED = 16
CATS = 512
G = 32

NC = 2
NS = 16
CH = 128
CPW = 80
EPC = E // NC
EPC_PAD = NS * CPW * CH
NPAD = 10240
RPW = NPAD // NS
OPW = NPAD // NS
HB = 80
HCH = 4
NBUF = 2
IH = 2
CPH = CPW // IH
BLK = 1000
NB = N // BLK

def _mm(a, b):
    return lax.dot_general(
        a, b, (((1,), (0,)), ((), ())),
        preferred_element_type=jnp.float32)



@functools.cache
def _sc_kernels():
    mesh = plsc.VectorSubcoreMesh(core_axis_name="c", subcore_axis_name="s",
                                  num_cores=NC, num_subcores=NS)

    @functools.partial(
        pl.kernel,
        out_type=[
            jax.ShapeDtypeStruct((NC, NPAD, D), jnp.float32),
            jax.ShapeDtypeStruct((NPAD, D), jnp.float32),
        ],
        mesh=mesh,
        scratch_types=[
            pltpu.VMEM((NBUF, CH, D), jnp.float32),
            pltpu.VMEM((CPH, CH), jnp.int32),
            pltpu.VMEM((HB,), jnp.int32),
            pltpu.VMEM((HB, D), jnp.float32),
            pltpu.VMEM_SHARED((NPAD, D), jnp.float32),
            pltpu.SemaphoreType.DMA,
            pltpu.SemaphoreType.DMA,
            pltpu.SemaphoreType.DMA,
            pltpu.SemaphoreType.DMA,
        ])
    def sc_pre(eatt_hbm, dst_hbm, t_hbm, x1_hbm, eagg_out, hcat_out,
               ebuf, dbuf, xbuf, rbuf, accum, gs0, gs1, ss0, ss1):
        gsems = (gs0, gs1)
        ssems = (ss0, ss1)
        c = lax.axis_index("c")
        s = lax.axis_index("s")
        wid = c * NS + s

        @pl.loop(0, CH)
        def _(r):
            @pl.loop(0, D // 16)
            def _(j):
                ebuf[0, r, pl.ds(j * 16, 16)] = jnp.zeros((16,), jnp.float32)

        @pl.loop(0, RPW // CH)
        def _(k):
            pltpu.sync_copy(ebuf.at[0], accum.at[pl.ds(s * RPW + k * CH, CH)])

        plsc.subcore_barrier()

        @pl.loop(0, IH)
        def _(hf):
            pltpu.sync_copy(dst_hbm.at[c].at[s].at[pl.ds(hf * CPH, CPH)],
                            dbuf)
            for b in range(NBUF):
                k = hf * CPH + b
                pltpu.async_copy(
                    eatt_hbm.at[c].at[pl.ds((s * CPW + k) * CH, CH)],
                    ebuf.at[b], gsems[b])

            @pl.loop(0, CPH // NBUF)
            def _(g):
                for b in range(NBUF):
                    k = hf * CPH + g * NBUF + b
                    pltpu.make_async_copy(
                        eatt_hbm.at[c].at[pl.ds((s * CPW + k) * CH, CH)],
                        ebuf.at[b], gsems[b]).wait()
                    pltpu.async_copy(ebuf.at[b],
                                     accum.at[dbuf.at[g * NBUF + b]],
                                     ssems[b], add=True)
                for b in range(NBUF):
                    k = g * NBUF + b

                    @pl.when(k + NBUF < CPH)
                    def _():
                        pltpu.make_async_copy(ebuf.at[b],
                                              accum.at[dbuf.at[k]],
                                              ssems[b]).wait()
                        pltpu.async_copy(
                            eatt_hbm.at[c].at[
                                pl.ds((s * CPW + hf * CPH + k + NBUF) * CH,
                                      CH)],
                            ebuf.at[b], gsems[b])

            for b in range(NBUF):
                pltpu.make_async_copy(ebuf.at[b],
                                      accum.at[dbuf.at[CPH - NBUF + b]],
                                      ssems[b]).wait()

        plsc.subcore_barrier()
        pltpu.sync_copy(accum.at[pl.ds(s * OPW, OPW)],
                        eagg_out.at[c].at[pl.ds(s * OPW, OPW)])

        @pl.loop(0, HCH)
        def _(k):
            b = wid * (HCH * HB) + k * HB
            pltpu.sync_copy(x1_hbm.at[pl.ds(b, HB)], xbuf)
            pltpu.async_copy(t_hbm.at[xbuf], rbuf, gs0).wait()
            pltpu.sync_copy(rbuf, hcat_out.at[pl.ds(b, HB)])

    @functools.partial(
        pl.kernel,
        out_type=jax.ShapeDtypeStruct((NC, NPAD, D), jnp.float32),
        mesh=mesh,
        scratch_types=[
            pltpu.VMEM((NBUF, CH, D), jnp.float32),
            pltpu.VMEM((CPH, CH), jnp.int32),
            pltpu.VMEM((CPH, CH), jnp.int32),
            pltpu.VMEM_SHARED((NPAD, D), jnp.float32),
            pltpu.SemaphoreType.DMA,
            pltpu.SemaphoreType.DMA,
            pltpu.SemaphoreType.DMA,
            pltpu.SemaphoreType.DMA,
        ])
    def sc_spmv(p_hbm, src_hbm, dst_hbm, out_hbm, rbuf, sbuf, dbuf,
                accum, gs0, gs1, ss0, ss1):
        gsems = (gs0, gs1)
        ssems = (ss0, ss1)
        c = lax.axis_index("c")
        s = lax.axis_index("s")

        @pl.loop(0, CH)
        def _(r):
            @pl.loop(0, D // 16)
            def _(j):
                rbuf[0, r, pl.ds(j * 16, 16)] = jnp.zeros((16,), jnp.float32)

        @pl.loop(0, RPW // CH)
        def _(k):
            pltpu.sync_copy(rbuf.at[0], accum.at[pl.ds(s * RPW + k * CH, CH)])

        plsc.subcore_barrier()

        @pl.loop(0, IH)
        def _(hf):
            pltpu.sync_copy(src_hbm.at[c].at[s].at[pl.ds(hf * CPH, CPH)],
                            sbuf)
            pltpu.sync_copy(dst_hbm.at[c].at[s].at[pl.ds(hf * CPH, CPH)],
                            dbuf)
            for b in range(NBUF):
                pltpu.async_copy(p_hbm.at[sbuf.at[b]], rbuf.at[b], gsems[b])

            @pl.loop(0, CPH // NBUF)
            def _(g):
                for b in range(NBUF):
                    k = g * NBUF + b
                    pltpu.make_async_copy(p_hbm.at[sbuf.at[k]],
                                          rbuf.at[b], gsems[b]).wait()
                    pltpu.async_copy(rbuf.at[b], accum.at[dbuf.at[k]],
                                     ssems[b], add=True)
                for b in range(NBUF):
                    k = g * NBUF + b

                    @pl.when(k + NBUF < CPH)
                    def _():
                        pltpu.make_async_copy(rbuf.at[b],
                                              accum.at[dbuf.at[k]],
                                              ssems[b]).wait()
                        pltpu.async_copy(p_hbm.at[sbuf.at[k + NBUF]],
                                         rbuf.at[b], gsems[b])

            for b in range(NBUF):
                pltpu.make_async_copy(rbuf.at[b],
                                      accum.at[dbuf.at[CPH - NBUF + b]],
                                      ssems[b]).wait()

        plsc.subcore_barrier()
        pltpu.sync_copy(accum.at[pl.ds(s * OPW, OPW)],
                        out_hbm.at[c].at[pl.ds(s * OPW, OPW)])

    return sc_pre, sc_spmv


def _sc_pre(eatt3, dstp, t_table, x1p):
    return _sc_kernels()[0](eatt3, dstp, t_table, x1p)


def _sc_spmv(proj, srcp, dstp):
    return _sc_kernels()[1](proj, srcp, dstp)



_EB = 4096


def _eatt_body(ef_ref, wet_ref, be_ref, out_ref):
    x = jnp.maximum(_mm(ef_ref[...], wet_ref[...]) + be_ref[...], 0.0)
    pad = (lax.broadcasted_iota(jnp.int32, (_EB, D - ED), 1) == 0)
    out_ref[...] = jnp.concatenate([x, pad.astype(jnp.float32)], axis=1)


def _eatt(ef_pad, wet, be):
    ne = ef_pad.shape[0]
    return pl.pallas_call(
        _eatt_body,
        grid=(ne // _EB,),
        in_specs=[
            pl.BlockSpec((_EB, ED), lambda i: (i, 0)),
            pl.BlockSpec((ED, ED), lambda i: (0, 0)),
            pl.BlockSpec((1, ED), lambda i: (0, 0)),
        ],
        out_specs=pl.BlockSpec((_EB, D), lambda i: (i, 0)),
        out_shape=jax.ShapeDtypeStruct((ne, D), jnp.float32))(
            ef_pad, wet, be)


def _enc_body(x2_ref, hcat_ref, e0_ref, e1_ref, wgt_ref, bg_ref, wnt_ref,
              bn_ref, wjt_ref, node_ref, proj_ref, ed_ref):
    hg = jnp.maximum(_mm(x2_ref[...], wgt_ref[...]) + bg_ref[...], 0.0)
    cat = jnp.concatenate([hg, jnp.maximum(hcat_ref[...], 0.0)], axis=1)
    nd = jnp.maximum(_mm(cat, wnt_ref[...]) + bn_ref[...], 0.0)
    node_ref[...] = nd
    proj_ref[...] = _mm(nd, wjt_ref[...])
    ed_ref[...] = e0_ref[...] + e1_ref[...]


def _enc(x2, hcat, e0, e1, wgt, bg, wnt, bn, wjt):
    return pl.pallas_call(
        _enc_body,
        grid=(NB,),
        in_specs=[
            pl.BlockSpec((BLK, 32), lambda i: (i, 0)),
            pl.BlockSpec((BLK, D), lambda i: (i, 0)),
            pl.BlockSpec((BLK, D), lambda i: (i, 0)),
            pl.BlockSpec((BLK, D), lambda i: (i, 0)),
            pl.BlockSpec((32, D), lambda i: (0, 0)),
            pl.BlockSpec((1, D), lambda i: (0, 0)),
            pl.BlockSpec((2 * D, D), lambda i: (0, 0)),
            pl.BlockSpec((1, D), lambda i: (0, 0)),
            pl.BlockSpec((D, D), lambda i: (0, 0)),
        ],
        out_specs=[
            pl.BlockSpec((BLK, D), lambda i: (i, 0)),
            pl.BlockSpec((BLK, D), lambda i: (i, 0)),
            pl.BlockSpec((BLK, D), lambda i: (i, 0)),
        ],
        out_shape=[
            jax.ShapeDtypeStruct((N, D), jnp.float32),
            jax.ShapeDtypeStruct((N, D), jnp.float32),
            jax.ShapeDtypeStruct((N, D), jnp.float32),
        ])(x2, hcat, e0, e1, wgt, bg, wnt, bn, wjt)


def _post_body(node_ref, s0_ref, s1_ref, ed_ref, wit_ref, bm_ref, we2t_ref,
               wiht_ref, bih_ref, whht_ref, bhh_ref, h_ref, stats_ref):
    nd = node_ref[...]
    deg = ed_ref[:, ED:ED + 1]
    aggr = (deg * (_mm(nd, wit_ref[...]) + bm_ref[...])
            + s0_ref[...] + s1_ref[...]
            + _mm(ed_ref[:, 0:ED], we2t_ref[...]))
    gi = _mm(aggr, wiht_ref[...]) + bih_ref[...]
    gh = _mm(nd, whht_ref[...]) + bhh_ref[...]
    r = jax.nn.sigmoid(gi[:, 0:D] + gh[:, 0:D])
    z = jax.nn.sigmoid(gi[:, D:2 * D] + gh[:, D:2 * D])
    n = jnp.tanh(gi[:, 2 * D:] + r * gh[:, 2 * D:])
    h = (1.0 - z) * n + z * nd
    h_ref[...] = h
    hs = jnp.sum(h, axis=0)
    h2s = jnp.sum(h * h, axis=0)
    upd = jnp.concatenate(
        [hs[None, :], h2s[None, :], jnp.zeros((6, D), jnp.float32)], axis=0)

    @pl.when(pl.program_id(0) == 0)
    def _():
        stats_ref[...] = jnp.zeros((8, D), jnp.float32)

    stats_ref[...] += upd


def _post(node, s0, s1, ed, wit, bm, we2t, wiht, bih, whht, bhh):
    return pl.pallas_call(
        _post_body,
        grid=(NB,),
        in_specs=[
            pl.BlockSpec((BLK, D), lambda i: (i, 0)),
            pl.BlockSpec((BLK, D), lambda i: (i, 0)),
            pl.BlockSpec((BLK, D), lambda i: (i, 0)),
            pl.BlockSpec((BLK, D), lambda i: (i, 0)),
            pl.BlockSpec((D, D), lambda i: (0, 0)),
            pl.BlockSpec((1, D), lambda i: (0, 0)),
            pl.BlockSpec((ED, D), lambda i: (0, 0)),
            pl.BlockSpec((D, 3 * D), lambda i: (0, 0)),
            pl.BlockSpec((1, 3 * D), lambda i: (0, 0)),
            pl.BlockSpec((D, 3 * D), lambda i: (0, 0)),
            pl.BlockSpec((1, 3 * D), lambda i: (0, 0)),
        ],
        out_specs=[
            pl.BlockSpec((BLK, D), lambda i: (i, 0)),
            pl.BlockSpec((8, D), lambda i: (0, 0)),
        ],
        out_shape=[
            jax.ShapeDtypeStruct((N, D), jnp.float32),
            jax.ShapeDtypeStruct((8, D), jnp.float32),
        ])(node, s0, s1, ed, wit, bm, we2t, wiht, bih, whht, bhh)


def _norm_common(h_ref, stats_ref, gamma_ref, beta_ref):
    mean = stats_ref[0:1, :] * (1.0 / N)
    ex2 = stats_ref[1:2, :] * (1.0 / N)
    var = ex2 - mean * mean
    return ((h_ref[...] - mean) * lax.rsqrt(var + 1e-5)
            * gamma_ref[...] + beta_ref[...])


def _norm_proj_body(h_ref, stats_ref, gamma_ref, beta_ref, wjt_ref,
                    node_ref, proj_ref):
    nd = _norm_common(h_ref, stats_ref, gamma_ref, beta_ref)
    node_ref[...] = nd
    proj_ref[...] = _mm(nd, wjt_ref[...])


def _norm_proj(h, stats, gamma, beta, wjt):
    return pl.pallas_call(
        _norm_proj_body,
        grid=(NB,),
        in_specs=[
            pl.BlockSpec((BLK, D), lambda i: (i, 0)),
            pl.BlockSpec((8, D), lambda i: (0, 0)),
            pl.BlockSpec((1, D), lambda i: (0, 0)),
            pl.BlockSpec((1, D), lambda i: (0, 0)),
            pl.BlockSpec((D, D), lambda i: (0, 0)),
        ],
        out_specs=[
            pl.BlockSpec((BLK, D), lambda i: (i, 0)),
            pl.BlockSpec((BLK, D), lambda i: (i, 0)),
        ],
        out_shape=[
            jax.ShapeDtypeStruct((N, D), jnp.float32),
            jax.ShapeDtypeStruct((N, D), jnp.float32),
        ])(h, stats, gamma, beta, wjt)


def _norm_last_body(h_ref, stats_ref, gamma_ref, beta_ref, node_ref):
    node_ref[...] = _norm_common(h_ref, stats_ref, gamma_ref, beta_ref)


def _norm_last(h, stats, gamma, beta):
    return pl.pallas_call(
        _norm_last_body,
        grid=(NB,),
        in_specs=[
            pl.BlockSpec((BLK, D), lambda i: (i, 0)),
            pl.BlockSpec((8, D), lambda i: (0, 0)),
            pl.BlockSpec((1, D), lambda i: (0, 0)),
            pl.BlockSpec((1, D), lambda i: (0, 0)),
        ],
        out_specs=pl.BlockSpec((BLK, D), lambda i: (i, 0)),
        out_shape=jax.ShapeDtypeStruct((N, D), jnp.float32))(
            h, stats, gamma, beta)


def _agg_body(node_ref, batch_ref, wlt_ref, bl_ref, wg2t_ref, bg2_ref,
              wft_ref, bf_ref, acc_ref, graph_ref):
    nd = node_ref[...]
    st = _mm(nd, wlt_ref[...]) + bl_ref[...]
    gz = _mm(nd, wg2t_ref[...]) + bg2_ref[...]
    m = jnp.max(gz, axis=1, keepdims=True)
    e = jnp.exp(gz - m)
    prob = e / jnp.sum(e, axis=1, keepdims=True)
    s = st * prob
    bt = batch_ref[0, 0, :]
    oh = (lax.broadcasted_iota(jnp.int32, (G, BLK), 0)
          == bt[None, :]).astype(jnp.float32)
    ones_col = (lax.broadcasted_iota(jnp.int32, (BLK, D), 1)
                == 0).astype(jnp.float32)
    sext = jnp.concatenate([s, ones_col], axis=1)
    upd = _mm(oh, sext)

    @pl.when(pl.program_id(0) == 0)
    def _():
        acc_ref[...] = jnp.zeros((G, 2 * D), jnp.float32)

    acc_ref[...] += upd

    @pl.when(pl.program_id(0) == NB - 1)
    def _():
        acc = acc_ref[...]
        summed = acc[:, 0:D]
        cnt = jnp.maximum(acc[:, D:D + 1], 1.0)
        graph_ref[...] = _mm(summed / cnt, wft_ref[...]) + bf_ref[...]


def _agg(node, batch3, wlt, bl, wg2t, bg2, wft, bf):
    return pl.pallas_call(
        _agg_body,
        grid=(NB,),
        in_specs=[
            pl.BlockSpec((BLK, D), lambda i: (i, 0)),
            pl.BlockSpec((1, 1, BLK), lambda i: (i, 0, 0)),
            pl.BlockSpec((D, D), lambda i: (0, 0)),
            pl.BlockSpec((1, D), lambda i: (0, 0)),
            pl.BlockSpec((D, D), lambda i: (0, 0)),
            pl.BlockSpec((1, D), lambda i: (0, 0)),
            pl.BlockSpec((D, D), lambda i: (0, 0)),
            pl.BlockSpec((1, D), lambda i: (0, 0)),
        ],
        out_specs=[
            pl.BlockSpec((G, 2 * D), lambda i: (0, 0)),
            pl.BlockSpec((G, D), lambda i: (0, 0)),
        ],
        out_shape=[
            jax.ShapeDtypeStruct((G, 2 * D), jnp.float32),
            jax.ShapeDtypeStruct((G, D), jnp.float32),
        ])(node, batch3, wlt, bl, wg2t, bg2, wft, bf)



def kernel(edge_index, x1, x2, edge_feats, batch, params):
    p = params
    src = edge_index[0]
    dst = edge_index[1]

    def padcore(a, padval):
        halves = []
        for ci in range(NC):
            h = a[ci * EPC:(ci + 1) * EPC]
            pad = jnp.full((EPC_PAD - EPC,) + a.shape[1:], padval, a.dtype)
            halves.append(jnp.concatenate([h, pad], axis=0))
        return jnp.stack(halves)

    srcp = padcore(src, 0).reshape(NC, NS, CPW, CH)
    dstp = padcore(dst, N)
    dstp4 = dstp.reshape(NC, NS, CPW, CH)
    efp = padcore(edge_feats, 0.0)
    x1p = jnp.concatenate(
        [x1[:, 0], jnp.zeros((NPAD - N,), jnp.int32)])
    batch3 = batch.reshape(NB, 1, BLK)

    wnt = p["node"]["w"].T
    wgt = p["geom"]["w"].T
    bg = p["geom"]["b"].reshape(1, D)
    bn = p["node"]["b"].reshape(1, D)
    wet = p["edge"]["w"].T
    be = p["edge"]["b"].reshape(1, ED)

    lw = []
    for lp in p["layers"]:
        wm = lp["msg"]["w"]
        lw.append(dict(
            wit=wm[:, 0:D].T,
            wjt=wm[:, D:2 * D].T,
            we2t=wm[:, 2 * D:].T,
            bm=lp["msg"]["b"].reshape(1, D),
            wiht=lp["W_ih"].T,
            bih=lp["b_ih"].reshape(1, 3 * D),
            whht=lp["W_hh"].T,
            bhh=lp["b_hh"].reshape(1, 3 * D),
            gamma=lp["gamma"].reshape(1, D),
            beta=lp["beta"].reshape(1, D),
        ))

    eatt_aug = _eatt(efp.reshape(NC * EPC_PAD, ED), wet, be)
    eagg_p, hcat = _sc_pre(
        eatt_aug.reshape(NC, EPC_PAD, D), dstp4, p["W_cat"], x1p)

    node, proj, ed = _enc(
        x2, hcat[:N], eagg_p[0], eagg_p[1],
        wgt, bg, wnt, bn, lw[0]["wjt"])

    for li, w in enumerate(lw):
        sp = _sc_spmv(proj, srcp, dstp4)
        h, stats = _post(node, sp[0], sp[1], ed, w["wit"], w["bm"],
                         w["we2t"], w["wiht"], w["bih"], w["whht"], w["bhh"])
        if li + 1 < len(lw):
            node, proj = _norm_proj(h, stats, w["gamma"], w["beta"],
                                    lw[li + 1]["wjt"])
        else:
            node = _norm_last(h, stats, w["gamma"], w["beta"])

    _, graph = _agg(node, batch3,
                    p["agg_lin"]["w"].T, p["agg_lin"]["b"].reshape(1, D),
                    p["agg_gate"]["w"].T, p["agg_gate"]["b"].reshape(1, D),
                    p["agg_final"]["w"].T,
                    p["agg_final"]["b"].reshape(1, D))
    return (node, graph)

# --- scband reference (transcript-rebuilt; emitter-appended) ---
"""Pipeline reference for scband-graph-siamese-network-12412455485953 (READ-ONLY COPY).

The authoritative reference and input builder live on the scoring server;
editing this copy changes nothing except your own understanding.
"""

import jax, jax.numpy as jnp
import numpy as np

N = 10000
E = 320000
D = 128
ED = 16
GEOM = 32
IGEOM = 16
CATS = 512
G = 32
NUM_LAYERS = 2

def _lin(k, out_d, in_d):
    return {"w": jax.random.normal(k, (out_d, in_d), dtype=jnp.float32) * 0.05,
            "b": jnp.full((out_d,), 0.01, dtype=jnp.float32)}

def setup_inputs(seed: int = 0):
    key = jax.random.key(seed)
    ks = jax.random.split(key, 32)
    edge_index = jax.random.randint(ks[0], (2, E), 0, N, dtype=jnp.int32)
    x1 = jax.random.randint(ks[1], (N, 1), 0, CATS, dtype=jnp.int32)
    x2 = jax.random.normal(ks[2], (N, GEOM), dtype=jnp.float32)
    edge_feats = jax.random.normal(ks[3], (E, IGEOM), dtype=jnp.float32)
    batch = jnp.sort(jax.random.randint(ks[4], (N,), 0, G, dtype=jnp.int32))
    layers = []
    for l in range(NUM_LAYERS):
        kk = jax.random.split(ks[10 + l], 4)
        layers.append({
            "msg": _lin(kk[0], D, 2 * D + ED),
            "W_ih": jax.random.normal(kk[1], (3 * D, D), dtype=jnp.float32) * 0.05,
            "b_ih": jnp.zeros((3 * D,), dtype=jnp.float32),
            "W_hh": jax.random.normal(kk[2], (3 * D, D), dtype=jnp.float32) * 0.05,
            "b_hh": jnp.zeros((3 * D,), dtype=jnp.float32),
            "gamma": jnp.ones((D,), dtype=jnp.float32),
            "beta": jnp.zeros((D,), dtype=jnp.float32),
        })
    params = {
        "W_cat": jax.random.normal(ks[5], (CATS, D), dtype=jnp.float32) * 0.05,
        "geom": _lin(ks[6], D, GEOM),
        "node": _lin(ks[7], D, 2 * D),
        "edge": _lin(ks[8], ED, IGEOM),
        "layers": layers,
        "agg_lin": _lin(ks[20], D, D),
        "agg_gate": _lin(ks[21], D, D),
        "agg_final": _lin(ks[22], D, D),
    }
    return {"edge_index": edge_index, "x1": x1, "x2": x2,
            "edge_feats": edge_feats, "batch": batch, "params": params}

def _forward(x2, edge_feats, params, edge_index, x1, batch):
    p = params
    # GraphEncoder (dropout in eval mode)
    h_cat = jnp.maximum(p["W_cat"][x1[:, 0]], 0.0)
    h_geom = jnp.maximum(x2 @ p["geom"]["w"].T + p["geom"]["b"], 0.0)
    node = jnp.maximum(jnp.concatenate([h_geom, h_cat], axis=-1) @ p["node"]["w"].T + p["node"]["b"], 0.0)
    eatt = jnp.maximum(edge_feats @ p["edge"]["w"].T + p["edge"]["b"], 0.0)
    src = edge_index[0]
    dst = edge_index[1]
    for lp in p["layers"]:
        # message: cat([x_i (dst), x_j (src), edge_attr]) -> Linear
        x_i = node[dst]
        x_j = node[src]
        m = jnp.concatenate([x_i, x_j, eatt], axis=1) @ lp["msg"]["w"].T + lp["msg"]["b"]
        # aggr='add' scatter at dst
        aggr = jax.ops.segment_sum(m, dst, num_segments=N)
        # single-step GRU update (input=aggr, hidden=original node)
        gi = aggr @ lp["W_ih"].T + lp["b_ih"]
        gh = node @ lp["W_hh"].T + lp["b_hh"]
        i_r, i_z, i_n = jnp.split(gi, 3, axis=1)
        h_r, h_z, h_n = jnp.split(gh, 3, axis=1)
        r = jax.nn.sigmoid(i_r + h_r)
        z = jax.nn.sigmoid(i_z + h_z)
        n = jnp.tanh(i_n + r * h_n)
        h = (1.0 - z) * n + z * node
        # BatchNorm over nodes (training-mode batch statistics)
        mean = jnp.mean(h, axis=0)
        var = jnp.var(h, axis=0)
        node = (h - mean) / jnp.sqrt(var + 1e-5) * lp["gamma"] + lp["beta"]
    # GraphAggregator
    states = node @ p["agg_lin"]["w"].T + p["agg_lin"]["b"]
    gates = jax.nn.softmax(node @ p["agg_gate"]["w"].T + p["agg_gate"]["b"], axis=1)
    s = states * gates
    summed = jax.ops.segment_sum(s, batch, num_segments=G)
    cnt = jnp.maximum(jax.ops.segment_sum(jnp.ones((N,), dtype=jnp.float32), batch, num_segments=G), 1.0)
    gmean = summed / cnt[:, None]
    graph = gmean @ p["agg_final"]["w"].T + p["agg_final"]["b"]
    return (node, graph)

def reference(edge_index, x1, x2, edge_feats, batch, params):
    return _forward(x2, edge_feats, params, edge_index, x1, batch)

if __name__ == "__main__":
    import jax
    _d = setup_inputs()
    print(jax.jit(kernel)(*tuple(_d.values())))

</pallas_src>

<mosaic_0001>
#map = affine_map<(d0, d1) -> (0, 0)>
#map1 = affine_map<(d0, d1) -> (0, 0, 0, 0)>
#map2 = affine_map<(d0, d1) -> (0, 0, 0)>
module attributes {stable_mosaic.version = 14 : i64} {
  func.func @sc_spmv(%arg0: i32, %arg1: i32, %arg2: memref<10000x128xf32, #tpu.memory_space<hbm>>, %arg3: memref<2x16x80x128xi32, #tpu.memory_space<hbm>>, %arg4: memref<2x16x80x128xi32, #tpu.memory_space<hbm>>, %arg5: memref<2x10240x128xf32, #tpu.memory_space<hbm>>, %arg6: memref<2x128x128xf32, #tpu.memory_space<vmem>>, %arg7: memref<40x128xi32, #tpu.memory_space<vmem>>, %arg8: memref<40x128xi32, #tpu.memory_space<vmem>>, %arg9: memref<10240x128xf32, #tpu.memory_space<vmem_shared>>, %arg10: memref<!tpu.dma_semaphore, #tpu.memory_space<semaphore_mem>>, %arg11: memref<!tpu.dma_semaphore, #tpu.memory_space<semaphore_mem>>, %arg12: memref<!tpu.dma_semaphore, #tpu.memory_space<semaphore_mem>>, %arg13: memref<!tpu.dma_semaphore, #tpu.memory_space<semaphore_mem>>) attributes {dimension_semantics = [#tpu.dimension_semantics<core_parallel>, #tpu.dimension_semantics<subcore_parallel>], iteration_bounds = array<i64: 2, 16>, scalar_prefetch = 0 : i64, scratch_operands = 8 : i64, tpu.core_type = #tpu.core_type<sc_vector_subcore>, window_params = [{transform_indices = #map}, {transform_indices = #map1}, {transform_indices = #map1}, {transform_indices = #map2}]} {
    %scan3A = arith.constant 0 : i32
    %scan3A_0 = arith.constant 128 : i32
    %scan3A_1 = arith.addi %scan3A, %scan3A_0 : i32
    %scan3A_2 = arith.constant 1 : i32
    scf.for %scan3A_18 = %scan3A to %scan3A_1 step %scan3A_2  : i32 {
      %mul3A_19 = arith.constant 1 : i32
      %mul3A_20 = arith.muli %scan3A_18, %mul3A_19 : i32
      %add3A = arith.constant 0 : i32
      %add3A_21 = arith.addi %add3A, %mul3A_20 : i32
      %scan3A_22 = arith.constant 0 : i32
      %scan3A_23 = arith.constant 8 : i32
      %scan3A_24 = arith.addi %scan3A_22, %scan3A_23 : i32
      %scan3A_25 = arith.constant 1 : i32
      scf.for %scan3A_27 = %scan3A_22 to %scan3A_24 step %scan3A_25  : i32 {
        %mul3A_28 = arith.constant 1 : i32
        %mul3A_29 = arith.muli %scan3A_27, %mul3A_28 : i32
        %add3A_30 = arith.constant 0 : i32
        %add3A_31 = arith.addi %add3A_30, %mul3A_29 : i32
        %broadcast_in_dim3A = arith.constant 0.000000e+00 : f32
        %broadcast_in_dim3A_32 = vector.broadcast %broadcast_in_dim3A : f32 to vector<16xf32>
        %mul3A_33 = arith.constant 16 : i32
        %mul3A_34 = arith.muli %add3A_31, %mul3A_33 : i32
        %swap3A = arith.constant 0 : i32
        %swap3A_35 = arith.index_cast %swap3A : i32 to index
        %swap3A_36 = arith.index_cast %add3A_21 : i32 to index
        %swap3A_37 = arith.index_cast %mul3A_34 : i32 to index
        %swap3A_38 = tpu.vector_load %arg6[%swap3A_35, %swap3A_36, %swap3A_37] {strides = array<i32>} : memref<2x128x128xf32, #tpu.memory_space<vmem>>, vector<1x1x16xf32>,
        %swap3A_39 = vector.shape_cast %swap3A_38 : vector<1x1x16xf32> to vector<16xf32>
        %swap3A_40 = vector.shape_cast %broadcast_in_dim3A_32 : vector<16xf32> to vector<1x1x16xf32>
        tpu.vector_store %arg6[%swap3A_35, %swap3A_36, %swap3A_37], %swap3A_40 {strides = array<i32>} : memref<2x128x128xf32, #tpu.memory_space<vmem>>, vector<1x1x16xf32>,
      }
      %scan3A_26 = arith.constant 8 : i32
    }
    %scan3A_3 = arith.constant 128 : i32
    %scan3A_4 = arith.constant 0 : i32
    %scan3A_5 = arith.constant 5 : i32
    %scan3A_6 = arith.addi %scan3A_4, %scan3A_5 : i32
    %scan3A_7 = arith.constant 1 : i32
    scf.for %scan3A_18 = %scan3A_4 to %scan3A_6 step %scan3A_7  : i32 {
      %mul3A_19 = arith.constant 1 : i32
      %mul3A_20 = arith.muli %scan3A_18, %mul3A_19 : i32
      %add3A = arith.constant 0 : i32
      %add3A_21 = arith.addi %add3A, %mul3A_20 : i32
      %mul3A_22 = arith.constant 640 : i32
      %mul3A_23 = arith.muli %arg1, %mul3A_22 : i32
      %mul3A_24 = arith.constant 128 : i32
      %mul3A_25 = arith.muli %add3A_21, %mul3A_24 : i32
      %add3A_26 = arith.addi %mul3A_23, %mul3A_25 : i32
      %run_scoped3A = arith.constant 0 : i32
      "tpu.region"() ({
        %run_scoped3A_27 = tpu.sem_alloc : memref<!tpu.dma_semaphore, #tpu.memory_space<semaphore_mem>>
        %dma_start3A = arith.constant 0 : i32
        %dma_start3A_28 = arith.constant 0 : i32
        %dma_start3A_29 = tpu.memref_slice %arg6[%run_scoped3A, %dma_start3A, %dma_start3A_28] : memref<2x128x128xf32, #tpu.memory_space<vmem>> -> memref<1x128x128xf32, #tpu.memory_space<vmem>>
        %dma_start3A_30 = tpu.memref_squeeze %dma_start3A_29 : memref<1x128x128xf32, #tpu.memory_space<vmem>> -> memref<128x128xf32, #tpu.memory_space<vmem>>
        %dma_start3A_31 = arith.constant 0 : i32
        %dma_start3A_32 = tpu.memref_slice %arg9[%add3A_26, %dma_start3A_31] : memref<10240x128xf32, #tpu.memory_space<vmem_shared>> -> memref<128x128xf32, #tpu.memory_space<vmem_shared>>
        %dma_start3A_33 = arith.constant 0 : i32
        %dma_start3A_34 = tpu.memref_slice %arg9[%add3A_26, %dma_start3A_33] : memref<10240x128xf32, #tpu.memory_space<vmem_shared>> -> memref<128x128xf32, #tpu.memory_space<vmem_shared>>
        %dma_start3A_35 = arith.constant 0 : i32
        %dma_start3A_36 = arith.constant 0 : i32
        %dma_start3A_37 = tpu.memref_slice %arg6[%run_scoped3A, %dma_start3A_35, %dma_start3A_36] : memref<2x128x128xf32, #tpu.memory_space<vmem>> -> memref<1x128x128xf32, #tpu.memory_space<vmem>>
        %dma_start3A_38 = tpu.memref_squeeze %dma_start3A_37 : memref<1x128x128xf32, #tpu.memory_space<vmem>> -> memref<128x128xf32, #tpu.memory_space<vmem>>
        tpu.enqueue_dma source(%dma_start3A_38 : memref<128x128xf32, #tpu.memory_space<vmem>>) target(%dma_start3A_34 : memref<128x128xf32, #tpu.memory_space<vmem_shared>>) target_semaphore(%run_scoped3A_27 : memref<!tpu.dma_semaphore, #tpu.memory_space<semaphore_mem>>)
        %dma_wait3A = arith.constant 0 : i32
        %dma_wait3A_39 = arith.constant 0 : i32
        %dma_wait3A_40 = tpu.memref_slice %arg6[%run_scoped3A, %dma_wait3A, %dma_wait3A_39] : memref<2x128x128xf32, #tpu.memory_space<vmem>> -> memref<1x128x128xf32, #tpu.memory_space<vmem>>
        %dma_wait3A_41 = tpu.memref_squeeze %dma_wait3A_40 : memref<1x128x128xf32, #tpu.memory_space<vmem>> -> memref<128x128xf32, #tpu.memory_space<vmem>>
        %dma_wait3A_42 = arith.constant 0 : i32
        %dma_wait3A_43 = tpu.memref_slice %arg9[%add3A_26, %dma_wait3A_42] : memref<10240x128xf32, #tpu.memory_space<vmem_shared>> -> memref<128x128xf32, #tpu.memory_space<vmem_shared>>
        %dma_wait3A_44 = arith.constant 0 : i32
        %dma_wait3A_45 = tpu.memref_slice %arg9[%add3A_26, %dma_wait3A_44] : memref<10240x128xf32, #tpu.memory_space<vmem_shared>> -> memref<128x128xf32, #tpu.memory_space<vmem_shared>>
        %dma_wait3A_46 = arith.constant 0 : i32
        %dma_wait3A_47 = arith.constant 0 : i32
        %dma_wait3A_48 = tpu.memref_slice %arg6[%run_scoped3A, %dma_wait3A_46, %dma_wait3A_47] : memref<2x128x128xf32, #tpu.memory_space<vmem>> -> memref<1x128x128xf32, #tpu.memory_space<vmem>>
        %dma_wait3A_49 = tpu.memref_squeeze %dma_wait3A_48 : memref<1x128x128xf32, #tpu.memory_space<vmem>> -> memref<128x128xf32, #tpu.memory_space<vmem>>
        tpu.wait_dma2 semaphore(%run_scoped3A_27 : memref<!tpu.dma_semaphore, #tpu.memory_space<semaphore_mem>>) src(%dma_wait3A_49 : memref<128x128xf32, #tpu.memory_space<vmem>>) dst(%dma_wait3A_45 : memref<128x128xf32, #tpu.memory_space<vmem_shared>>)
        tpu.yield
      }) : () -> ()
    }
    %scan3A_8 = arith.constant 5 : i32
    %barrier3A = arith.constant 0 : index
    tpu.barrier barrier_id(%barrier3A)
    %scan3A_9 = arith.constant 0 : i32
    %scan3A_10 = arith.constant 2 : i32
    %scan3A_11 = arith.addi %scan3A_9, %scan3A_10 : i32
    %scan3A_12 = arith.constant 1 : i32
    scf.for %scan3A_18 = %scan3A_9 to %scan3A_11 step %scan3A_12  : i32 {
      %mul3A_19 = arith.constant 1 : i32
      %mul3A_20 = arith.muli %scan3A_18, %mul3A_19 : i32
      %add3A = arith.constant 0 : i32
      %add3A_21 = arith.addi %add3A, %mul3A_20 : i32
      %mul3A_22 = arith.constant 40 : i32
      %mul3A_23 = arith.muli %add3A_21, %mul3A_22 : i32
      "tpu.region"() ({
        %run_scoped3A = tpu.sem_alloc : memref<!tpu.dma_semaphore, #tpu.memory_space<semaphore_mem>>
        %dma_start3A_77 = arith.constant 0 : i32
        %dma_start3A_78 = arith.constant 0 : i32
        %dma_start3A_79 = arith.constant 0 : i32
        %dma_start3A_80 = tpu.memref_slice %arg3[%arg0, %dma_start3A_77, %dma_start3A_78, %dma_start3A_79] : memref<2x16x80x128xi32, #tpu.memory_space<hbm>> -> memref<1x16x80x128xi32, #tpu.memory_space<hbm>>
        %dma_start3A_81 = tpu.memref_squeeze %dma_start3A_80 : memref<1x16x80x128xi32, #tpu.memory_space<hbm>> -> memref<16x80x128xi32, #tpu.memory_space<hbm>>
        %dma_start3A_82 = arith.constant 0 : i32
        %dma_start3A_83 = arith.constant 0 : i32
        %dma_start3A_84 = tpu.memref_slice %dma_start3A_81[%arg1, %dma_start3A_82, %dma_start3A_83] : memref<16x80x128xi32, #tpu.memory_space<hbm>> -> memref<1x80x128xi32, #tpu.memory_space<hbm>>
        %dma_start3A_85 = tpu.memref_squeeze %dma_start3A_84 : memref<1x80x128xi32, #tpu.memory_space<hbm>> -> memref<80x128xi32, #tpu.memory_space<hbm>>
        %dma_start3A_86 = arith.constant 0 : i32
        %dma_start3A_87 = tpu.memref_slice %dma_start3A_85[%mul3A_23, %dma_start3A_86] : memref<80x128xi32, #tpu.memory_space<hbm>> -> memref<40x128xi32, #tpu.memory_space<hbm>>
        %dma_start3A_88 = arith.constant 0 : i32
        %dma_start3A_89 = arith.constant 0 : i32
        %dma_start3A_90 = arith.constant 0 : i32
        %dma_start3A_91 = tpu.memref_slice %arg3[%arg0, %dma_start3A_88, %dma_start3A_89, %dma_start3A_90] : memref<2x16x80x128xi32, #tpu.memory_space<hbm>> -> memref<1x16x80x128xi32, #tpu.memory_space<hbm>>
        %dma_start3A_92 = tpu.memref_squeeze %dma_start3A_91 : memref<1x16x80x128xi32, #tpu.memory_space<hbm>> -> memref<16x80x128xi32, #tpu.memory_space<hbm>>
        %dma_start3A_93 = arith.constant 0 : i32
        %dma_start3A_94 = arith.constant 0 : i32
        %dma_start3A_95 = tpu.memref_slice %dma_start3A_92[%arg1, %dma_start3A_93, %dma_start3A_94] : memref<16x80x128xi32, #tpu.memory_space<hbm>> -> memref<1x80x128xi32, #tpu.memory_space<hbm>>
        %dma_start3A_96 = tpu.memref_squeeze %dma_start3A_95 : memref<1x80x128xi32, #tpu.memory_space<hbm>> -> memref<80x128xi32, #tpu.memory_space<hbm>>
        %dma_start3A_97 = arith.constant 0 : i32
        %dma_start3A_98 = tpu.memref_slice %dma_start3A_96[%mul3A_23, %dma_start3A_97] : memref<80x128xi32, #tpu.memory_space<hbm>> -> memref<40x128xi32, #tpu.memory_space<hbm>>
        tpu.enqueue_dma source(%dma_start3A_98 : memref<40x128xi32, #tpu.memory_space<hbm>>) target(%arg7 : memref<40x128xi32, #tpu.memory_space<vmem>>) target_semaphore(%run_scoped3A : memref<!tpu.dma_semaphore, #tpu.memory_space<semaphore_mem>>)
        %dma_wait3A_99 = arith.constant 0 : i32
        %dma_wait3A_100 = arith.constant 0 : i32
        %dma_wait3A_101 = arith.constant 0 : i32
        %dma_wait3A_102 = tpu.memref_slice %arg3[%arg0, %dma_wait3A_99, %dma_wait3A_100, %dma_wait3A_101] : memref<2x16x80x128xi32, #tpu.memory_space<hbm>> -> memref<1x16x80x128xi32, #tpu.memory_space<hbm>>
        %dma_wait3A_103 = tpu.memref_squeeze %dma_wait3A_102 : memref<1x16x80x128xi32, #tpu.memory_space<hbm>> -> memref<16x80x128xi32, #tpu.memory_space<hbm>>
        %dma_wait3A_104 = arith.constant 0 : i32
        %dma_wait3A_105 = arith.constant 0 : i32
        %dma_wait3A_106 = tpu.memref_slice %dma_wait3A_103[%arg1, %dma_wait3A_104, %dma_wait3A_105] : memref<16x80x128xi32, #tpu.memory_space<hbm>> -> memref<1x80x128xi32, #tpu.memory_space<hbm>>
        %dma_wait3A_107 = tpu.memref_squeeze %dma_wait3A_106 : memref<1x80x128xi32, #tpu.memory_space<hbm>> -> memref<80x128xi32, #tpu.memory_space<hbm>>
        %dma_wait3A_108 = arith.constant 0 : i32
        %dma_wait3A_109 = tpu.memref_slice %dma_wait3A_107[%mul3A_23, %dma_wait3A_108] : memref<80x128xi32, #tpu.memory_space<hbm>> -> memref<40x128xi32, #tpu.memory_space<hbm>>
        %dma_wait3A_110 = arith.constant 0 : i32
        %dma_wait3A_111 = arith.constant 0 : i32
        %dma_wait3A_112 = arith.constant 0 : i32
        %dma_wait3A_113 = tpu.memref_slice %arg3[%arg0, %dma_wait3A_110, %dma_wait3A_111, %dma_wait3A_112] : memref<2x16x80x128xi32, #tpu.memory_space<hbm>> -> memref<1x16x80x128xi32, #tpu.memory_space<hbm>>
        %dma_wait3A_114 = tpu.memref_squeeze %dma_wait3A_113 : memref<1x16x80x128xi32, #tpu.memory_space<hbm>> -> memref<16x80x128xi32, #tpu.memory_space<hbm>>
        %dma_wait3A_115 = arith.constant 0 : i32
        %dma_wait3A_116 = arith.constant 0 : i32
        %dma_wait3A_117 = tpu.memref_slice %dma_wait3A_114[%arg1, %dma_wait3A_115, %dma_wait3A_116] : memref<16x80x128xi32, #tpu.memory_space<hbm>> -> memref<1x80x128xi32, #tpu.memory_space<hbm>>
        %dma_wait3A_118 = tpu.memref_squeeze %dma_wait3A_117 : memref<1x80x128xi32, #tpu.memory_space<hbm>> -> memref<80x128xi32, #tpu.memory_space<hbm>>
        %dma_wait3A_119 = arith.constant 0 : i32
        %dma_wait3A_120 = tpu.memref_slice %dma_wait3A_118[%mul3A_23, %dma_wait3A_119] : memref<80x128xi32, #tpu.memory_space<hbm>> -> memref<40x128xi32, #tpu.memory_space<hbm>>
        tpu.wait_dma2 semaphore(%run_scoped3A : memref<!tpu.dma_semaphore, #tpu.memory_space<semaphore_mem>>) src(%dma_wait3A_120 : memref<40x128xi32, #tpu.memory_space<hbm>>) dst(%arg7 : memref<40x128xi32, #tpu.memory_space<vmem>>)
        tpu.yield
      }) : () -> ()
      %mul3A_24 = arith.constant 40 : i32
      %mul3A_25 = arith.muli %add3A_21, %mul3A_24 : i32
      "tpu.region"() ({
        %run_scoped3A = tpu.sem_alloc : memref<!tpu.dma_semaphore, #tpu.memory_space<semaphore_mem>>
        %dma_start3A_77 = arith.constant 0 : i32
        %dma_start3A_78 = arith.constant 0 : i32
        %dma_start3A_79 = arith.constant 0 : i32
        %dma_start3A_80 = tpu.memref_slice %arg4[%arg0, %dma_start3A_77, %dma_start3A_78, %dma_start3A_79] : memref<2x16x80x128xi32, #tpu.memory_space<hbm>> -> memref<1x16x80x128xi32, #tpu.memory_space<hbm>>
        %dma_start3A_81 = tpu.memref_squeeze %dma_start3A_80 : memref<1x16x80x128xi32, #tpu.memory_space<hbm>> -> memref<16x80x128xi32, #tpu.memory_space<hbm>>
        %dma_start3A_82 = arith.constant 0 : i32
        %dma_start3A_83 = arith.constant 0 : i32
        %dma_start3A_84 = tpu.memref_slice %dma_start3A_81[%arg1, %dma_start3A_82, %dma_start3A_83] : memref<16x80x128xi32, #tpu.memory_space<hbm>> -> memref<1x80x128xi32, #tpu.memory_space<hbm>>
        %dma_start3A_85 = tpu.memref_squeeze %dma_start3A_84 : memref<1x80x128xi32, #tpu.memory_space<hbm>> -> memref<80x128xi32, #tpu.memory_space<hbm>>
        %dma_start3A_86 = arith.constant 0 : i32
        %dma_start3A_87 = tpu.memref_slice %dma_start3A_85[%mul3A_25, %dma_start3A_86] : memref<80x128xi32, #tpu.memory_space<hbm>> -> memref<40x128xi32, #tpu.memory_space<hbm>>
        %dma_start3A_88 = arith.constant 0 : i32
        %dma_start3A_89 = arith.constant 0 : i32
        %dma_start3A_90 = arith.constant 0 : i32
        %dma_start3A_91 = tpu.memref_slice %arg4[%arg0, %dma_start3A_88, %dma_start3A_89, %dma_start3A_90] : memref<2x16x80x128xi32, #tpu.memory_space<hbm>> -> memref<1x16x80x128xi32, #tpu.memory_space<hbm>>
        %dma_start3A_92 = tpu.memref_squeeze %dma_start3A_91 : memref<1x16x80x128xi32, #tpu.memory_space<hbm>> -> memref<16x80x128xi32, #tpu.memory_space<hbm>>
        %dma_start3A_93 = arith.constant 0 : i32
        %dma_start3A_94 = arith.constant 0 : i32
        %dma_start3A_95 = tpu.memref_slice %dma_start3A_92[%arg1, %dma_start3A_93, %dma_start3A_94] : memref<16x80x128xi32, #tpu.memory_space<hbm>> -> memref<1x80x128xi32, #tpu.memory_space<hbm>>
        %dma_start3A_96 = tpu.memref_squeeze %dma_start3A_95 : memref<1x80x128xi32, #tpu.memory_space<hbm>> -> memref<80x128xi32, #tpu.memory_space<hbm>>
        %dma_start3A_97 = arith.constant 0 : i32
        %dma_start3A_98 = tpu.memref_slice %dma_start3A_96[%mul3A_25, %dma_start3A_97] : memref<80x128xi32, #tpu.memory_space<hbm>> -> memref<40x128xi32, #tpu.memory_space<hbm>>
        tpu.enqueue_dma source(%dma_start3A_98 : memref<40x128xi32, #tpu.memory_space<hbm>>) target(%arg8 : memref<40x128xi32, #tpu.memory_space<vmem>>) target_semaphore(%run_scoped3A : memref<!tpu.dma_semaphore, #tpu.memory_space<semaphore_mem>>)
        %dma_wait3A_99 = arith.constant 0 : i32
        %dma_wait3A_100 = arith.constant 0 : i32
        %dma_wait3A_101 = arith.constant 0 : i32
        %dma_wait3A_102 = tpu.memref_slice %arg4[%arg0, %dma_wait3A_99, %dma_wait3A_100, %dma_wait3A_101] : memref<2x16x80x128xi32, #tpu.memory_space<hbm>> -> memref<1x16x80x128xi32, #tpu.memory_space<hbm>>
        %dma_wait3A_103 = tpu.memref_squeeze %dma_wait3A_102 : memref<1x16x80x128xi32, #tpu.memory_space<hbm>> -> memref<16x80x128xi32, #tpu.memory_space<hbm>>
        %dma_wait3A_104 = arith.constant 0 : i32
        %dma_wait3A_105 = arith.constant 0 : i32
        %dma_wait3A_106 = tpu.memref_slice %dma_wait3A_103[%arg1, %dma_wait3A_104, %dma_wait3A_105] : memref<16x80x128xi32, #tpu.memory_space<hbm>> -> memref<1x80x128xi32, #tpu.memory_space<hbm>>
        %dma_wait3A_107 = tpu.memref_squeeze %dma_wait3A_106 : memref<1x80x128xi32, #tpu.memory_space<hbm>> -> memref<80x128xi32, #tpu.memory_space<hbm>>
        %dma_wait3A_108 = arith.constant 0 : i32
        %dma_wait3A_109 = tpu.memref_slice %dma_wait3A_107[%mul3A_25, %dma_wait3A_108] : memref<80x128xi32, #tpu.memory_space<hbm>> -> memref<40x128xi32, #tpu.memory_space<hbm>>
        %dma_wait3A_110 = arith.constant 0 : i32
        %dma_wait3A_111 = arith.constant 0 : i32
        %dma_wait3A_112 = arith.constant 0 : i32
        %dma_wait3A_113 = tpu.memref_slice %arg4[%arg0, %dma_wait3A_110, %dma_wait3A_111, %dma_wait3A_112] : memref<2x16x80x128xi32, #tpu.memory_space<hbm>> -> memref<1x16x80x128xi32, #tpu.memory_space<hbm>>
        %dma_wait3A_114 = tpu.memref_squeeze %dma_wait3A_113 : memref<1x16x80x128xi32, #tpu.memory_space<hbm>> -> memref<16x80x128xi32, #tpu.memory_space<hbm>>
        %dma_wait3A_115 = arith.constant 0 : i32
        %dma_wait3A_116 = arith.constant 0 : i32
        %dma_wait3A_117 = tpu.memref_slice %dma_wait3A_114[%arg1, %dma_wait3A_115, %dma_wait3A_116] : memref<16x80x128xi32, #tpu.memory_space<hbm>> -> memref<1x80x128xi32, #tpu.memory_space<hbm>>
        %dma_wait3A_118 = tpu.memref_squeeze %dma_wait3A_117 : memref<1x80x128xi32, #tpu.memory_space<hbm>> -> memref<80x128xi32, #tpu.memory_space<hbm>>
        %dma_wait3A_119 = arith.constant 0 : i32
        %dma_wait3A_120 = tpu.memref_slice %dma_wait3A_118[%mul3A_25, %dma_wait3A_119] : memref<80x128xi32, #tpu.memory_space<hbm>> -> memref<40x128xi32, #tpu.memory_space<hbm>>
        tpu.wait_dma2 semaphore(%run_scoped3A : memref<!tpu.dma_semaphore, #tpu.memory_space<semaphore_mem>>) src(%dma_wait3A_120 : memref<40x128xi32, #tpu.memory_space<hbm>>) dst(%arg8 : memref<40x128xi32, #tpu.memory_space<vmem>>)
        tpu.yield
      }) : () -> ()
      %dma_start3A = arith.constant 0 : i32
      %dma_start3A_26 = arith.constant 0 : i32
      %dma_start3A_27 = arith.constant 0 : i32
      %dma_start3A_28 = arith.constant 0 : i32
      %dma_start3A_29 = tpu.memref_slice %arg6[%dma_start3A_26, %dma_start3A_27, %dma_start3A_28] : memref<2x128x128xf32, #tpu.memory_space<vmem>> -> memref<1x128x128xf32, #tpu.memory_space<vmem>>
      %dma_start3A_30 = tpu.memref_squeeze %dma_start3A_29 : memref<1x128x128xf32, #tpu.memory_space<vmem>> -> memref<128x128xf32, #tpu.memory_space<vmem>>
      %dma_start3A_31 = arith.constant 0 : i32
      %dma_start3A_32 = tpu.memref_slice %arg7[%dma_start3A, %dma_start3A_31] : memref<40x128xi32, #tpu.memory_space<vmem>> -> memref<1x128xi32, #tpu.memory_space<vmem>>
      %dma_start3A_33 = tpu.memref_squeeze %dma_start3A_32 : memref<1x128xi32, #tpu.memory_space<vmem>> -> memref<128xi32, #tpu.memory_space<vmem>>
      %dma_start3A_34 = arith.constant 0 : i32
      %dma_start3A_35 = arith.constant 0 : i32
      %dma_start3A_36 = tpu.memref_slice %arg2[%dma_start3A_34, %dma_start3A_35] : memref<10000x128xf32, #tpu.memory_space<hbm>> -> memref<10000x128xf32, #tpu.memory_space<hbm>>
      tpu.enqueue_indirect_dma source(%dma_start3A_36 : memref<10000x128xf32, #tpu.memory_space<hbm>>) target(%dma_start3A_30 : memref<128x128xf32, #tpu.memory_space<vmem>>) offsets(%dma_start3A_33 : memref<128xi32, #tpu.memory_space<vmem>>) semaphore(%arg10 : memref<!tpu.dma_semaphore, #tpu.memory_space<semaphore_mem>>)
      %dma_start3A_37 = arith.constant 1 : i32
      %dma_start3A_38 = arith.constant 1 : i32
      %dma_start3A_39 = arith.constant 0 : i32
      %dma_start3A_40 = arith.constant 0 : i32
      %dma_start3A_41 = tpu.memref_slice %arg6[%dma_start3A_38, %dma_start3A_39, %dma_start3A_40] : memref<2x128x128xf32, #tpu.memory_space<vmem>> -> memref<1x128x128xf32, #tpu.memory_space<vmem>>
      %dma_start3A_42 = tpu.memref_squeeze %dma_start3A_41 : memref<1x128x128xf32, #tpu.memory_space<vmem>> -> memref<128x128xf32, #tpu.memory_space<vmem>>
      %dma_start3A_43 = arith.constant 0 : i32
      %dma_start3A_44 = tpu.memref_slice %arg7[%dma_start3A_37, %dma_start3A_43] : memref<40x128xi32, #tpu.memory_space<vmem>> -> memref<1x128xi32, #tpu.memory_space<vmem>>
      %dma_start3A_45 = tpu.memref_squeeze %dma_start3A_44 : memref<1x128xi32, #tpu.memory_space<vmem>> -> memref<128xi32, #tpu.memory_space<vmem>>
      %dma_start3A_46 = arith.constant 0 : i32
      %dma_start3A_47 = arith.constant 0 : i32
      %dma_start3A_48 = tpu.memref_slice %arg2[%dma_start3A_46, %dma_start3A_47] : memref<10000x128xf32, #tpu.memory_space<hbm>> -> memref<10000x128xf32, #tpu.memory_space<hbm>>
      tpu.enqueue_indirect_dma source(%dma_start3A_48 : memref<10000x128xf32, #tpu.memory_space<hbm>>) target(%dma_start3A_42 : memref<128x128xf32, #tpu.memory_space<vmem>>) offsets(%dma_start3A_45 : memref<128xi32, #tpu.memory_space<vmem>>) semaphore(%arg11 : memref<!tpu.dma_semaphore, #tpu.memory_space<semaphore_mem>>)
      %scan3A_49 = arith.constant 0 : i32
      %scan3A_50 = arith.constant 20 : i32
      %scan3A_51 = arith.addi %scan3A_49, %scan3A_50 : i32
      %scan3A_52 = arith.constant 1 : i32
      scf.for %scan3A_77 = %scan3A_49 to %scan3A_51 step %scan3A_52  : i32 {
        %mul3A_78 = arith.constant 1 : i32
        %mul3A_79 = arith.muli %scan3A_77, %mul3A_78 : i32
        %add3A_80 = arith.constant 0 : i32
        %add3A_81 = arith.addi %add3A_80, %mul3A_79 : i32
        %mul3A_82 = arith.constant 2 : i32
        %mul3A_83 = arith.muli %add3A_81, %mul3A_82 : i32
        %add3A_84 = arith.constant 0 : i32
        %add3A_85 = arith.addi %mul3A_83, %add3A_84 : i32
        %dma_wait3A_86 = arith.constant 0 : i32
        %dma_wait3A_87 = arith.constant 0 : i32
        %dma_wait3A_88 = arith.constant 0 : i32
        %dma_wait3A_89 = tpu.memref_slice %arg6[%dma_wait3A_86, %dma_wait3A_87, %dma_wait3A_88] : memref<2x128x128xf32, #tpu.memory_space<vmem>> -> memref<1x128x128xf32, #tpu.memory_space<vmem>>
        %dma_wait3A_90 = tpu.memref_squeeze %dma_wait3A_89 : memref<1x128x128xf32, #tpu.memory_space<vmem>> -> memref<128x128xf32, #tpu.memory_space<vmem>>
        %dma_wait3A_91 = arith.constant 0 : i32
        %dma_wait3A_92 = tpu.memref_slice %arg7[%add3A_85, %dma_wait3A_91] : memref<40x128xi32, #tpu.memory_space<vmem>> -> memref<1x128xi32, #tpu.memory_space<vmem>>
        %dma_wait3A_93 = tpu.memref_squeeze %dma_wait3A_92 : memref<1x128xi32, #tpu.memory_space<vmem>> -> memref<128xi32, #tpu.memory_space<vmem>>
        %dma_wait3A_94 = arith.constant 0 : i32
        %dma_wait3A_95 = arith.constant 0 : i32
        %dma_wait3A_96 = tpu.memref_slice %arg2[%dma_wait3A_94, %dma_wait3A_95] : memref<10000x128xf32, #tpu.memory_space<hbm>> -> memref<10000x128xf32, #tpu.memory_space<hbm>>
        tpu.wait_indirect_dma semaphore(%arg10 : memref<!tpu.dma_semaphore, #tpu.memory_space<semaphore_mem>>) src(%dma_wait3A_96 : memref<10000x128xf32, #tpu.memory_space<hbm>>) dst(%dma_wait3A_90 : memref<128x128xf32, #tpu.memory_space<vmem>>)
        %dma_start3A_97 = arith.constant 0 : i32
        %dma_start3A_98 = arith.constant 0 : i32
        %dma_start3A_99 = arith.constant 0 : i32
        %dma_start3A_100 = tpu.memref_slice %arg6[%dma_start3A_97, %dma_start3A_98, %dma_start3A_99] : memref<2x128x128xf32, #tpu.memory_space<vmem>> -> memref<1x128x128xf32, #tpu.memory_space<vmem>>
        %dma_start3A_101 = tpu.memref_squeeze %dma_start3A_100 : memref<1x128x128xf32, #tpu.memory_space<vmem>> -> memref<128x128xf32, #tpu.memory_space<vmem>>
        %dma_start3A_102 = arith.constant 0 : i32
        %dma_start3A_103 = tpu.memref_slice %arg8[%add3A_85, %dma_start3A_102] : memref<40x128xi32, #tpu.memory_space<vmem>> -> memref<1x128xi32, #tpu.memory_space<vmem>>
        %dma_start3A_104 = tpu.memref_squeeze %dma_start3A_103 : memref<1x128xi32, #tpu.memory_space<vmem>> -> memref<128xi32, #tpu.memory_space<vmem>>
        %dma_start3A_105 = arith.constant 0 : i32
        %dma_start3A_106 = arith.constant 0 : i32
        %dma_start3A_107 = tpu.memref_slice %arg9[%dma_start3A_105, %dma_start3A_106] : memref<10240x128xf32, #tpu.memory_space<vmem_shared>> -> memref<10240x128xf32, #tpu.memory_space<vmem_shared>>
        tpu.enqueue_indirect_dma source(%dma_start3A_101 : memref<128x128xf32, #tpu.memory_space<vmem>>) target(%dma_start3A_107 : memref<10240x128xf32, #tpu.memory_space<vmem_shared>>) offsets(%dma_start3A_104 : memref<128xi32, #tpu.memory_space<vmem>>) semaphore(%arg12 : memref<!tpu.dma_semaphore, #tpu.memory_space<semaphore_mem>>) {add = true}
        %mul3A_108 = arith.constant 2 : i32
        %mul3A_109 = arith.muli %add3A_81, %mul3A_108 : i32
        %add3A_110 = arith.constant 1 : i32
        %add3A_111 = arith.addi %mul3A_109, %add3A_110 : i32
        %dma_wait3A_112 = arith.constant 1 : i32
        %dma_wait3A_113 = arith.constant 0 : i32
        %dma_wait3A_114 = arith.constant 0 : i32
        %dma_wait3A_115 = tpu.memref_slice %arg6[%dma_wait3A_112, %dma_wait3A_113, %dma_wait3A_114] : memref<2x128x128xf32, #tpu.memory_space<vmem>> -> memref<1x128x128xf32, #tpu.memory_space<vmem>>
        %dma_wait3A_116 = tpu.memref_squeeze %dma_wait3A_115 : memref<1x128x128xf32, #tpu.memory_space<vmem>> -> memref<128x128xf32, #tpu.memory_space<vmem>>
        %dma_wait3A_117 = arith.constant 0 : i32
        %dma_wait3A_118 = tpu.memref_slice %arg7[%add3A_111, %dma_wait3A_117] : memref<40x128xi32, #tpu.memory_space<vmem>> -> memref<1x128xi32, #tpu.memory_space<vmem>>
        %dma_wait3A_119 = tpu.memref_squeeze %dma_wait3A_118 : memref<1x128xi32, #tpu.memory_space<vmem>> -> memref<128xi32, #tpu.memory_space<vmem>>
        %dma_wait3A_120 = arith.constant 0 : i32
        %dma_wait3A_121 = arith.constant 0 : i32
        %dma_wait3A_122 = tpu.memref_slice %arg2[%dma_wait3A_120, %dma_wait3A_121] : memref<10000x128xf32, #tpu.memory_space<hbm>> -> memref<10000x128xf32, #tpu.memory_space<hbm>>
        tpu.wait_indirect_dma semaphore(%arg11 : memref<!tpu.dma_semaphore, #tpu.memory_space<semaphore_mem>>) src(%dma_wait3A_122 : memref<10000x128xf32, #tpu.memory_space<hbm>>) dst(%dma_wait3A_116 : memref<128x128xf32, #tpu.memory_space<vmem>>)
        %dma_start3A_123 = arith.constant 1 : i32
        %dma_start3A_124 = arith.constant 0 : i32
        %dma_start3A_125 = arith.constant 0 : i32
        %dma_start3A_126 = tpu.memref_slice %arg6[%dma_start3A_123, %dma_start3A_124, %dma_start3A_125] : memref<2x128x128xf32, #tpu.memory_space<vmem>> -> memref<1x128x128xf32, #tpu.memory_space<vmem>>
        %dma_start3A_127 = tpu.memref_squeeze %dma_start3A_126 : memref<1x128x128xf32, #tpu.memory_space<vmem>> -> memref<128x128xf32, #tpu.memory_space<vmem>>
        %dma_start3A_128 = arith.constant 0 : i32
        %dma_start3A_129 = tpu.memref_slice %arg8[%add3A_111, %dma_start3A_128] : memref<40x128xi32, #tpu.memory_space<vmem>> -> memref<1x128xi32, #tpu.memory_space<vmem>>
        %dma_start3A_130 = tpu.memref_squeeze %dma_start3A_129 : memref<1x128xi32, #tpu.memory_space<vmem>> -> memref<128xi32, #tpu.memory_space<vmem>>
        %dma_start3A_131 = arith.constant 0 : i32
        %dma_start3A_132 = arith.constant 0 : i32
        %dma_start3A_133 = tpu.memref_slice %arg9[%dma_start3A_131, %dma_start3A_132] : memref<10240x128xf32, #tpu.memory_space<vmem_shared>> -> memref<10240x128xf32, #tpu.memory_space<vmem_shared>>
        tpu.enqueue_indirect_dma source(%dma_start3A_127 : memref<128x128xf32, #tpu.memory_space<vmem>>) target(%dma_start3A_133 : memref<10240x128xf32, #tpu.memory_space<vmem_shared>>) offsets(%dma_start3A_130 : memref<128xi32, #tpu.memory_space<vmem>>) semaphore(%arg13 : memref<!tpu.dma_semaphore, #tpu.memory_space<semaphore_mem>>) {add = true}
        %mul3A_134 = arith.constant 2 : i32
        %mul3A_135 = arith.muli %add3A_81, %mul3A_134 : i32
        %add3A_136 = arith.constant 0 : i32
        %add3A_137 = arith.addi %mul3A_135, %add3A_136 : i32
        %add3A_138 = arith.constant 2 : i32
        %add3A_139 = arith.addi %add3A_137, %add3A_138 : i32
        %lt3A = arith.constant 40 : i32
        %lt3A_140 = arith.cmpi slt, %add3A_139, %lt3A : i32
        %convert_element_type3A = arith.extui %lt3A_140 : i1 to i32
        %cond3A = arith.constant 0 : i32
        %cond3A_141 = arith.cmpi ne, %convert_element_type3A, %cond3A : i32
        scf.if %cond3A_141 {
          %dma_wait3A_153 = arith.constant 0 : i32
          %dma_wait3A_154 = arith.constant 0 : i32
          %dma_wait3A_155 = arith.constant 0 : i32
          %dma_wait3A_156 = tpu.memref_slice %arg6[%dma_wait3A_153, %dma_wait3A_154, %dma_wait3A_155] : memref<2x128x128xf32, #tpu.memory_space<vmem>> -> memref<1x128x128xf32, #tpu.memory_space<vmem>>
          %dma_wait3A_157 = tpu.memref_squeeze %dma_wait3A_156 : memref<1x128x128xf32, #tpu.memory_space<vmem>> -> memref<128x128xf32, #tpu.memory_space<vmem>>
          %dma_wait3A_158 = arith.constant 0 : i32
          %dma_wait3A_159 = tpu.memref_slice %arg8[%add3A_137, %dma_wait3A_158] : memref<40x128xi32, #tpu.memory_space<vmem>> -> memref<1x128xi32, #tpu.memory_space<vmem>>
          %dma_wait3A_160 = tpu.memref_squeeze %dma_wait3A_159 : memref<1x128xi32, #tpu.memory_space<vmem>> -> memref<128xi32, #tpu.memory_space<vmem>>
          %dma_wait3A_161 = arith.constant 0 : i32
          %dma_wait3A_162 = arith.constant 0 : i32
          %dma_wait3A_163 = tpu.memref_slice %arg9[%dma_wait3A_161, %dma_wait3A_162] : memref<10240x128xf32, #tpu.memory_space<vmem_shared>> -> memref<10240x128xf32, #tpu.memory_space<vmem_shared>>
          tpu.wait_indirect_dma semaphore(%arg12 : memref<!tpu.dma_semaphore, #tpu.memory_space<semaphore_mem>>) src(%dma_wait3A_157 : memref<128x128xf32, #tpu.memory_space<vmem>>) dst(%dma_wait3A_163 : memref<10240x128xf32, #tpu.memory_space<vmem_shared>>)
          %add3A_164 = arith.constant 2 : i32
          %add3A_165 = arith.addi %add3A_137, %add3A_164 : i32
          %dma_start3A_166 = arith.constant 0 : i32
          %dma_start3A_167 = arith.constant 0 : i32
          %dma_start3A_168 = arith.constant 0 : i32
          %dma_start3A_169 = tpu.memref_slice %arg6[%dma_start3A_166, %dma_start3A_167, %dma_start3A_168] : memref<2x128x128xf32, #tpu.memory_space<vmem>> -> memref<1x128x128xf32, #tpu.memory_space<vmem>>
          %dma_start3A_170 = tpu.memref_squeeze %dma_start3A_169 : memref<1x128x128xf32, #tpu.memory_space<vmem>> -> memref<128x128xf32, #tpu.memory_space<vmem>>
          %dma_start3A_171 = arith.constant 0 : i32
          %dma_start3A_172 = tpu.memref_slice %arg7[%add3A_165, %dma_start3A_171] : memref<40x128xi32, #tpu.memory_space<vmem>> -> memref<1x128xi32, #tpu.memory_space<vmem>>
          %dma_start3A_173 = tpu.memref_squeeze %dma_start3A_172 : memref<1x128xi32, #tpu.memory_space<vmem>> -> memref<128xi32, #tpu.memory_space<vmem>>
          %dma_start3A_174 = arith.constant 0 : i32
          %dma_start3A_175 = arith.constant 0 : i32
          %dma_start3A_176 = tpu.memref_slice %arg2[%dma_start3A_174, %dma_start3A_175] : memref<10000x128xf32, #tpu.memory_space<hbm>> -> memref<10000x128xf32, #tpu.memory_space<hbm>>
          tpu.enqueue_indirect_dma source(%dma_start3A_176 : memref<10000x128xf32, #tpu.memory_space<hbm>>) target(%dma_start3A_170 : memref<128x128xf32, #tpu.memory_space<vmem>>) offsets(%dma_start3A_173 : memref<128xi32, #tpu.memory_space<vmem>>) semaphore(%arg10 : memref<!tpu.dma_semaphore, #tpu.memory_space<semaphore_mem>>)
        } else {
        }
        %mul3A_142 = arith.constant 2 : i32
        %mul3A_143 = arith.muli %add3A_81, %mul3A_142 : i32
        %add3A_144 = arith.constant 1 : i32
        %add3A_145 = arith.addi %mul3A_143, %add3A_144 : i32
        %add3A_146 = arith.constant 2 : i32
        %add3A_147 = arith.addi %add3A_145, %add3A_146 : i32
        %lt3A_148 = arith.constant 40 : i32
        %lt3A_149 = arith.cmpi slt, %add3A_147, %lt3A_148 : i32
        %convert_element_type3A_150 = arith.extui %lt3A_149 : i1 to i32
        %cond3A_151 = arith.constant 0 : i32
        %cond3A_152 = arith.cmpi ne, %convert_element_type3A_150, %cond3A_151 : i32
        scf.if %cond3A_152 {
          %dma_wait3A_153 = arith.constant 1 : i32
          %dma_wait3A_154 = arith.constant 0 : i32
          %dma_wait3A_155 = arith.constant 0 : i32
          %dma_wait3A_156 = tpu.memref_slice %arg6[%dma_wait3A_153, %dma_wait3A_154, %dma_wait3A_155] : memref<2x128x128xf32, #tpu.memory_space<vmem>> -> memref<1x128x128xf32, #tpu.memory_space<vmem>>
          %dma_wait3A_157 = tpu.memref_squeeze %dma_wait3A_156 : memref<1x128x128xf32, #tpu.memory_space<vmem>> -> memref<128x128xf32, #tpu.memory_space<vmem>>
          %dma_wait3A_158 = arith.constant 0 : i32
          %dma_wait3A_159 = tpu.memref_slice %arg8[%add3A_145, %dma_wait3A_158] : memref<40x128xi32, #tpu.memory_space<vmem>> -> memref<1x128xi32, #tpu.memory_space<vmem>>
          %dma_wait3A_160 = tpu.memref_squeeze %dma_wait3A_159 : memref<1x128xi32, #tpu.memory_space<vmem>> -> memref<128xi32, #tpu.memory_space<vmem>>
          %dma_wait3A_161 = arith.constant 0 : i32
          %dma_wait3A_162 = arith.constant 0 : i32
          %dma_wait3A_163 = tpu.memref_slice %arg9[%dma_wait3A_161, %dma_wait3A_162] : memref<10240x128xf32, #tpu.memory_space<vmem_shared>> -> memref<10240x128xf32, #tpu.memory_space<vmem_shared>>
          tpu.wait_indirect_dma semaphore(%arg13 : memref<!tpu.dma_semaphore, #tpu.memory_space<semaphore_mem>>) src(%dma_wait3A_157 : memref<128x128xf32, #tpu.memory_space<vmem>>) dst(%dma_wait3A_163 : memref<10240x128xf32, #tpu.memory_space<vmem_shared>>)
          %add3A_164 = arith.constant 2 : i32
          %add3A_165 = arith.addi %add3A_145, %add3A_164 : i32
          %dma_start3A_166 = arith.constant 1 : i32
          %dma_start3A_167 = arith.constant 0 : i32
          %dma_start3A_168 = arith.constant 0 : i32
          %dma_start3A_169 = tpu.memref_slice %arg6[%dma_start3A_166, %dma_start3A_167, %dma_start3A_168] : memref<2x128x128xf32, #tpu.memory_space<vmem>> -> memref<1x128x128xf32, #tpu.memory_space<vmem>>
          %dma_start3A_170 = tpu.memref_squeeze %dma_start3A_169 : memref<1x128x128xf32, #tpu.memory_space<vmem>> -> memref<128x128xf32, #tpu.memory_space<vmem>>
          %dma_start3A_171 = arith.constant 0 : i32
          %dma_start3A_172 = tpu.memref_slice %arg7[%add3A_165, %dma_start3A_171] : memref<40x128xi32, #tpu.memory_space<vmem>> -> memref<1x128xi32, #tpu.memory_space<vmem>>
          %dma_start3A_173 = tpu.memref_squeeze %dma_start3A_172 : memref<1x128xi32, #tpu.memory_space<vmem>> -> memref<128xi32, #tpu.memory_space<vmem>>
          %dma_start3A_174 = arith.constant 0 : i32
          %dma_start3A_175 = arith.constant 0 : i32
          %dma_start3A_176 = tpu.memref_slice %arg2[%dma_start3A_174, %dma_start3A_175] : memref<10000x128xf32, #tpu.memory_space<hbm>> -> memref<10000x128xf32, #tpu.memory_space<hbm>>
          tpu.enqueue_indirect_dma source(%dma_start3A_176 : memref<10000x128xf32, #tpu.memory_space<hbm>>) target(%dma_start3A_170 : memref<128x128xf32, #tpu.memory_space<vmem>>) offsets(%dma_start3A_173 : memref<128xi32, #tpu.memory_space<vmem>>) semaphore(%arg11 : memref<!tpu.dma_semaphore, #tpu.memory_space<semaphore_mem>>)
        } else {
        }
      }
      %scan3A_53 = arith.constant 20 : i32
      %dma_wait3A = arith.constant 0 : i32
      %dma_wait3A_54 = arith.constant 38 : i32
      %dma_wait3A_55 = arith.constant 0 : i32
      %dma_wait3A_56 = arith.constant 0 : i32
      %dma_wait3A_57 = tpu.memref_slice %arg6[%dma_wait3A, %dma_wait3A_55, %dma_wait3A_56] : memref<2x128x128xf32, #tpu.memory_space<vmem>> -> memref<1x128x128xf32, #tpu.memory_space<vmem>>
      %dma_wait3A_58 = tpu.memref_squeeze %dma_wait3A_57 : memref<1x128x128xf32, #tpu.memory_space<vmem>> -> memref<128x128xf32, #tpu.memory_space<vmem>>
      %dma_wait3A_59 = arith.constant 0 : i32
      %dma_wait3A_60 = tpu.memref_slice %arg8[%dma_wait3A_54, %dma_wait3A_59] : memref<40x128xi32, #tpu.memory_space<vmem>> -> memref<1x128xi32, #tpu.memory_space<vmem>>
      %dma_wait3A_61 = tpu.memref_squeeze %dma_wait3A_60 : memref<1x128xi32, #tpu.memory_space<vmem>> -> memref<128xi32, #tpu.memory_space<vmem>>
      %dma_wait3A_62 = arith.constant 0 : i32
      %dma_wait3A_63 = arith.constant 0 : i32
      %dma_wait3A_64 = tpu.memref_slice %arg9[%dma_wait3A_62, %dma_wait3A_63] : memref<10240x128xf32, #tpu.memory_space<vmem_shared>> -> memref<10240x128xf32, #tpu.memory_space<vmem_shared>>
      tpu.wait_indirect_dma semaphore(%arg12 : memref<!tpu.dma_semaphore, #tpu.memory_space<semaphore_mem>>) src(%dma_wait3A_58 : memref<128x128xf32, #tpu.memory_space<vmem>>) dst(%dma_wait3A_64 : memref<10240x128xf32, #tpu.memory_space<vmem_shared>>)
      %dma_wait3A_65 = arith.constant 1 : i32
      %dma_wait3A_66 = arith.constant 39 : i32
      %dma_wait3A_67 = arith.constant 0 : i32
      %dma_wait3A_68 = arith.constant 0 : i32
      %dma_wait3A_69 = tpu.memref_slice %arg6[%dma_wait3A_65, %dma_wait3A_67, %dma_wait3A_68] : memref<2x128x128xf32, #tpu.memory_space<vmem>> -> memref<1x128x128xf32, #tpu.memory_space<vmem>>
      %dma_wait3A_70 = tpu.memref_squeeze %dma_wait3A_69 : memref<1x128x128xf32, #tpu.memory_space<vmem>> -> memref<128x128xf32, #tpu.memory_space<vmem>>
      %dma_wait3A_71 = arith.constant 0 : i32
      %dma_wait3A_72 = tpu.memref_slice %arg8[%dma_wait3A_66, %dma_wait3A_71] : memref<40x128xi32, #tpu.memory_space<vmem>> -> memref<1x128xi32, #tpu.memory_space<vmem>>
      %dma_wait3A_73 = tpu.memref_squeeze %dma_wait3A_72 : memref<1x128xi32, #tpu.memory_space<vmem>> -> memref<128xi32, #tpu.memory_space<vmem>>
      %dma_wait3A_74 = arith.constant 0 : i32
      %dma_wait3A_75 = arith.constant 0 : i32
      %dma_wait3A_76 = tpu.memref_slice %arg9[%dma_wait3A_74, %dma_wait3A_75] : memref<10240x128xf32, #tpu.memory_space<vmem_shared>> -> memref<10240x128xf32, #tpu.memory_space<vmem_shared>>
      tpu.wait_indirect_dma semaphore(%arg13 : memref<!tpu.dma_semaphore, #tpu.memory_space<semaphore_mem>>) src(%dma_wait3A_70 : memref<128x128xf32, #tpu.memory_space<vmem>>) dst(%dma_wait3A_76 : memref<10240x128xf32, #tpu.memory_space<vmem_shared>>)
    }
    %scan3A_13 = arith.constant 2 : i32
    %barrier3A_14 = arith.constant 0 : index
    tpu.barrier barrier_id(%barrier3A_14)
    %mul3A = arith.constant 640 : i32
    %mul3A_15 = arith.muli %arg1, %mul3A : i32
    %mul3A_16 = arith.constant 640 : i32
    %mul3A_17 = arith.muli %arg1, %mul3A_16 : i32
    "tpu.region"() ({
      %run_scoped3A = tpu.sem_alloc : memref<!tpu.dma_semaphore, #tpu.memory_space<semaphore_mem>>
      %dma_start3A = arith.constant 0 : i32
      %dma_start3A_18 = arith.constant 0 : i32
      %dma_start3A_19 = tpu.memref_slice %arg5[%arg0, %dma_start3A, %dma_start3A_18] : memref<2x10240x128xf32, #tpu.memory_space<hbm>> -> memref<1x10240x128xf32, #tpu.memory_space<hbm>>
      %dma_start3A_20 = tpu.memref_squeeze %dma_start3A_19 : memref<1x10240x128xf32, #tpu.memory_space<hbm>> -> memref<10240x128xf32, #tpu.memory_space<hbm>>
      %dma_start3A_21 = arith.constant 0 : i32
      %dma_start3A_22 = tpu.memref_slice %dma_start3A_20[%mul3A_17, %dma_start3A_21] : memref<10240x128xf32, #tpu.memory_space<hbm>> -> memref<640x128xf32, #tpu.memory_space<hbm>>
      %dma_start3A_23 = arith.constant 0 : i32
      %dma_start3A_24 = tpu.memref_slice %arg9[%mul3A_15, %dma_start3A_23] : memref<10240x128xf32, #tpu.memory_space<vmem_shared>> -> memref<640x128xf32, #tpu.memory_space<vmem_shared>>
      tpu.enqueue_dma source(%dma_start3A_24 : memref<640x128xf32, #tpu.memory_space<vmem_shared>>) target(%dma_start3A_22 : memref<640x128xf32, #tpu.memory_space<hbm>>) target_semaphore(%run_scoped3A : memref<!tpu.dma_semaphore, #tpu.memory_space<semaphore_mem>>)
      %dma_wait3A = arith.constant 0 : i32
      %dma_wait3A_25 = arith.constant 0 : i32
      %dma_wait3A_26 = tpu.memref_slice %arg5[%arg0, %dma_wait3A, %dma_wait3A_25] : memref<2x10240x128xf32, #tpu.memory_space<hbm>> -> memref<1x10240x128xf32, #tpu.memory_space<hbm>>
      %dma_wait3A_27 = tpu.memref_squeeze %dma_wait3A_26 : memref<1x10240x128xf32, #tpu.memory_space<hbm>> -> memref<10240x128xf32, #tpu.memory_space<hbm>>
      %dma_wait3A_28 = arith.constant 0 : i32
      %dma_wait3A_29 = tpu.memref_slice %dma_wait3A_27[%mul3A_17, %dma_wait3A_28] : memref<10240x128xf32, #tpu.memory_space<hbm>> -> memref<640x128xf32, #tpu.memory_space<hbm>>
      %dma_wait3A_30 = arith.constant 0 : i32
      %dma_wait3A_31 = tpu.memref_slice %arg9[%mul3A_15, %dma_wait3A_30] : memref<10240x128xf32, #tpu.memory_space<vmem_shared>> -> memref<640x128xf32, #tpu.memory_space<vmem_shared>>
      tpu.wait_dma2 semaphore(%run_scoped3A : memref<!tpu.dma_semaphore, #tpu.memory_space<semaphore_mem>>) src(%dma_wait3A_31 : memref<640x128xf32, #tpu.memory_space<vmem_shared>>) dst(%dma_wait3A_29 : memref<640x128xf32, #tpu.memory_space<hbm>>)
      tpu.yield
    }) : () -> ()
    return
  }
}

#map = affine_map<(d0, d1) -> (0, 0)>
#map1 = affine_map<(d0, d1) -> (0, 0, 0, 0)>
#map2 = affine_map<(d0, d1) -> (0, 0, 0)>
module attributes {stable_mosaic.version = 14 : i64} {
  func.func @sc_spmv(%arg0: i32, %arg1: i32, %arg2: memref<10000x128xf32, #tpu.memory_space<hbm>>, %arg3: memref<2x16x80x128xi32, #tpu.memory_space<hbm>>, %arg4: memref<2x16x80x128xi32, #tpu.memory_space<hbm>>, %arg5: memref<2x10240x128xf32, #tpu.memory_space<hbm>>, %arg6: memref<2x128x128xf32, #tpu.memory_space<vmem>>, %arg7: memref<40x128xi32, #tpu.memory_space<vmem>>, %arg8: memref<40x128xi32, #tpu.memory_space<vmem>>, %arg9: memref<10240x128xf32, #tpu.memory_space<vmem_shared>>, %arg10: memref<!tpu.dma_semaphore, #tpu.memory_space<semaphore_mem>>, %arg11: memref<!tpu.dma_semaphore, #tpu.memory_space<semaphore_mem>>, %arg12: memref<!tpu.dma_semaphore, #tpu.memory_space<semaphore_mem>>, %arg13: memref<!tpu.dma_semaphore, #tpu.memory_space<semaphore_mem>>) attributes {dimension_semantics = [#tpu.dimension_semantics<core_parallel>, #tpu.dimension_semantics<subcore_parallel>], iteration_bounds = array<i64: 2, 16>, scalar_prefetch = 0 : i64, scratch_operands = 8 : i64, tpu.core_type = #tpu.core_type<sc_vector_subcore>, window_params = [{transform_indices = #map}, {transform_indices = #map1}, {transform_indices = #map1}, {transform_indices = #map2}]} {
    %scan3A = arith.constant 0 : i32
    %scan3A_0 = arith.constant 128 : i32
    %scan3A_1 = arith.addi %scan3A, %scan3A_0 : i32
    %scan3A_2 = arith.constant 1 : i32
    scf.for %scan3A_18 = %scan3A to %scan3A_1 step %scan3A_2  : i32 {
      %mul3A_19 = arith.constant 1 : i32
      %mul3A_20 = arith.muli %scan3A_18, %mul3A_19 : i32
      %add3A = arith.constant 0 : i32
      %add3A_21 = arith.addi %add3A, %mul3A_20 : i32
      %scan3A_22 = arith.constant 0 : i32
      %scan3A_23 = arith.constant 8 : i32
      %scan3A_24 = arith.addi %scan3A_22, %scan3A_23 : i32
      %scan3A_25 = arith.constant 1 : i32
      scf.for %scan3A_27 = %scan3A_22 to %scan3A_24 step %scan3A_25  : i32 {
        %mul3A_28 = arith.constant 1 : i32
        %mul3A_29 = arith.muli %scan3A_27, %mul3A_28 : i32
        %add3A_30 = arith.constant 0 : i32
        %add3A_31 = arith.addi %add3A_30, %mul3A_29 : i32
        %broadcast_in_dim3A = arith.constant 0.000000e+00 : f32
        %broadcast_in_dim3A_32 = vector.broadcast %broadcast_in_dim3A : f32 to vector<16xf32>
        %mul3A_33 = arith.constant 16 : i32
        %mul3A_34 = arith.muli %add3A_31, %mul3A_33 : i32
        %swap3A = arith.constant 0 : i32
        %swap3A_35 = arith.index_cast %swap3A : i32 to index
        %swap3A_36 = arith.index_cast %add3A_21 : i32 to index
        %swap3A_37 = arith.index_cast %mul3A_34 : i32 to index
        %swap3A_38 = tpu.vector_load %arg6[%swap3A_35, %swap3A_36, %swap3A_37] {strides = array<i32>} : memref<2x128x128xf32, #tpu.memory_space<vmem>>, vector<1x1x16xf32>,
        %swap3A_39 = vector.shape_cast %swap3A_38 : vector<1x1x16xf32> to vector<16xf32>
        %swap3A_40 = vector.shape_cast %broadcast_in_dim3A_32 : vector<16xf32> to vector<1x1x16xf32>
        tpu.vector_store %arg6[%swap3A_35, %swap3A_36, %swap3A_37], %swap3A_40 {strides = array<i32>} : memref<2x128x128xf32, #tpu.memory_space<vmem>>, vector<1x1x16xf32>,
      }
      %scan3A_26 = arith.constant 8 : i32
    }
    %scan3A_3 = arith.constant 128 : i32
    %scan3A_4 = arith.constant 0 : i32
    %scan3A_5 = arith.constant 5 : i32
    %scan3A_6 = arith.addi %scan3A_4, %scan3A_5 : i32
    %scan3A_7 = arith.constant 1 : i32
    scf.for %scan3A_18 = %scan3A_4 to %scan3A_6 step %scan3A_7  : i32 {
      %mul3A_19 = arith.constant 1 : i32
      %mul3A_20 = arith.muli %scan3A_18, %mul3A_19 : i32
      %add3A = arith.constant 0 : i32
      %add3A_21 = arith.addi %add3A, %mul3A_20 : i32
      %mul3A_22 = arith.constant 640 : i32
      %mul3A_23 = arith.muli %arg1, %mul3A_22 : i32
      %mul3A_24 = arith.constant 128 : i32
      %mul3A_25 = arith.muli %add3A_21, %mul3A_24 : i32
      %add3A_26 = arith.addi %mul3A_23, %mul3A_25 : i32
      %run_scoped3A = arith.constant 0 : i32
      "tpu.region"() ({
        %run_scoped3A_27 = tpu.sem_alloc : memref<!tpu.dma_semaphore, #tpu.memory_space<semaphore_mem>>
        %dma_start3A = arith.constant 0 : i32
        %dma_start3A_28 = arith.constant 0 : i32
        %dma_start3A_29 = tpu.memref_slice %arg6[%run_scoped3A, %dma_start3A, %dma_start3A_28] : memref<2x128x128xf32, #tpu.memory_space<vmem>> -> memref<1x128x128xf32, #tpu.memory_space<vmem>>
        %dma_start3A_30 = tpu.memref_squeeze %dma_start3A_29 : memref<1x128x128xf32, #tpu.memory_space<vmem>> -> memref<128x128xf32, #tpu.memory_space<vmem>>
        %dma_start3A_31 = arith.constant 0 : i32
        %dma_start3A_32 = tpu.memref_slice %arg9[%add3A_26, %dma_start3A_31] : memref<10240x128xf32, #tpu.memory_space<vmem_shared>> -> memref<128x128xf32, #tpu.memory_space<vmem_shared>>
        %dma_start3A_33 = arith.constant 0 : i32
        %dma_start3A_34 = tpu.memref_slice %arg9[%add3A_26, %dma_start3A_33] : memref<10240x128xf32, #tpu.memory_space<vmem_shared>> -> memref<128x128xf32, #tpu.memory_space<vmem_shared>>
        %dma_start3A_35 = arith.constant 0 : i32
        %dma_start3A_36 = arith.constant 0 : i32
        %dma_start3A_37 = tpu.memref_slice %arg6[%run_scoped3A, %dma_start3A_35, %dma_start3A_36] : memref<2x128x128xf32, #tpu.memory_space<vmem>> -> memref<1x128x128xf32, #tpu.memory_space<vmem>>
        %dma_start3A_38 = tpu.memref_squeeze %dma_start3A_37 : memref<1x128x128xf32, #tpu.memory_space<vmem>> -> memref<128x128xf32, #tpu.memory_space<vmem>>
        tpu.enqueue_dma source(%dma_start3A_38 : memref<128x128xf32, #tpu.memory_space<vmem>>) target(%dma_start3A_34 : memref<128x128xf32, #tpu.memory_space<vmem_shared>>) target_semaphore(%run_scoped3A_27 : memref<!tpu.dma_semaphore, #tpu.memory_space<semaphore_mem>>)
        %dma_wait3A = arith.constant 0 : i32
        %dma_wait3A_39 = arith.constant 0 : i32
        %dma_wait3A_40 = tpu.memref_slice %arg6[%run_scoped3A, %dma_wait3A, %dma_wait3A_39] : memref<2x128x128xf32, #tpu.memory_space<vmem>> -> memref<1x128x128xf32, #tpu.memory_space<vmem>>
        %dma_wait3A_41 = tpu.memref_squeeze %dma_wait3A_40 : memref<1x128x128xf32, #tpu.memory_space<vmem>> -> memref<128x128xf32, #tpu.memory_space<vmem>>
        %dma_wait3A_42 = arith.constant 0 : i32
        %dma_wait3A_43 = tpu.memref_slice %arg9[%add3A_26, %dma_wait3A_42] : memref<10240x128xf32, #tpu.memory_space<vmem_shared>> -> memref<128x128xf32, #tpu.memory_space<vmem_shared>>
        %dma_wait3A_44 = arith.constant 0 : i32
        %dma_wait3A_45 = tpu.memref_slice %arg9[%add3A_26, %dma_wait3A_44] : memref<10240x128xf32, #tpu.memory_space<vmem_shared>> -> memref<128x128xf32, #tpu.memory_space<vmem_shared>>
        %dma_wait3A_46 = arith.constant 0 : i32
        %dma_wait3A_47 = arith.constant 0 : i32
        %dma_wait3A_48 = tpu.memref_slice %arg6[%run_scoped3A, %dma_wait3A_46, %dma_wait3A_47] : memref<2x128x128xf32, #tpu.memory_space<vmem>> -> memref<1x128x128xf32, #tpu.memory_space<vmem>>
        %dma_wait3A_49 = tpu.memref_squeeze %dma_wait3A_48 : memref<1x128x128xf32, #tpu.memory_space<vmem>> -> memref<128x128xf32, #tpu.memory_space<vmem>>
        tpu.wait_dma2 semaphore(%run_scoped3A_27 : memref<!tpu.dma_semaphore, #tpu.memory_space<semaphore_mem>>) src(%dma_wait3A_49 : memref<128x128xf32, #tpu.memory_space<vmem>>) dst(%dma_wait3A_45 : memref<128x128xf32, #tpu.memory_space<vmem_shared>>)
        tpu.yield
      }) : () -> ()
    }
    %scan3A_8 = arith.constant 5 : i32
    %barrier3A = arith.constant 0 : index
    tpu.barrier barrier_id(%barrier3A)
    %scan3A_9 = arith.constant 0 : i32
    %scan3A_10 = arith.constant 2 : i32
    %scan3A_11 = arith.addi %scan3A_9, %scan3A_10 : i32
    %scan3A_12 = arith.constant 1 : i32
    scf.for %scan3A_18 = %scan3A_9 to %scan3A_11 step %scan3A_12  : i32 {
      %mul3A_19 = arith.constant 1 : i32
      %mul3A_20 = arith.muli %scan3A_18, %mul3A_19 : i32
      %add3A = arith.constant 0 : i32
      %add3A_21 = arith.addi %add3A, %mul3A_20 : i32
      %mul3A_22 = arith.constant 40 : i32
      %mul3A_23 = arith.muli %add3A_21, %mul3A_22 : i32
      "tpu.region"() ({
        %run_scoped3A = tpu.sem_alloc : memref<!tpu.dma_semaphore, #tpu.memory_space<semaphore_mem>>
        %dma_start3A_77 = arith.constant 0 : i32
        %dma_start3A_78 = arith.constant 0 : i32
        %dma_start3A_79 = arith.constant 0 : i32
        %dma_start3A_80 = tpu.memref_slice %arg3[%arg0, %dma_start3A_77, %dma_start3A_78, %dma_start3A_79] : memref<2x16x80x128xi32, #tpu.memory_space<hbm>> -> memref<1x16x80x128xi32, #tpu.memory_space<hbm>>
        %dma_start3A_81 = tpu.memref_squeeze %dma_start3A_80 : memref<1x16x80x128xi32, #tpu.memory_space<hbm>> -> memref<16x80x128xi32, #tpu.memory_space<hbm>>
        %dma_start3A_82 = arith.constant 0 : i32
        %dma_start3A_83 = arith.constant 0 : i32
        %dma_start3A_84 = tpu.memref_slice %dma_start3A_81[%arg1, %dma_start3A_82, %dma_start3A_83] : memref<16x80x128xi32, #tpu.memory_space<hbm>> -> memref<1x80x128xi32, #tpu.memory_space<hbm>>
        %dma_start3A_85 = tpu.memref_squeeze %dma_start3A_84 : memref<1x80x128xi32, #tpu.memory_space<hbm>> -> memref<80x128xi32, #tpu.memory_space<hbm>>
        %dma_start3A_86 = arith.constant 0 : i32
        %dma_start3A_87 = tpu.memref_slice %dma_start3A_85[%mul3A_23, %dma_start3A_86] : memref<80x128xi32, #tpu.memory_space<hbm>> -> memref<40x128xi32, #tpu.memory_space<hbm>>
        %dma_start3A_88 = arith.constant 0 : i32
        %dma_start3A_89 = arith.constant 0 : i32
        %dma_start3A_90 = arith.constant 0 : i32
        %dma_start3A_91 = tpu.memref_slice %arg3[%arg0, %dma_start3A_88, %dma_start3A_89, %dma_start3A_90] : memref<2x16x80x128xi32, #tpu.memory_space<hbm>> -> memref<1x16x80x128xi32, #tpu.memory_space<hbm>>
        %dma_start3A_92 = tpu.memref_squeeze %dma_start3A_91 : memref<1x16x80x128xi32, #tpu.memory_space<hbm>> -> memref<16x80x128xi32, #tpu.memory_space<hbm>>
        %dma_start3A_93 = arith.constant 0 : i32
        %dma_start3A_94 = arith.constant 0 : i32
        %dma_start3A_95 = tpu.memref_slice %dma_start3A_92[%arg1, %dma_start3A_93, %dma_start3A_94] : memref<16x80x128xi32, #tpu.memory_space<hbm>> -> memref<1x80x128xi32, #tpu.memory_space<hbm>>
        %dma_start3A_96 = tpu.memref_squeeze %dma_start3A_95 : memref<1x80x128xi32, #tpu.memory_space<hbm>> -> memref<80x128xi32, #tpu.memory_space<hbm>>
        %dma_start3A_97 = arith.constant 0 : i32
        %dma_start3A_98 = tpu.memref_slice %dma_start3A_96[%mul3A_23, %dma_start3A_97] : memref<80x128xi32, #tpu.memory_space<hbm>> -> memref<40x128xi32, #tpu.memory_space<hbm>>
        tpu.enqueue_dma source(%dma_start3A_98 : memref<40x128xi32, #tpu.memory_space<hbm>>) target(%arg7 : memref<40x128xi32, #tpu.memory_space<vmem>>) target_semaphore(%run_scoped3A : memref<!tpu.dma_semaphore, #tpu.memory_space<semaphore_mem>>)
        %dma_wait3A_99 = arith.constant 0 : i32
        %dma_wait3A_100 = arith.constant 0 : i32
        %dma_wait3A_101 = arith.constant 0 : i32
        %dma_wait3A_102 = tpu.memref_slice %arg3[%arg0, %dma_wait3A_99, %dma_wait3A_100, %dma_wait3A_101] : memref<2x16x80x128xi32, #tpu.memory_space<hbm>> -> memref<1x16x80x128xi32, #tpu.memory_space<hbm>>
        %dma_wait3A_103 = tpu.memref_squeeze %dma_wait3A_102 : memref<1x16x80x128xi32, #tpu.memory_space<hbm>> -> memref<16x80x128xi32, #tpu.memory_space<hbm>>
        %dma_wait3A_104 = arith.constant 0 : i32
        %dma_wait3A_105 = arith.constant 0 : i32
        %dma_wait3A_106 = tpu.memref_slice %dma_wait3A_103[%arg1, %dma_wait3A_104, %dma_wait3A_105] : memref<16x80x128xi32, #tpu.memory_space<hbm>> -> memref<1x80x128xi32, #tpu.memory_space<hbm>>
        %dma_wait3A_107 = tpu.memref_squeeze %dma_wait3A_106 : memref<1x80x128xi32, #tpu.memory_space<hbm>> -> memref<80x128xi32, #tpu.memory_space<hbm>>
        %dma_wait3A_108 = arith.constant 0 : i32
        %dma_wait3A_109 = tpu.memref_slice %dma_wait3A_107[%mul3A_23, %dma_wait3A_108] : memref<80x128xi32, #tpu.memory_space<hbm>> -> memref<40x128xi32, #tpu.memory_space<hbm>>
        %dma_wait3A_110 = arith.constant 0 : i32
        %dma_wait3A_111 = arith.constant 0 : i32
        %dma_wait3A_112 = arith.constant 0 : i32
        %dma_wait3A_113 = tpu.memref_slice %arg3[%arg0, %dma_wait3A_110, %dma_wait3A_111, %dma_wait3A_112] : memref<2x16x80x128xi32, #tpu.memory_space<hbm>> -> memref<1x16x80x128xi32, #tpu.memory_space<hbm>>
        %dma_wait3A_114 = tpu.memref_squeeze %dma_wait3A_113 : memref<1x16x80x128xi32, #tpu.memory_space<hbm>> -> memref<16x80x128xi32, #tpu.memory_space<hbm>>
        %dma_wait3A_115 = arith.constant 0 : i32
        %dma_wait3A_116 = arith.constant 0 : i32
        %dma_wait3A_117 = tpu.memref_slice %dma_wait3A_114[%arg1, %dma_wait3A_115, %dma_wait3A_116] : memref<16x80x128xi32, #tpu.memory_space<hbm>> -> memref<1x80x128xi32, #tpu.memory_space<hbm>>
        %dma_wait3A_118 = tpu.memref_squeeze %dma_wait3A_117 : memref<1x80x128xi32, #tpu.memory_space<hbm>> -> memref<80x128xi32, #tpu.memory_space<hbm>>
        %dma_wait3A_119 = arith.constant 0 : i32
        %dma_wait3A_120 = tpu.memref_slice %dma_wait3A_118[%mul3A_23, %dma_wait3A_119] : memref<80x128xi32, #tpu.memory_space<hbm>> -> memref<40x128xi32, #tpu.memory_space<hbm>>
        tpu.wait_dma2 semaphore(%run_scoped3A : memref<!tpu.dma_semaphore, #tpu.memory_space<semaphore_mem>>) src(%dma_wait3A_120 : memref<40x128xi32, #tpu.memory_space<hbm>>) dst(%arg7 : memref<40x128xi32, #tpu.memory_space<vmem>>)
        tpu.yield
      }) : () -> ()
      %mul3A_24 = arith.constant 40 : i32
      %mul3A_25 = arith.muli %add3A_21, %mul3A_24 : i32
      "tpu.region"() ({
        %run_scoped3A = tpu.sem_alloc : memref<!tpu.dma_semaphore, #tpu.memory_space<semaphore_mem>>
        %dma_start3A_77 = arith.constant 0 : i32
        %dma_start3A_78 = arith.constant 0 : i32
        %dma_start3A_79 = arith.constant 0 : i32
        %dma_start3A_80 = tpu.memref_slice %arg4[%arg0, %dma_start3A_77, %dma_start3A_78, %dma_start3A_79] : memref<2x16x80x128xi32, #tpu.memory_space<hbm>> -> memref<1x16x80x128xi32, #tpu.memory_space<hbm>>
        %dma_start3A_81 = tpu.memref_squeeze %dma_start3A_80 : memref<1x16x80x128xi32, #tpu.memory_space<hbm>> -> memref<16x80x128xi32, #tpu.memory_space<hbm>>
        %dma_start3A_82 = arith.constant 0 : i32
        %dma_start3A_83 = arith.constant 0 : i32
        %dma_start3A_84 = tpu.memref_slice %dma_start3A_81[%arg1, %dma_start3A_82, %dma_start3A_83] : memref<16x80x128xi32, #tpu.memory_space<hbm>> -> memref<1x80x128xi32, #tpu.memory_space<hbm>>
        %dma_start3A_85 = tpu.memref_squeeze %dma_start3A_84 : memref<1x80x128xi32, #tpu.memory_space<hbm>> -> memref<80x128xi32, #tpu.memory_space<hbm>>
        %dma_start3A_86 = arith.constant 0 : i32
        %dma_start3A_87 = tpu.memref_slice %dma_start3A_85[%mul3A_25, %dma_start3A_86] : memref<80x128xi32, #tpu.memory_space<hbm>> -> memref<40x128xi32, #tpu.memory_space<hbm>>
        %dma_start3A_88 = arith.constant 0 : i32
        %dma_start3A_89 = arith.constant 0 : i32
        %dma_start3A_90 = arith.constant 0 : i32
        %dma_start3A_91 = tpu.memref_slice %arg4[%arg0, %dma_start3A_88, %dma_start3A_89, %dma_start3A_90] : memref<2x16x80x128xi32, #tpu.memory_space<hbm>> -> memref<1x16x80x128xi32, #tpu.memory_space<hbm>>
        %dma_start3A_92 = tpu.memref_squeeze %dma_start3A_91 : memref<1x16x80x128xi32, #tpu.memory_space<hbm>> -> memref<16x80x128xi32, #tpu.memory_space<hbm>>
        %dma_start3A_93 = arith.constant 0 : i32
        %dma_start3A_94 = arith.constant 0 : i32
        %dma_start3A_95 = tpu.memref_slice %dma_start3A_92[%arg1, %dma_start3A_93, %dma_start3A_94] : memref<16x80x128xi32, #tpu.memory_space<hbm>> -> memref<1x80x128xi32, #tpu.memory_space<hbm>>
        %dma_start3A_96 = tpu.memref_squeeze %dma_start3A_95 : memref<1x80x128xi32, #tpu.memory_space<hbm>> -> memref<80x128xi32, #tpu.memory_space<hbm>>
        %dma_start3A_97 = arith.constant 0 : i32
        %dma_start3A_98 = tpu.memref_slice %dma_start3A_96[%mul3A_25, %dma_start3A_97] : memref<80x128xi32, #tpu.memory_space<hbm>> -> memref<40x128xi32, #tpu.memory_space<hbm>>
        tpu.enqueue_dma source(%dma_start3A_98 : memref<40x128xi32, #tpu.memory_space<hbm>>) target(%arg8 : memref<40x128xi32, #tpu.memory_space<vmem>>) target_semaphore(%run_scoped3A : memref<!tpu.dma_semaphore, #tpu.memory_space<semaphore_mem>>)
        %dma_wait3A_99 = arith.constant 0 : i32
        %dma_wait3A_100 = arith.constant 0 : i32
        %dma_wait3A_101 = arith.constant 0 : i32
        %dma_wait3A_102 = tpu.memref_slice %arg4[%arg0, %dma_wait3A_99, %dma_wait3A_100, %dma_wait3A_101] : memref<2x16x80x128xi32, #tpu.memory_space<hbm>> -> memref<1x16x80x128xi32, #tpu.memory_space<hbm>>
        %dma_wait3A_103 = tpu.memref_squeeze %dma_wait3A_102 : memref<1x16x80x128xi32, #tpu.memory_space<hbm>> -> memref<16x80x128xi32, #tpu.memory_space<hbm>>
        %dma_wait3A_104 = arith.constant 0 : i32
        %dma_wait3A_105 = arith.constant 0 : i32
        %dma_wait3A_106 = tpu.memref_slice %dma_wait3A_103[%arg1, %dma_wait3A_104, %dma_wait3A_105] : memref<16x80x128xi32, #tpu.memory_space<hbm>> -> memref<1x80x128xi32, #tpu.memory_space<hbm>>
        %dma_wait3A_107 = tpu.memref_squeeze %dma_wait3A_106 : memref<1x80x128xi32, #tpu.memory_space<hbm>> -> memref<80x128xi32, #tpu.memory_space<hbm>>
        %dma_wait3A_108 = arith.constant 0 : i32
        %dma_wait3A_109 = tpu.memref_slice %dma_wait3A_107[%mul3A_25, %dma_wait3A_108] : memref<80x128xi32, #tpu.memory_space<hbm>> -> memref<40x128xi32, #tpu.memory_space<hbm>>
        %dma_wait3A_110 = arith.constant 0 : i32
        %dma_wait3A_111 = arith.constant 0 : i32
        %dma_wait3A_112 = arith.constant 0 : i32
        %dma_wait3A_113 = tpu.memref_slice %arg4[%arg0, %dma_wait3A_110, %dma_wait3A_111, %dma_wait3A_112] : memref<2x16x80x128xi32, #tpu.memory_space<hbm>> -> memref<1x16x80x128xi32, #tpu.memory_space<hbm>>
        %dma_wait3A_114 = tpu.memref_squeeze %dma_wait3A_113 : memref<1x16x80x128xi32, #tpu.memory_space<hbm>> -> memref<16x80x128xi32, #tpu.memory_space<hbm>>
        %dma_wait3A_115 = arith.constant 0 : i32
        %dma_wait3A_116 = arith.constant 0 : i32
        %dma_wait3A_117 = tpu.memref_slice %dma_wait3A_114[%arg1, %dma_wait3A_115, %dma_wait3A_116] : memref<16x80x128xi32, #tpu.memory_space<hbm>> -> memref<1x80x128xi32, #tpu.memory_space<hbm>>
        %dma_wait3A_118 = tpu.memref_squeeze %dma_wait3A_117 : memref<1x80x128xi32, #tpu.memory_space<hbm>> -> memref<80x128xi32, #tpu.memory_space<hbm>>
        %dma_wait3A_119 = arith.constant 0 : i32
        %dma_wait3A_120 = tpu.memref_slice %dma_wait3A_118[%mul3A_25, %dma_wait3A_119] : memref<80x128xi32, #tpu.memory_space<hbm>> -> memref<40x128xi32, #tpu.memory_space<hbm>>
        tpu.wait_dma2 semaphore(%run_scoped3A : memref<!tpu.dma_semaphore, #tpu.memory_space<semaphore_mem>>) src(%dma_wait3A_120 : memref<40x128xi32, #tpu.memory_space<hbm>>) dst(%arg8 : memref<40x128xi32, #tpu.memory_space<vmem>>)
        tpu.yield
      }) : () -> ()
      %dma_start3A = arith.constant 0 : i32
      %dma_start3A_26 = arith.constant 0 : i32
      %dma_start3A_27 = arith.constant 0 : i32
      %dma_start3A_28 = arith.constant 0 : i32
      %dma_start3A_29 = tpu.memref_slice %arg6[%dma_start3A_26, %dma_start3A_27, %dma_start3A_28] : memref<2x128x128xf32, #tpu.memory_space<vmem>> -> memref<1x128x128xf32, #tpu.memory_space<vmem>>
      %dma_start3A_30 = tpu.memref_squeeze %dma_start3A_29 : memref<1x128x128xf32, #tpu.memory_space<vmem>> -> memref<128x128xf32, #tpu.memory_space<vmem>>
      %dma_start3A_31 = arith.constant 0 : i32
      %dma_start3A_32 = tpu.memref_slice %arg7[%dma_start3A, %dma_start3A_31] : memref<40x128xi32, #tpu.memory_space<vmem>> -> memref<1x128xi32, #tpu.memory_space<vmem>>
      %dma_start3A_33 = tpu.memref_squeeze %dma_start3A_32 : memref<1x128xi32, #tpu.memory_space<vmem>> -> memref<128xi32, #tpu.memory_space<vmem>>
      %dma_start3A_34 = arith.constant 0 : i32
      %dma_start3A_35 = arith.constant 0 : i32
      %dma_start3A_36 = tpu.memref_slice %arg2[%dma_start3A_34, %dma_start3A_35] : memref<10000x128xf32, #tpu.memory_space<hbm>> -> memref<10000x128xf32, #tpu.memory_space<hbm>>
      tpu.enqueue_indirect_dma source(%dma_start3A_36 : memref<10000x128xf32, #tpu.memory_space<hbm>>) target(%dma_start3A_30 : memref<128x128xf32, #tpu.memory_space<vmem>>) offsets(%dma_start3A_33 : memref<128xi32, #tpu.memory_space<vmem>>) semaphore(%arg10 : memref<!tpu.dma_semaphore, #tpu.memory_space<semaphore_mem>>)
      %dma_start3A_37 = arith.constant 1 : i32
      %dma_start3A_38 = arith.constant 1 : i32
      %dma_start3A_39 = arith.constant 0 : i32
      %dma_start3A_40 = arith.constant 0 : i32
      %dma_start3A_41 = tpu.memref_slice %arg6[%dma_start3A_38, %dma_start3A_39, %dma_start3A_40] : memref<2x128x128xf32, #tpu.memory_space<vmem>> -> memref<1x128x128xf32, #tpu.memory_space<vmem>>
      %dma_start3A_42 = tpu.memref_squeeze %dma_start3A_41 : memref<1x128x128xf32, #tpu.memory_space<vmem>> -> memref<128x128xf32, #tpu.memory_space<vmem>>
      %dma_start3A_43 = arith.constant 0 : i32
      %dma_start3A_44 = tpu.memref_slice %arg7[%dma_start3A_37, %dma_start3A_43] : memref<40x128xi32, #tpu.memory_space<vmem>> -> memref<1x128xi32, #tpu.memory_space<vmem>>
      %dma_start3A_45 = tpu.memref_squeeze %dma_start3A_44 : memref<1x128xi32, #tpu.memory_space<vmem>> -> memref<128xi32, #tpu.memory_space<vmem>>
      %dma_start3A_46 = arith.constant 0 : i32
      %dma_start3A_47 = arith.constant 0 : i32
      %dma_start3A_48 = tpu.memref_slice %arg2[%dma_start3A_46, %dma_start3A_47] : memref<10000x128xf32, #tpu.memory_space<hbm>> -> memref<10000x128xf32, #tpu.memory_space<hbm>>
      tpu.enqueue_indirect_dma source(%dma_start3A_48 : memref<10000x128xf32, #tpu.memory_space<hbm>>) target(%dma_start3A_42 : memref<128x128xf32, #tpu.memory_space<vmem>>) offsets(%dma_start3A_45 : memref<128xi32, #tpu.memory_space<vmem>>) semaphore(%arg11 : memref<!tpu.dma_semaphore, #tpu.memory_space<semaphore_mem>>)
      %scan3A_49 = arith.constant 0 : i32
      %scan3A_50 = arith.constant 20 : i32
      %scan3A_51 = arith.addi %scan3A_49, %scan3A_50 : i32
      %scan3A_52 = arith.constant 1 : i32
      scf.for %scan3A_77 = %scan3A_49 to %scan3A_51 step %scan3A_52  : i32 {
        %mul3A_78 = arith.constant 1 : i32
        %mul3A_79 = arith.muli %scan3A_77, %mul3A_78 : i32
        %add3A_80 = arith.constant 0 : i32
        %add3A_81 = arith.addi %add3A_80, %mul3A_79 : i32
        %mul3A_82 = arith.constant 2 : i32
        %mul3A_83 = arith.muli %add3A_81, %mul3A_82 : i32
        %add3A_84 = arith.constant 0 : i32
        %add3A_85 = arith.addi %mul3A_83, %add3A_84 : i32
        %dma_wait3A_86 = arith.constant 0 : i32
        %dma_wait3A_87 = arith.constant 0 : i32
        %dma_wait3A_88 = arith.constant 0 : i32
        %dma_wait3A_89 = tpu.memref_slice %arg6[%dma_wait3A_86, %dma_wait3A_87, %dma_wait3A_88] : memref<2x128x128xf32, #tpu.memory_space<vmem>> -> memref<1x128x128xf32, #tpu.memory_space<vmem>>
        %dma_wait3A_90 = tpu.memref_squeeze %dma_wait3A_89 : memref<1x128x128xf32, #tpu.memory_space<vmem>> -> memref<128x128xf32, #tpu.memory_space<vmem>>
        %dma_wait3A_91 = arith.constant 0 : i32
        %dma_wait3A_92 = tpu.memref_slice %arg7[%add3A_85, %dma_wait3A_91] : memref<40x128xi32, #tpu.memory_space<vmem>> -> memref<1x128xi32, #tpu.memory_space<vmem>>
        %dma_wait3A_93 = tpu.memref_squeeze %dma_wait3A_92 : memref<1x128xi32, #tpu.memory_space<vmem>> -> memref<128xi32, #tpu.memory_space<vmem>>
        %dma_wait3A_94 = arith.constant 0 : i32
        %dma_wait3A_95 = arith.constant 0 : i32
        %dma_wait3A_96 = tpu.memref_slice %arg2[%dma_wait3A_94, %dma_wait3A_95] : memref<10000x128xf32, #tpu.memory_space<hbm>> -> memref<10000x128xf32, #tpu.memory_space<hbm>>
        tpu.wait_indirect_dma semaphore(%arg10 : memref<!tpu.dma_semaphore, #tpu.memory_space<semaphore_mem>>) src(%dma_wait3A_96 : memref<10000x128xf32, #tpu.memory_space<hbm>>) dst(%dma_wait3A_90 : memref<128x128xf32, #tpu.memory_space<vmem>>)
        %dma_start3A_97 = arith.constant 0 : i32
        %dma_start3A_98 = arith.constant 0 : i32
        %dma_start3A_99 = arith.constant 0 : i32
        %dma_start3A_100 = tpu.memref_slice %arg6[%dma_start3A_97, %dma_start3A_98, %dma_start3A_99] : memref<2x128x128xf32, #tpu.memory_space<vmem>> -> memref<1x128x128xf32, #tpu.memory_space<vmem>>
        %dma_start3A_101 = tpu.memref_squeeze %dma_start3A_100 : memref<1x128x128xf32, #tpu.memory_space<vmem>> -> memref<128x128xf32, #tpu.memory_space<vmem>>
        %dma_start3A_102 = arith.constant 0 : i32
        %dma_start3A_103 = tpu.memref_slice %arg8[%add3A_85, %dma_start3A_102] : memref<40x128xi32, #tpu.memory_space<vmem>> -> memref<1x128xi32, #tpu.memory_space<vmem>>
        %dma_start3A_104 = tpu.memref_squeeze %dma_start3A_103 : memref<1x128xi32, #tpu.memory_space<vmem>> -> memref<128xi32, #tpu.memory_space<vmem>>
        %dma_start3A_105 = arith.constant 0 : i32
        %dma_start3A_106 = arith.constant 0 : i32
        %dma_start3A_107 = tpu.memref_slice %arg9[%dma_start3A_105, %dma_start3A_106] : memref<10240x128xf32, #tpu.memory_space<vmem_shared>> -> memref<10240x128xf32, #tpu.memory_space<vmem_shared>>
        tpu.enqueue_indirect_dma source(%dma_start3A_101 : memref<128x128xf32, #tpu.memory_space<vmem>>) target(%dma_start3A_107 : memref<10240x128xf32, #tpu.memory_space<vmem_shared>>) offsets(%dma_start3A_104 : memref<128xi32, #tpu.memory_space<vmem>>) semaphore(%arg12 : memref<!tpu.dma_semaphore, #tpu.memory_space<semaphore_mem>>) {add = true}
        %mul3A_108 = arith.constant 2 : i32
        %mul3A_109 = arith.muli %add3A_81, %mul3A_108 : i32
        %add3A_110 = arith.constant 1 : i32
        %add3A_111 = arith.addi %mul3A_109, %add3A_110 : i32
        %dma_wait3A_112 = arith.constant 1 : i32
        %dma_wait3A_113 = arith.constant 0 : i32
        %dma_wait3A_114 = arith.constant 0 : i32
        %dma_wait3A_115 = tpu.memref_slice %arg6[%dma_wait3A_112, %dma_wait3A_113, %dma_wait3A_114] : memref<2x128x128xf32, #tpu.memory_space<vmem>> -> memref<1x128x128xf32, #tpu.memory_space<vmem>>
        %dma_wait3A_116 = tpu.memref_squeeze %dma_wait3A_115 : memref<1x128x128xf32, #tpu.memory_space<vmem>> -> memref<128x128xf32, #tpu.memory_space<vmem>>
        %dma_wait3A_117 = arith.constant 0 : i32
        %dma_wait3A_118 = tpu.memref_slice %arg7[%add3A_111, %dma_wait3A_117] : memref<40x128xi32, #tpu.memory_space<vmem>> -> memref<1x128xi32, #tpu.memory_space<vmem>>
        %dma_wait3A_119 = tpu.memref_squeeze %dma_wait3A_118 : memref<1x128xi32, #tpu.memory_space<vmem>> -> memref<128xi32, #tpu.memory_space<vmem>>
        %dma_wait3A_120 = arith.constant 0 : i32
        %dma_wait3A_121 = arith.constant 0 : i32
        %dma_wait3A_122 = tpu.memref_slice %arg2[%dma_wait3A_120, %dma_wait3A_121] : memref<10000x128xf32, #tpu.memory_space<hbm>> -> memref<10000x128xf32, #tpu.memory_space<hbm>>
        tpu.wait_indirect_dma semaphore(%arg11 : memref<!tpu.dma_semaphore, #tpu.memory_space<semaphore_mem>>) src(%dma_wait3A_122 : memref<10000x128xf32, #tpu.memory_space<hbm>>) dst(%dma_wait3A_116 : memref<128x128xf32, #tpu.memory_space<vmem>>)
        %dma_start3A_123 = arith.constant 1 : i32
        %dma_start3A_124 = arith.constant 0 : i32
        %dma_start3A_125 = arith.constant 0 : i32
        %dma_start3A_126 = tpu.memref_slice %arg6[%dma_start3A_123, %dma_start3A_124, %dma_start3A_125] : memref<2x128x128xf32, #tpu.memory_space<vmem>> -> memref<1x128x128xf32, #tpu.memory_space<vmem>>
        %dma_start3A_127 = tpu.memref_squeeze %dma_start3A_126 : memref<1x128x128xf32, #tpu.memory_space<vmem>> -> memref<128x128xf32, #tpu.memory_space<vmem>>
        %dma_start3A_128 = arith.constant 0 : i32
        %dma_start3A_129 = tpu.memref_slice %arg8[%add3A_111, %dma_start3A_128] : memref<40x128xi32, #tpu.memory_space<vmem>> -> memref<1x128xi32, #tpu.memory_space<vmem>>
        %dma_start3A_130 = tpu.memref_squeeze %dma_start3A_129 : memref<1x128xi32, #tpu.memory_space<vmem>> -> memref<128xi32, #tpu.memory_space<vmem>>
        %dma_start3A_131 = arith.constant 0 : i32
        %dma_start3A_132 = arith.constant 0 : i32
        %dma_start3A_133 = tpu.memref_slice %arg9[%dma_start3A_131, %dma_start3A_132] : memref<10240x128xf32, #tpu.memory_space<vmem_shared>> -> memref<10240x128xf32, #tpu.memory_space<vmem_shared>>
        tpu.enqueue_indirect_dma source(%dma_start3A_127 : memref<128x128xf32, #tpu.memory_space<vmem>>) target(%dma_start3A_133 : memref<10240x128xf32, #tpu.memory_space<vmem_shared>>) offsets(%dma_start3A_130 : memref<128xi32, #tpu.memory_space<vmem>>) semaphore(%arg13 : memref<!tpu.dma_semaphore, #tpu.memory_space<semaphore_mem>>) {add = true}
        %mul3A_134 = arith.constant 2 : i32
        %mul3A_135 = arith.muli %add3A_81, %mul3A_134 : i32
        %add3A_136 = arith.constant 0 : i32
        %add3A_137 = arith.addi %mul3A_135, %add3A_136 : i32
        %add3A_138 = arith.constant 2 : i32
        %add3A_139 = arith.addi %add3A_137, %add3A_138 : i32
        %lt3A = arith.constant 40 : i32
        %lt3A_140 = arith.cmpi slt, %add3A_139, %lt3A : i32
        %convert_element_type3A = arith.extui %lt3A_140 : i1 to i32
        %cond3A = arith.constant 0 : i32
        %cond3A_141 = arith.cmpi ne, %convert_element_type3A, %cond3A : i32
        scf.if %cond3A_141 {
          %dma_wait3A_153 = arith.constant 0 : i32
          %dma_wait3A_154 = arith.constant 0 : i32
          %dma_wait3A_155 = arith.constant 0 : i32
          %dma_wait3A_156 = tpu.memref_slice %arg6[%dma_wait3A_153, %dma_wait3A_154, %dma_wait3A_155] : memref<2x128x128xf32, #tpu.memory_space<vmem>> -> memref<1x128x128xf32, #tpu.memory_space<vmem>>
          %dma_wait3A_157 = tpu.memref_squeeze %dma_wait3A_156 : memref<1x128x128xf32, #tpu.memory_space<vmem>> -> memref<128x128xf32, #tpu.memory_space<vmem>>
          %dma_wait3A_158 = arith.constant 0 : i32
          %dma_wait3A_159 = tpu.memref_slice %arg8[%add3A_137, %dma_wait3A_158] : memref<40x128xi32, #tpu.memory_space<vmem>> -> memref<1x128xi32, #tpu.memory_space<vmem>>
          %dma_wait3A_160 = tpu.memref_squeeze %dma_wait3A_159 : memref<1x128xi32, #tpu.memory_space<vmem>> -> memref<128xi32, #tpu.memory_space<vmem>>
          %dma_wait3A_161 = arith.constant 0 : i32
          %dma_wait3A_162 = arith.constant 0 : i32
          %dma_wait3A_163 = tpu.memref_slice %arg9[%dma_wait3A_161, %dma_wait3A_162] : memref<10240x128xf32, #tpu.memory_space<vmem_shared>> -> memref<10240x128xf32, #tpu.memory_space<vmem_shared>>
          tpu.wait_indirect_dma semaphore(%arg12 : memref<!tpu.dma_semaphore, #tpu.memory_space<semaphore_mem>>) src(%dma_wait3A_157 : memref<128x128xf32, #tpu.memory_space<vmem>>) dst(%dma_wait3A_163 : memref<10240x128xf32, #tpu.memory_space<vmem_shared>>)
          %add3A_164 = arith.constant 2 : i32
          %add3A_165 = arith.addi %add3A_137, %add3A_164 : i32
          %dma_start3A_166 = arith.constant 0 : i32
          %dma_start3A_167 = arith.constant 0 : i32
          %dma_start3A_168 = arith.constant 0 : i32
          %dma_start3A_169 = tpu.memref_slice %arg6[%dma_start3A_166, %dma_start3A_167, %dma_start3A_168] : memref<2x128x128xf32, #tpu.memory_space<vmem>> -> memref<1x128x128xf32, #tpu.memory_space<vmem>>
          %dma_start3A_170 = tpu.memref_squeeze %dma_start3A_169 : memref<1x128x128xf32, #tpu.memory_space<vmem>> -> memref<128x128xf32, #tpu.memory_space<vmem>>
          %dma_start3A_171 = arith.constant 0 : i32
          %dma_start3A_172 = tpu.memref_slice %arg7[%add3A_165, %dma_start3A_171] : memref<40x128xi32, #tpu.memory_space<vmem>> -> memref<1x128xi32, #tpu.memory_space<vmem>>
          %dma_start3A_173 = tpu.memref_squeeze %dma_start3A_172 : memref<1x128xi32, #tpu.memory_space<vmem>> -> memref<128xi32, #tpu.memory_space<vmem>>
          %dma_start3A_174 = arith.constant 0 : i32
          %dma_start3A_175 = arith.constant 0 : i32
          %dma_start3A_176 = tpu.memref_slice %arg2[%dma_start3A_174, %dma_start3A_175] : memref<10000x128xf32, #tpu.memory_space<hbm>> -> memref<10000x128xf32, #tpu.memory_space<hbm>>
          tpu.enqueue_indirect_dma source(%dma_start3A_176 : memref<10000x128xf32, #tpu.memory_space<hbm>>) target(%dma_start3A_170 : memref<128x128xf32, #tpu.memory_space<vmem>>) offsets(%dma_start3A_173 : memref<128xi32, #tpu.memory_space<vmem>>) semaphore(%arg10 : memref<!tpu.dma_semaphore, #tpu.memory_space<semaphore_mem>>)
        } else {
        }
        %mul3A_142 = arith.constant 2 : i32
        %mul3A_143 = arith.muli %add3A_81, %mul3A_142 : i32
        %add3A_144 = arith.constant 1 : i32
        %add3A_145 = arith.addi %mul3A_143, %add3A_144 : i32
        %add3A_146 = arith.constant 2 : i32
        %add3A_147 = arith.addi %add3A_145, %add3A_146 : i32
        %lt3A_148 = arith.constant 40 : i32
        %lt3A_149 = arith.cmpi slt, %add3A_147, %lt3A_148 : i32
        %convert_element_type3A_150 = arith.extui %lt3A_149 : i1 to i32
        %cond3A_151 = arith.constant 0 : i32
        %cond3A_152 = arith.cmpi ne, %convert_element_type3A_150, %cond3A_151 : i32
        scf.if %cond3A_152 {
          %dma_wait3A_153 = arith.constant 1 : i32
          %dma_wait3A_154 = arith.constant 0 : i32
          %dma_wait3A_155 = arith.constant 0 : i32
          %dma_wait3A_156 = tpu.memref_slice %arg6[%dma_wait3A_153, %dma_wait3A_154, %dma_wait3A_155] : memref<2x128x128xf32, #tpu.memory_space<vmem>> -> memref<1x128x128xf32, #tpu.memory_space<vmem>>
          %dma_wait3A_157 = tpu.memref_squeeze %dma_wait3A_156 : memref<1x128x128xf32, #tpu.memory_space<vmem>> -> memref<128x128xf32, #tpu.memory_space<vmem>>
          %dma_wait3A_158 = arith.constant 0 : i32
          %dma_wait3A_159 = tpu.memref_slice %arg8[%add3A_145, %dma_wait3A_158] : memref<40x128xi32, #tpu.memory_space<vmem>> -> memref<1x128xi32, #tpu.memory_space<vmem>>
          %dma_wait3A_160 = tpu.memref_squeeze %dma_wait3A_159 : memref<1x128xi32, #tpu.memory_space<vmem>> -> memref<128xi32, #tpu.memory_space<vmem>>
          %dma_wait3A_161 = arith.constant 0 : i32
          %dma_wait3A_162 = arith.constant 0 : i32
          %dma_wait3A_163 = tpu.memref_slice %arg9[%dma_wait3A_161, %dma_wait3A_162] : memref<10240x128xf32, #tpu.memory_space<vmem_shared>> -> memref<10240x128xf32, #tpu.memory_space<vmem_shared>>
          tpu.wait_indirect_dma semaphore(%arg13 : memref<!tpu.dma_semaphore, #tpu.memory_space<semaphore_mem>>) src(%dma_wait3A_157 : memref<128x128xf32, #tpu.memory_space<vmem>>) dst(%dma_wait3A_163 : memref<10240x128xf32, #tpu.memory_space<vmem_shared>>)
          %add3A_164 = arith.constant 2 : i32
          %add3A_165 = arith.addi %add3A_145, %add3A_164 : i32
          %dma_start3A_166 = arith.constant 1 : i32
          %dma_start3A_167 = arith.constant 0 : i32
          %dma_start3A_168 = arith.constant 0 : i32
          %dma_start3A_169 = tpu.memref_slice %arg6[%dma_start3A_166, %dma_start3A_167, %dma_start3A_168] : memref<2x128x128xf32, #tpu.memory_space<vmem>> -> memref<1x128x128xf32, #tpu.memory_space<vmem>>
          %dma_start3A_170 = tpu.memref_squeeze %dma_start3A_169 : memref<1x128x128xf32, #tpu.memory_space<vmem>> -> memref<128x128xf32, #tpu.memory_space<vmem>>
          %dma_start3A_171 = arith.constant 0 : i32
          %dma_start3A_172 = tpu.memref_slice %arg7[%add3A_165, %dma_start3A_171] : memref<40x128xi32, #tpu.memory_space<vmem>> -> memref<1x128xi32, #tpu.memory_space<vmem>>
          %dma_start3A_173 = tpu.memref_squeeze %dma_start3A_172 : memref<1x128xi32, #tpu.memory_space<vmem>> -> memref<128xi32, #tpu.memory_space<vmem>>
          %dma_start3A_174 = arith.constant 0 : i32
          %dma_start3A_175 = arith.constant 0 : i32
          %dma_start3A_176 = tpu.memref_slice %arg2[%dma_start3A_174, %dma_start3A_175] : memref<10000x128xf32, #tpu.memory_space<hbm>> -> memref<10000x128xf32, #tpu.memory_space<hbm>>
          tpu.enqueue_indirect_dma source(%dma_start3A_176 : memref<10000x128xf32, #tpu.memory_space<hbm>>) target(%dma_start3A_170 : memref<128x128xf32, #tpu.memory_space<vmem>>) offsets(%dma_start3A_173 : memref<128xi32, #tpu.memory_space<vmem>>) semaphore(%arg11 : memref<!tpu.dma_semaphore, #tpu.memory_space<semaphore_mem>>)
        } else {
        }
      }
      %scan3A_53 = arith.constant 20 : i32
      %dma_wait3A = arith.constant 0 : i32
      %dma_wait3A_54 = arith.constant 38 : i32
      %dma_wait3A_55 = arith.constant 0 : i32
      %dma_wait3A_56 = arith.constant 0 : i32
      %dma_wait3A_57 = tpu.memref_slice %arg6[%dma_wait3A, %dma_wait3A_55, %dma_wait3A_56] : memref<2x128x128xf32, #tpu.memory_space<vmem>> -> memref<1x128x128xf32, #tpu.memory_space<vmem>>
      %dma_wait3A_58 = tpu.memref_squeeze %dma_wait3A_57 : memref<1x128x128xf32, #tpu.memory_space<vmem>> -> memref<128x128xf32, #tpu.memory_space<vmem>>
      %dma_wait3A_59 = arith.constant 0 : i32
      %dma_wait3A_60 = tpu.memref_slice %arg8[%dma_wait3A_54, %dma_wait3A_59] : memref<40x128xi32, #tpu.memory_space<vmem>> -> memref<1x128xi32, #tpu.memory_space<vmem>>
      %dma_wait3A_61 = tpu.memref_squeeze %dma_wait3A_60 : memref<1x128xi32, #tpu.memory_space<vmem>> -> memref<128xi32, #tpu.memory_space<vmem>>
      %dma_wait3A_62 = arith.constant 0 : i32
      %dma_wait3A_63 = arith.constant 0 : i32
      %dma_wait3A_64 = tpu.memref_slice %arg9[%dma_wait3A_62, %dma_wait3A_63] : memref<10240x128xf32, #tpu.memory_space<vmem_shared>> -> memref<10240x128xf32, #tpu.memory_space<vmem_shared>>
      tpu.wait_indirect_dma semaphore(%arg12 : memref<!tpu.dma_semaphore, #tpu.memory_space<semaphore_mem>>) src(%dma_wait3A_58 : memref<128x128xf32, #tpu.memory_space<vmem>>) dst(%dma_wait3A_64 : memref<10240x128xf32, #tpu.memory_space<vmem_shared>>)
      %dma_wait3A_65 = arith.constant 1 : i32
      %dma_wait3A_66 = arith.constant 39 : i32
      %dma_wait3A_67 = arith.constant 0 : i32
      %dma_wait3A_68 = arith.constant 0 : i32
      %dma_wait3A_69 = tpu.memref_slice %arg6[%dma_wait3A_65, %dma_wait3A_67, %dma_wait3A_68] : memref<2x128x128xf32, #tpu.memory_space<vmem>> -> memref<1x128x128xf32, #tpu.memory_space<vmem>>
      %dma_wait3A_70 = tpu.memref_squeeze %dma_wait3A_69 : memref<1x128x128xf32, #tpu.memory_space<vmem>> -> memref<128x128xf32, #tpu.memory_space<vmem>>
      %dma_wait3A_71 = arith.constant 0 : i32
      %dma_wait3A_72 = tpu.memref_slice %arg8[%dma_wait3A_66, %dma_wait3A_71] : memref<40x128xi32, #tpu.memory_space<vmem>> -> memref<1x128xi32, #tpu.memory_space<vmem>>
      %dma_wait3A_73 = tpu.memref_squeeze %dma_wait3A_72 : memref<1x128xi32, #tpu.memory_space<vmem>> -> memref<128xi32, #tpu.memory_space<vmem>>
      %dma_wait3A_74 = arith.constant 0 : i32
      %dma_wait3A_75 = arith.constant 0 : i32
      %dma_wait3A_76 = tpu.memref_slice %arg9[%dma_wait3A_74, %dma_wait3A_75] : memref<10240x128xf32, #tpu.memory_space<vmem_shared>> -> memref<10240x128xf32, #tpu.memory_space<vmem_shared>>
      tpu.wait_indirect_dma semaphore(%arg13 : memref<!tpu.dma_semaphore, #tpu.memory_space<semaphore_mem>>) src(%dma_wait3A_70 : memref<128x128xf32, #tpu.memory_space<vmem>>) dst(%dma_wait3A_76 : memref<10240x128xf32, #tpu.memory_space<vmem_shared>>)
    }
    %scan3A_13 = arith.constant 2 : i32
    %barrier3A_14 = arith.constant 0 : index
    tpu.barrier barrier_id(%barrier3A_14)
    %mul3A = arith.constant 640 : i32
    %mul3A_15 = arith.muli %arg1, %mul3A : i32
    %mul3A_16 = arith.constant 640 : i32
    %mul3A_17 = arith.muli %arg1, %mul3A_16 : i32
    "tpu.region"() ({
      %run_scoped3A = tpu.sem_alloc : memref<!tpu.dma_semaphore, #tpu.memory_space<semaphore_mem>>
      %dma_start3A = arith.constant 0 : i32
      %dma_start3A_18 = arith.constant 0 : i32
      %dma_start3A_19 = tpu.memref_slice %arg5[%arg0, %dma_start3A, %dma_start3A_18] : memref<2x10240x128xf32, #tpu.memory_space<hbm>> -> memref<1x10240x128xf32, #tpu.memory_space<hbm>>
      %dma_start3A_20 = tpu.memref_squeeze %dma_start3A_19 : memref<1x10240x128xf32, #tpu.memory_space<hbm>> -> memref<10240x128xf32, #tpu.memory_space<hbm>>
      %dma_start3A_21 = arith.constant 0 : i32
      %dma_start3A_22 = tpu.memref_slice %dma_start3A_20[%mul3A_17, %dma_start3A_21] : memref<10240x128xf32, #tpu.memory_space<hbm>> -> memref<640x128xf32, #tpu.memory_space<hbm>>
      %dma_start3A_23 = arith.constant 0 : i32
      %dma_start3A_24 = tpu.memref_slice %arg9[%mul3A_15, %dma_start3A_23] : memref<10240x128xf32, #tpu.memory_space<vmem_shared>> -> memref<640x128xf32, #tpu.memory_space<vmem_shared>>
      tpu.enqueue_dma source(%dma_start3A_24 : memref<640x128xf32, #tpu.memory_space<vmem_shared>>) target(%dma_start3A_22 : memref<640x128xf32, #tpu.memory_space<hbm>>) target_semaphore(%run_scoped3A : memref<!tpu.dma_semaphore, #tpu.memory_space<semaphore_mem>>)
      %dma_wait3A = arith.constant 0 : i32
      %dma_wait3A_25 = arith.constant 0 : i32
      %dma_wait3A_26 = tpu.memref_slice %arg5[%arg0, %dma_wait3A, %dma_wait3A_25] : memref<2x10240x128xf32, #tpu.memory_space<hbm>> -> memref<1x10240x128xf32, #tpu.memory_space<hbm>>
      %dma_wait3A_27 = tpu.memref_squeeze %dma_wait3A_26 : memref<1x10240x128xf32, #tpu.memory_space<hbm>> -> memref<10240x128xf32, #tpu.memory_space<hbm>>
      %dma_wait3A_28 = arith.constant 0 : i32
      %dma_wait3A_29 = tpu.memref_slice %dma_wait3A_27[%mul3A_17, %dma_wait3A_28] : memref<10240x128xf32, #tpu.memory_space<hbm>> -> memref<640x128xf32, #tpu.memory_space<hbm>>
      %dma_wait3A_30 = arith.constant 0 : i32
      %dma_wait3A_31 = tpu.memref_slice %arg9[%mul3A_15, %dma_wait3A_30] : memref<10240x128xf32, #tpu.memory_space<vmem_shared>> -> memref<640x128xf32, #tpu.memory_space<vmem_shared>>
      tpu.wait_dma2 semaphore(%run_scoped3A : memref<!tpu.dma_semaphore, #tpu.memory_space<semaphore_mem>>) src(%dma_wait3A_31 : memref<640x128xf32, #tpu.memory_space<vmem_shared>>) dst(%dma_wait3A_29 : memref<640x128xf32, #tpu.memory_space<hbm>>)
      tpu.yield
    }) : () -> ()
    return
  }
}

#map = affine_map<(d0, d1) -> (0, 0, 0)>
#map1 = affine_map<(d0, d1) -> (0, 0, 0, 0)>
#map2 = affine_map<(d0, d1) -> (0, 0)>
#map3 = affine_map<(d0, d1) -> (0)>
module attributes {stable_mosaic.version = 14 : i64} {
  func.func @sc_pre(%arg0: i32, %arg1: i32, %arg2: memref<2x163840x128xf32, #tpu.memory_space<hbm>>, %arg3: memref<2x16x80x128xi32, #tpu.memory_space<hbm>>, %arg4: memref<512x128xf32, #tpu.memory_space<hbm>>, %arg5: memref<10240xi32, #tpu.memory_space<hbm>>, %arg6: memref<2x10240x128xf32, #tpu.memory_space<hbm>>, %arg7: memref<10240x128xf32, #tpu.memory_space<hbm>>, %arg8: memref<2x128x128xf32, #tpu.memory_space<vmem>>, %arg9: memref<40x128xi32, #tpu.memory_space<vmem>>, %arg10: memref<80xi32, #tpu.memory_space<vmem>>, %arg11: memref<80x128xf32, #tpu.memory_space<vmem>>, %arg12: memref<10240x128xf32, #tpu.memory_space<vmem_shared>>, %arg13: memref<!tpu.dma_semaphore, #tpu.memory_space<semaphore_mem>>, %arg14: memref<!tpu.dma_semaphore, #tpu.memory_space<semaphore_mem>>, %arg15: memref<!tpu.dma_semaphore, #tpu.memory_space<semaphore_mem>>, %arg16: memref<!tpu.dma_semaphore, #tpu.memory_space<semaphore_mem>>) attributes {dimension_semantics = [#tpu.dimension_semantics<core_parallel>, #tpu.dimension_semantics<subcore_parallel>], iteration_bounds = array<i64: 2, 16>, scalar_prefetch = 0 : i64, scratch_operands = 9 : i64, tpu.core_type = #tpu.core_type<sc_vector_subcore>, window_params = [{transform_indices = #map}, {transform_indices = #map1}, {transform_indices = #map2}, {transform_indices = #map3}, {transform_indices = #map}, {transform_indices = #map2}]} {
    %mul3A = arith.constant 16 : i32
    %mul3A_0 = arith.muli %arg0, %mul3A : i32
    %add3A = arith.addi %mul3A_0, %arg1 : i32
    %scan3A = arith.constant 0 : i32
    %scan3A_1 = arith.constant 128 : i32
    %scan3A_2 = arith.addi %scan3A, %scan3A_1 : i32
    %scan3A_3 = arith.constant 1 : i32
    scf.for %scan3A_25 = %scan3A to %scan3A_2 step %scan3A_3  : i32 {
      %mul3A_26 = arith.constant 1 : i32
      %mul3A_27 = arith.muli %scan3A_25, %mul3A_26 : i32
      %add3A_28 = arith.constant 0 : i32
      %add3A_29 = arith.addi %add3A_28, %mul3A_27 : i32
      %scan3A_30 = arith.constant 0 : i32
      %scan3A_31 = arith.constant 8 : i32
      %scan3A_32 = arith.addi %scan3A_30, %scan3A_31 : i32
      %scan3A_33 = arith.constant 1 : i32
      scf.for %scan3A_35 = %scan3A_30 to %scan3A_32 step %scan3A_33  : i32 {
        %mul3A_36 = arith.constant 1 : i32
        %mul3A_37 = arith.muli %scan3A_35, %mul3A_36 : i32
        %add3A_38 = arith.constant 0 : i32
        %add3A_39 = arith.addi %add3A_38, %mul3A_37 : i32
        %broadcast_in_dim3A = arith.constant 0.000000e+00 : f32
        %broadcast_in_dim3A_40 = vector.broadcast %broadcast_in_dim3A : f32 to vector<16xf32>
        %mul3A_41 = arith.constant 16 : i32
        %mul3A_42 = arith.muli %add3A_39, %mul3A_41 : i32
        %swap3A = arith.constant 0 : i32
        %swap3A_43 = arith.index_cast %swap3A : i32 to index
        %swap3A_44 = arith.index_cast %add3A_29 : i32 to index
        %swap3A_45 = arith.index_cast %mul3A_42 : i32 to index
        %swap3A_46 = tpu.vector_load %arg8[%swap3A_43, %swap3A_44, %swap3A_45] {strides = array<i32>} : memref<2x128x128xf32, #tpu.memory_space<vmem>>, vector<1x1x16xf32>,
        %swap3A_47 = vector.shape_cast %swap3A_46 : vector<1x1x16xf32> to vector<16xf32>
        %swap3A_48 = vector.shape_cast %broadcast_in_dim3A_40 : vector<16xf32> to vector<1x1x16xf32>
        tpu.vector_store %arg8[%swap3A_43, %swap3A_44, %swap3A_45], %swap3A_48 {strides = array<i32>} : memref<2x128x128xf32, #tpu.memory_space<vmem>>, vector<1x1x16xf32>,
      }
      %scan3A_34 = arith.constant 8 : i32
    }
    %scan3A_4 = arith.constant 128 : i32
    %scan3A_5 = arith.constant 0 : i32
    %scan3A_6 = arith.constant 5 : i32
    %scan3A_7 = arith.addi %scan3A_5, %scan3A_6 : i32
    %scan3A_8 = arith.constant 1 : i32
    scf.for %scan3A_25 = %scan3A_5 to %scan3A_7 step %scan3A_8  : i32 {
      %mul3A_26 = arith.constant 1 : i32
      %mul3A_27 = arith.muli %scan3A_25, %mul3A_26 : i32
      %add3A_28 = arith.constant 0 : i32
      %add3A_29 = arith.addi %add3A_28, %mul3A_27 : i32
      %mul3A_30 = arith.constant 640 : i32
      %mul3A_31 = arith.muli %arg1, %mul3A_30 : i32
      %mul3A_32 = arith.constant 128 : i32
      %mul3A_33 = arith.muli %add3A_29, %mul3A_32 : i32
      %add3A_34 = arith.addi %mul3A_31, %mul3A_33 : i32
      %run_scoped3A = arith.constant 0 : i32
      "tpu.region"() ({
        %run_scoped3A_35 = tpu.sem_alloc : memref<!tpu.dma_semaphore, #tpu.memory_space<semaphore_mem>>
        %dma_start3A = arith.constant 0 : i32
        %dma_start3A_36 = arith.constant 0 : i32
        %dma_start3A_37 = tpu.memref_slice %arg8[%run_scoped3A, %dma_start3A, %dma_start3A_36] : memref<2x128x128xf32, #tpu.memory_space<vmem>> -> memref<1x128x128xf32, #tpu.memory_space<vmem>>
        %dma_start3A_38 = tpu.memref_squeeze %dma_start3A_37 : memref<1x128x128xf32, #tpu.memory_space<vmem>> -> memref<128x128xf32, #tpu.memory_space<vmem>>
        %dma_start3A_39 = arith.constant 0 : i32
        %dma_start3A_40 = tpu.memref_slice %arg12[%add3A_34, %dma_start3A_39] : memref<10240x128xf32, #tpu.memory_space<vmem_shared>> -> memref<128x128xf32, #tpu.memory_space<vmem_shared>>
        %dma_start3A_41 = arith.constant 0 : i32
        %dma_start3A_42 = tpu.memref_slice %arg12[%add3A_34, %dma_start3A_41] : memref<10240x128xf32, #tpu.memory_space<vmem_shared>> -> memref<128x128xf32, #tpu.memory_space<vmem_shared>>
        %dma_start3A_43 = arith.constant 0 : i32
        %dma_start3A_44 = arith.constant 0 : i32
        %dma_start3A_45 = tpu.memref_slice %arg8[%run_scoped3A, %dma_start3A_43, %dma_start3A_44] : memref<2x128x128xf32, #tpu.memory_space<vmem>> -> memref<1x128x128xf32, #tpu.memory_space<vmem>>
        %dma_start3A_46 = tpu.memref_squeeze %dma_start3A_45 : memref<1x128x128xf32, #tpu.memory_space<vmem>> -> memref<128x128xf32, #tpu.memory_space<vmem>>
        tpu.enqueue_dma source(%dma_start3A_46 : memref<128x128xf32, #tpu.memory_space<vmem>>) target(%dma_start3A_42 : memref<128x128xf32, #tpu.memory_space<vmem_shared>>) target_semaphore(%run_scoped3A_35 : memref<!tpu.dma_semaphore, #tpu.memory_space<semaphore_mem>>)
        %dma_wait3A = arith.constant 0 : i32
        %dma_wait3A_47 = arith.constant 0 : i32
        %dma_wait3A_48 = tpu.memref_slice %arg8[%run_scoped3A, %dma_wait3A, %dma_wait3A_47] : memref<2x128x128xf32, #tpu.memory_space<vmem>> -> memref<1x128x128xf32, #tpu.memory_space<vmem>>
        %dma_wait3A_49 = tpu.memref_squeeze %dma_wait3A_48 : memref<1x128x128xf32, #tpu.memory_space<vmem>> -> memref<128x128xf32, #tpu.memory_space<vmem>>
        %dma_wait3A_50 = arith.constant 0 : i32
        %dma_wait3A_51 = tpu.memref_slice %arg12[%add3A_34, %dma_wait3A_50] : memref<10240x128xf32, #tpu.memory_space<vmem_shared>> -> memref<128x128xf32, #tpu.memory_space<vmem_shared>>
        %dma_wait3A_52 = arith.constant 0 : i32
        %dma_wait3A_53 = tpu.memref_slice %arg12[%add3A_34, %dma_wait3A_52] : memref<10240x128xf32, #tpu.memory_space<vmem_shared>> -> memref<128x128xf32, #tpu.memory_space<vmem_shared>>
        %dma_wait3A_54 = arith.constant 0 : i32
        %dma_wait3A_55 = arith.constant 0 : i32
        %dma_wait3A_56 = tpu.memref_slice %arg8[%run_scoped3A, %dma_wait3A_54, %dma_wait3A_55] : memref<2x128x128xf32, #tpu.memory_space<vmem>> -> memref<1x128x128xf32, #tpu.memory_space<vmem>>
        %dma_wait3A_57 = tpu.memref_squeeze %dma_wait3A_56 : memref<1x128x128xf32, #tpu.memory_space<vmem>> -> memref<128x128xf32, #tpu.memory_space<vmem>>
        tpu.wait_dma2 semaphore(%run_scoped3A_35 : memref<!tpu.dma_semaphore, #tpu.memory_space<semaphore_mem>>) src(%dma_wait3A_57 : memref<128x128xf32, #tpu.memory_space<vmem>>) dst(%dma_wait3A_53 : memref<128x128xf32, #tpu.memory_space<vmem_shared>>)
        tpu.yield
      }) : () -> ()
    }
    %scan3A_9 = arith.constant 5 : i32
    %barrier3A = arith.constant 0 : index
    tpu.barrier barrier_id(%barrier3A)
    %scan3A_10 = arith.constant 0 : i32
    %scan3A_11 = arith.constant 2 : i32
    %scan3A_12 = arith.addi %scan3A_10, %scan3A_11 : i32
    %scan3A_13 = arith.constant 1 : i32
    scf.for %scan3A_25 = %scan3A_10 to %scan3A_12 step %scan3A_13  : i32 {
      %mul3A_26 = arith.constant 1 : i32
      %mul3A_27 = arith.muli %scan3A_25, %mul3A_26 : i32
      %add3A_28 = arith.constant 0 : i32
      %add3A_29 = arith.addi %add3A_28, %mul3A_27 : i32
      %mul3A_30 = arith.constant 40 : i32
      %mul3A_31 = arith.muli %add3A_29, %mul3A_30 : i32
      "tpu.region"() ({
        %run_scoped3A = tpu.sem_alloc : memref<!tpu.dma_semaphore, #tpu.memory_space<semaphore_mem>>
        %dma_start3A_119 = arith.constant 0 : i32
        %dma_start3A_120 = arith.constant 0 : i32
        %dma_start3A_121 = arith.constant 0 : i32
        %dma_start3A_122 = tpu.memref_slice %arg3[%arg0, %dma_start3A_119, %dma_start3A_120, %dma_start3A_121] : memref<2x16x80x128xi32, #tpu.memory_space<hbm>> -> memref<1x16x80x128xi32, #tpu.memory_space<hbm>>
        %dma_start3A_123 = tpu.memref_squeeze %dma_start3A_122 : memref<1x16x80x128xi32, #tpu.memory_space<hbm>> -> memref<16x80x128xi32, #tpu.memory_space<hbm>>
        %dma_start3A_124 = arith.constant 0 : i32
        %dma_start3A_125 = arith.constant 0 : i32
        %dma_start3A_126 = tpu.memref_slice %dma_start3A_123[%arg1, %dma_start3A_124, %dma_start3A_125] : memref<16x80x128xi32, #tpu.memory_space<hbm>> -> memref<1x80x128xi32, #tpu.memory_space<hbm>>
        %dma_start3A_127 = tpu.memref_squeeze %dma_start3A_126 : memref<1x80x128xi32, #tpu.memory_space<hbm>> -> memref<80x128xi32, #tpu.memory_space<hbm>>
        %dma_start3A_128 = arith.constant 0 : i32
        %dma_start3A_129 = tpu.memref_slice %dma_start3A_127[%mul3A_31, %dma_start3A_128] : memref<80x128xi32, #tpu.memory_space<hbm>> -> memref<40x128xi32, #tpu.memory_space<hbm>>
        %dma_start3A_130 = arith.constant 0 : i32
        %dma_start3A_131 = arith.constant 0 : i32
        %dma_start3A_132 = arith.constant 0 : i32
        %dma_start3A_133 = tpu.memref_slice %arg3[%arg0, %dma_start3A_130, %dma_start3A_131, %dma_start3A_132] : memref<2x16x80x128xi32, #tpu.memory_space<hbm>> -> memref<1x16x80x128xi32, #tpu.memory_space<hbm>>
        %dma_start3A_134 = tpu.memref_squeeze %dma_start3A_133 : memref<1x16x80x128xi32, #tpu.memory_space<hbm>> -> memref<16x80x128xi32, #tpu.memory_space<hbm>>
        %dma_start3A_135 = arith.constant 0 : i32
        %dma_start3A_136 = arith.constant 0 : i32
        %dma_start3A_137 = tpu.memref_slice %dma_start3A_134[%arg1, %dma_start3A_135, %dma_start3A_136] : memref<16x80x128xi32, #tpu.memory_space<hbm>> -> memref<1x80x128xi32, #tpu.memory_space<hbm>>
        %dma_start3A_138 = tpu.memref_squeeze %dma_start3A_137 : memref<1x80x128xi32, #tpu.memory_space<hbm>> -> memref<80x128xi32, #tpu.memory_space<hbm>>
        %dma_start3A_139 = arith.constant 0 : i32
        %dma_start3A_140 = tpu.memref_slice %dma_start3A_138[%mul3A_31, %dma_start3A_139] : memref<80x128xi32, #tpu.memory_space<hbm>> -> memref<40x128xi32, #tpu.memory_space<hbm>>
        tpu.enqueue_dma source(%dma_start3A_140 : memref<40x128xi32, #tpu.memory_space<hbm>>) target(%arg9 : memref<40x128xi32, #tpu.memory_space<vmem>>) target_semaphore(%run_scoped3A : memref<!tpu.dma_semaphore, #tpu.memory_space<semaphore_mem>>)
        %dma_wait3A_141 = arith.constant 0 : i32
        %dma_wait3A_142 = arith.constant 0 : i32
        %dma_wait3A_143 = arith.constant 0 : i32
        %dma_wait3A_144 = tpu.memref_slice %arg3[%arg0, %dma_wait3A_141, %dma_wait3A_142, %dma_wait3A_143] : memref<2x16x80x128xi32, #tpu.memory_space<hbm>> -> memref<1x16x80x128xi32, #tpu.memory_space<hbm>>
        %dma_wait3A_145 = tpu.memref_squeeze %dma_wait3A_144 : memref<1x16x80x128xi32, #tpu.memory_space<hbm>> -> memref<16x80x128xi32, #tpu.memory_space<hbm>>
        %dma_wait3A_146 = arith.constant 0 : i32
        %dma_wait3A_147 = arith.constant 0 : i32
        %dma_wait3A_148 = tpu.memref_slice %dma_wait3A_145[%arg1, %dma_wait3A_146, %dma_wait3A_147] : memref<16x80x128xi32, #tpu.memory_space<hbm>> -> memref<1x80x128xi32, #tpu.memory_space<hbm>>
        %dma_wait3A_149 = tpu.memref_squeeze %dma_wait3A_148 : memref<1x80x128xi32, #tpu.memory_space<hbm>> -> memref<80x128xi32, #tpu.memory_space<hbm>>
        %dma_wait3A_150 = arith.constant 0 : i32
        %dma_wait3A_151 = tpu.memref_slice %dma_wait3A_149[%mul3A_31, %dma_wait3A_150] : memref<80x128xi32, #tpu.memory_space<hbm>> -> memref<40x128xi32, #tpu.memory_space<hbm>>
        %dma_wait3A_152 = arith.constant 0 : i32
        %dma_wait3A_153 = arith.constant 0 : i32
        %dma_wait3A_154 = arith.constant 0 : i32
        %dma_wait3A_155 = tpu.memref_slice %arg3[%arg0, %dma_wait3A_152, %dma_wait3A_153, %dma_wait3A_154] : memref<2x16x80x128xi32, #tpu.memory_space<hbm>> -> memref<1x16x80x128xi32, #tpu.memory_space<hbm>>
        %dma_wait3A_156 = tpu.memref_squeeze %dma_wait3A_155 : memref<1x16x80x128xi32, #tpu.memory_space<hbm>> -> memref<16x80x128xi32, #tpu.memory_space<hbm>>
        %dma_wait3A_157 = arith.constant 0 : i32
        %dma_wait3A_158 = arith.constant 0 : i32
        %dma_wait3A_159 = tpu.memref_slice %dma_wait3A_156[%arg1, %dma_wait3A_157, %dma_wait3A_158] : memref<16x80x128xi32, #tpu.memory_space<hbm>> -> memref<1x80x128xi32, #tpu.memory_space<hbm>>
        %dma_wait3A_160 = tpu.memref_squeeze %dma_wait3A_159 : memref<1x80x128xi32, #tpu.memory_space<hbm>> -> memref<80x128xi32, #tpu.memory_space<hbm>>
        %dma_wait3A_161 = arith.constant 0 : i32
        %dma_wait3A_162 = tpu.memref_slice %dma_wait3A_160[%mul3A_31, %dma_wait3A_161] : memref<80x128xi32, #tpu.memory_space<hbm>> -> memref<40x128xi32, #tpu.memory_space<hbm>>
        tpu.wait_dma2 semaphore(%run_scoped3A : memref<!tpu.dma_semaphore, #tpu.memory_space<semaphore_mem>>) src(%dma_wait3A_162 : memref<40x128xi32, #tpu.memory_space<hbm>>) dst(%arg9 : memref<40x128xi32, #tpu.memory_space<vmem>>)
        tpu.yield
      }) : () -> ()
      %mul3A_32 = arith.constant 40 : i32
      %mul3A_33 = arith.muli %add3A_29, %mul3A_32 : i32
      %add3A_34 = arith.constant 0 : i32
      %add3A_35 = arith.addi %mul3A_33, %add3A_34 : i32
      %mul3A_36 = arith.constant 80 : i32
      %mul3A_37 = arith.muli %arg1, %mul3A_36 : i32
      %add3A_38 = arith.addi %mul3A_37, %add3A_35 : i32
      %mul3A_39 = arith.constant 128 : i32
      %mul3A_40 = arith.muli %add3A_38, %mul3A_39 : i32
      %dma_start3A = arith.constant 0 : i32
      %dma_start3A_41 = arith.constant 0 : i32
      %dma_start3A_42 = arith.constant 0 : i32
      %dma_start3A_43 = tpu.memref_slice %arg8[%dma_start3A, %dma_start3A_41, %dma_start3A_42] : memref<2x128x128xf32, #tpu.memory_space<vmem>> -> memref<1x128x128xf32, #tpu.memory_space<vmem>>
      %dma_start3A_44 = tpu.memref_squeeze %dma_start3A_43 : memref<1x128x128xf32, #tpu.memory_space<vmem>> -> memref<128x128xf32, #tpu.memory_space<vmem>>
      %dma_start3A_45 = arith.constant 0 : i32
      %dma_start3A_46 = arith.constant 0 : i32
      %dma_start3A_47 = tpu.memref_slice %arg2[%arg0, %dma_start3A_45, %dma_start3A_46] : memref<2x163840x128xf32, #tpu.memory_space<hbm>> -> memref<1x163840x128xf32, #tpu.memory_space<hbm>>
      %dma_start3A_48 = tpu.memref_squeeze %dma_start3A_47 : memref<1x163840x128xf32, #tpu.memory_space<hbm>> -> memref<163840x128xf32, #tpu.memory_space<hbm>>
      %dma_start3A_49 = arith.constant 0 : i32
      %dma_start3A_50 = tpu.memref_slice %dma_start3A_48[%mul3A_40, %dma_start3A_49] : memref<163840x128xf32, #tpu.memory_space<hbm>> -> memref<128x128xf32, #tpu.memory_space<hbm>>
      %dma_start3A_51 = arith.constant 0 : i32
      %dma_start3A_52 = arith.constant 0 : i32
      %dma_start3A_53 = tpu.memref_slice %arg8[%dma_start3A, %dma_start3A_51, %dma_start3A_52] : memref<2x128x128xf32, #tpu.memory_space<vmem>> -> memref<1x128x128xf32, #tpu.memory_space<vmem>>
      %dma_start3A_54 = tpu.memref_squeeze %dma_start3A_53 : memref<1x128x128xf32, #tpu.memory_space<vmem>> -> memref<128x128xf32, #tpu.memory_space<vmem>>
      %dma_start3A_55 = arith.constant 0 : i32
      %dma_start3A_56 = arith.constant 0 : i32
      %dma_start3A_57 = tpu.memref_slice %arg2[%arg0, %dma_start3A_55, %dma_start3A_56] : memref<2x163840x128xf32, #tpu.memory_space<hbm>> -> memref<1x163840x128xf32, #tpu.memory_space<hbm>>
      %dma_start3A_58 = tpu.memref_squeeze %dma_start3A_57 : memref<1x163840x128xf32, #tpu.memory_space<hbm>> -> memref<163840x128xf32, #tpu.memory_space<hbm>>
      %dma_start3A_59 = arith.constant 0 : i32
      %dma_start3A_60 = tpu.memref_slice %dma_start3A_58[%mul3A_40, %dma_start3A_59] : memref<163840x128xf32, #tpu.memory_space<hbm>> -> memref<128x128xf32, #tpu.memory_space<hbm>>
      tpu.enqueue_dma source(%dma_start3A_60 : memref<128x128xf32, #tpu.memory_space<hbm>>) target(%dma_start3A_54 : memref<128x128xf32, #tpu.memory_space<vmem>>) target_semaphore(%arg13 : memref<!tpu.dma_semaphore, #tpu.memory_space<semaphore_mem>>)
      %mul3A_61 = arith.constant 40 : i32
      %mul3A_62 = arith.muli %add3A_29, %mul3A_61 : i32
      %add3A_63 = arith.constant 1 : i32
      %add3A_64 = arith.addi %mul3A_62, %add3A_63 : i32
      %mul3A_65 = arith.constant 80 : i32
      %mul3A_66 = arith.muli %arg1, %mul3A_65 : i32
      %add3A_67 = arith.addi %mul3A_66, %add3A_64 : i32
      %mul3A_68 = arith.constant 128 : i32
      %mul3A_69 = arith.muli %add3A_67, %mul3A_68 : i32
      %dma_start3A_70 = arith.constant 1 : i32
      %dma_start3A_71 = arith.constant 0 : i32
      %dma_start3A_72 = arith.constant 0 : i32
      %dma_start3A_73 = tpu.memref_slice %arg8[%dma_start3A_70, %dma_start3A_71, %dma_start3A_72] : memref<2x128x128xf32, #tpu.memory_space<vmem>> -> memref<1x128x128xf32, #tpu.memory_space<vmem>>
      %dma_start3A_74 = tpu.memref_squeeze %dma_start3A_73 : memref<1x128x128xf32, #tpu.memory_space<vmem>> -> memref<128x128xf32, #tpu.memory_space<vmem>>
      %dma_start3A_75 = arith.constant 0 : i32
      %dma_start3A_76 = arith.constant 0 : i32
      %dma_start3A_77 = tpu.memref_slice %arg2[%arg0, %dma_start3A_75, %dma_start3A_76] : memref<2x163840x128xf32, #tpu.memory_space<hbm>> -> memref<1x163840x128xf32, #tpu.memory_space<hbm>>
      %dma_start3A_78 = tpu.memref_squeeze %dma_start3A_77 : memref<1x163840x128xf32, #tpu.memory_space<hbm>> -> memref<163840x128xf32, #tpu.memory_space<hbm>>
      %dma_start3A_79 = arith.constant 0 : i32
      %dma_start3A_80 = tpu.memref_slice %dma_start3A_78[%mul3A_69, %dma_start3A_79] : memref<163840x128xf32, #tpu.memory_space<hbm>> -> memref<128x128xf32, #tpu.memory_space<hbm>>
      %dma_start3A_81 = arith.constant 0 : i32
      %dma_start3A_82 = arith.constant 0 : i32
      %dma_start3A_83 = tpu.memref_slice %arg8[%dma_start3A_70, %dma_start3A_81, %dma_start3A_82] : memref<2x128x128xf32, #tpu.memory_space<vmem>> -> memref<1x128x128xf32, #tpu.memory_space<vmem>>
      %dma_start3A_84 = tpu.memref_squeeze %dma_start3A_83 : memref<1x128x128xf32, #tpu.memory_space<vmem>> -> memref<128x128xf32, #tpu.memory_space<vmem>>
      %dma_start3A_85 = arith.constant 0 : i32
      %dma_start3A_86 = arith.constant 0 : i32
      %dma_start3A_87 = tpu.memref_slice %arg2[%arg0, %dma_start3A_85, %dma_start3A_86] : memref<2x163840x128xf32, #tpu.memory_space<hbm>> -> memref<1x163840x128xf32, #tpu.memory_space<hbm>>
      %dma_start3A_88 = tpu.memref_squeeze %dma_start3A_87 : memref<1x163840x128xf32, #tpu.memory_space<hbm>> -> memref<163840x128xf32, #tpu.memory_space<hbm>>
      %dma_start3A_89 = arith.constant 0 : i32
      %dma_start3A_90 = tpu.memref_slice %dma_start3A_88[%mul3A_69, %dma_start3A_89] : memref<163840x128xf32, #tpu.memory_space<hbm>> -> memref<128x128xf32, #tpu.memory_space<hbm>>
      tpu.enqueue_dma source(%dma_start3A_90 : memref<128x128xf32, #tpu.memory_space<hbm>>) target(%dma_start3A_84 : memref<128x128xf32, #tpu.memory_space<vmem>>) target_semaphore(%arg14 : memref<!tpu.dma_semaphore, #tpu.memory_space<semaphore_mem>>)
      %scan3A_91 = arith.constant 0 : i32
      %scan3A_92 = arith.constant 20 : i32
      %scan3A_93 = arith.addi %scan3A_91, %scan3A_92 : i32
      %scan3A_94 = arith.constant 1 : i32
      scf.for %scan3A_119 = %scan3A_91 to %scan3A_93 step %scan3A_94  : i32 {
        %mul3A_120 = arith.constant 1 : i32
        %mul3A_121 = arith.muli %scan3A_119, %mul3A_120 : i32
        %add3A_122 = arith.constant 0 : i32
        %add3A_123 = arith.addi %add3A_122, %mul3A_121 : i32
        %mul3A_124 = arith.constant 40 : i32
        %mul3A_125 = arith.muli %add3A_29, %mul3A_124 : i32
        %mul3A_126 = arith.constant 2 : i32
        %mul3A_127 = arith.muli %add3A_123, %mul3A_126 : i32
        %add3A_128 = arith.addi %mul3A_125, %mul3A_127 : i32
        %add3A_129 = arith.constant 0 : i32
        %add3A_130 = arith.addi %add3A_128, %add3A_129 : i32
        %mul3A_131 = arith.constant 80 : i32
        %mul3A_132 = arith.muli %arg1, %mul3A_131 : i32
        %add3A_133 = arith.addi %mul3A_132, %add3A_130 : i32
        %mul3A_134 = arith.constant 128 : i32
        %mul3A_135 = arith.muli %add3A_133, %mul3A_134 : i32
        %dma_wait3A_136 = arith.constant 0 : i32
        %dma_wait3A_137 = arith.constant 0 : i32
        %dma_wait3A_138 = arith.constant 0 : i32
        %dma_wait3A_139 = tpu.memref_slice %arg8[%dma_wait3A_136, %dma_wait3A_137, %dma_wait3A_138] : memref<2x128x128xf32, #tpu.memory_space<vmem>> -> memref<1x128x128xf32, #tpu.memory_space<vmem>>
        %dma_wait3A_140 = tpu.memref_squeeze %dma_wait3A_139 : memref<1x128x128xf32, #tpu.memory_space<vmem>> -> memref<128x128xf32, #tpu.memory_space<vmem>>
        %dma_wait3A_141 = arith.constant 0 : i32
        %dma_wait3A_142 = arith.constant 0 : i32
        %dma_wait3A_143 = tpu.memref_slice %arg2[%arg0, %dma_wait3A_141, %dma_wait3A_142] : memref<2x163840x128xf32, #tpu.memory_space<hbm>> -> memref<1x163840x128xf32, #tpu.memory_space<hbm>>
        %dma_wait3A_144 = tpu.memref_squeeze %dma_wait3A_143 : memref<1x163840x128xf32, #tpu.memory_space<hbm>> -> memref<163840x128xf32, #tpu.memory_space<hbm>>
        %dma_wait3A_145 = arith.constant 0 : i32
        %dma_wait3A_146 = tpu.memref_slice %dma_wait3A_144[%mul3A_135, %dma_wait3A_145] : memref<163840x128xf32, #tpu.memory_space<hbm>> -> memref<128x128xf32, #tpu.memory_space<hbm>>
        %dma_wait3A_147 = arith.constant 0 : i32
        %dma_wait3A_148 = arith.constant 0 : i32
        %dma_wait3A_149 = tpu.memref_slice %arg8[%dma_wait3A_136, %dma_wait3A_147, %dma_wait3A_148] : memref<2x128x128xf32, #tpu.memory_space<vmem>> -> memref<1x128x128xf32, #tpu.memory_space<vmem>>
        %dma_wait3A_150 = tpu.memref_squeeze %dma_wait3A_149 : memref<1x128x128xf32, #tpu.memory_space<vmem>> -> memref<128x128xf32, #tpu.memory_space<vmem>>
        %dma_wait3A_151 = arith.constant 0 : i32
        %dma_wait3A_152 = arith.constant 0 : i32
        %dma_wait3A_153 = tpu.memref_slice %arg2[%arg0, %dma_wait3A_151, %dma_wait3A_152] : memref<2x163840x128xf32, #tpu.memory_space<hbm>> -> memref<1x163840x128xf32, #tpu.memory_space<hbm>>
        %dma_wait3A_154 = tpu.memref_squeeze %dma_wait3A_153 : memref<1x163840x128xf32, #tpu.memory_space<hbm>> -> memref<163840x128xf32, #tpu.memory_space<hbm>>
        %dma_wait3A_155 = arith.constant 0 : i32
        %dma_wait3A_156 = tpu.memref_slice %dma_wait3A_154[%mul3A_135, %dma_wait3A_155] : memref<163840x128xf32, #tpu.memory_space<hbm>> -> memref<128x128xf32, #tpu.memory_space<hbm>>
        tpu.wait_dma2 semaphore(%arg13 : memref<!tpu.dma_semaphore, #tpu.memory_space<semaphore_mem>>) src(%dma_wait3A_156 : memref<128x128xf32, #tpu.memory_space<hbm>>) dst(%dma_wait3A_150 : memref<128x128xf32, #tpu.memory_space<vmem>>)
        %mul3A_157 = arith.constant 2 : i32
        %mul3A_158 = arith.muli %add3A_123, %mul3A_157 : i32
        %add3A_159 = arith.constant 0 : i32
        %add3A_160 = arith.addi %mul3A_158, %add3A_159 : i32
        %dma_start3A_161 = arith.constant 0 : i32
        %dma_start3A_162 = arith.constant 0 : i32
        %dma_start3A_163 = arith.constant 0 : i32
        %dma_start3A_164 = tpu.memref_slice %arg8[%dma_start3A_161, %dma_start3A_162, %dma_start3A_163] : memref<2x128x128xf32, #tpu.memory_space<vmem>> -> memref<1x128x128xf32, #tpu.memory_space<vmem>>
        %dma_start3A_165 = tpu.memref_squeeze %dma_start3A_164 : memref<1x128x128xf32, #tpu.memory_space<vmem>> -> memref<128x128xf32, #tpu.memory_space<vmem>>
        %dma_start3A_166 = arith.constant 0 : i32
        %dma_start3A_167 = tpu.memref_slice %arg9[%add3A_160, %dma_start3A_166] : memref<40x128xi32, #tpu.memory_space<vmem>> -> memref<1x128xi32, #tpu.memory_space<vmem>>
        %dma_start3A_168 = tpu.memref_squeeze %dma_start3A_167 : memref<1x128xi32, #tpu.memory_space<vmem>> -> memref<128xi32, #tpu.memory_space<vmem>>
        %dma_start3A_169 = arith.constant 0 : i32
        %dma_start3A_170 = arith.constant 0 : i32
        %dma_start3A_171 = tpu.memref_slice %arg12[%dma_start3A_169, %dma_start3A_170] : memref<10240x128xf32, #tpu.memory_space<vmem_shared>> -> memref<10240x128xf32, #tpu.memory_space<vmem_shared>>
        tpu.enqueue_indirect_dma source(%dma_start3A_165 : memref<128x128xf32, #tpu.memory_space<vmem>>) target(%dma_start3A_171 : memref<10240x128xf32, #tpu.memory_space<vmem_shared>>) offsets(%dma_start3A_168 : memref<128xi32, #tpu.memory_space<vmem>>) semaphore(%arg15 : memref<!tpu.dma_semaphore, #tpu.memory_space<semaphore_mem>>) {add = true}
        %mul3A_172 = arith.constant 40 : i32
        %mul3A_173 = arith.muli %add3A_29, %mul3A_172 : i32
        %mul3A_174 = arith.constant 2 : i32
        %mul3A_175 = arith.muli %add3A_123, %mul3A_174 : i32
        %add3A_176 = arith.addi %mul3A_173, %mul3A_175 : i32
        %add3A_177 = arith.constant 1 : i32
        %add3A_178 = arith.addi %add3A_176, %add3A_177 : i32
        %mul3A_179 = arith.constant 80 : i32
        %mul3A_180 = arith.muli %arg1, %mul3A_179 : i32
        %add3A_181 = arith.addi %mul3A_180, %add3A_178 : i32
        %mul3A_182 = arith.constant 128 : i32
        %mul3A_183 = arith.muli %add3A_181, %mul3A_182 : i32
        %dma_wait3A_184 = arith.constant 1 : i32
        %dma_wait3A_185 = arith.constant 0 : i32
        %dma_wait3A_186 = arith.constant 0 : i32
        %dma_wait3A_187 = tpu.memref_slice %arg8[%dma_wait3A_184, %dma_wait3A_185, %dma_wait3A_186] : memref<2x128x128xf32, #tpu.memory_space<vmem>> -> memref<1x128x128xf32, #tpu.memory_space<vmem>>
        %dma_wait3A_188 = tpu.memref_squeeze %dma_wait3A_187 : memref<1x128x128xf32, #tpu.memory_space<vmem>> -> memref<128x128xf32, #tpu.memory_space<vmem>>
        %dma_wait3A_189 = arith.constant 0 : i32
        %dma_wait3A_190 = arith.constant 0 : i32
        %dma_wait3A_191 = tpu.memref_slice %arg2[%arg0, %dma_wait3A_189, %dma_wait3A_190] : memref<2x163840x128xf32, #tpu.memory_space<hbm>> -> memref<1x163840x128xf32, #tpu.memory_space<hbm>>
        %dma_wait3A_192 = tpu.memref_squeeze %dma_wait3A_191 : memref<1x163840x128xf32, #tpu.memory_space<hbm>> -> memref<163840x128xf32, #tpu.memory_space<hbm>>
        %dma_wait3A_193 = arith.constant 0 : i32
        %dma_wait3A_194 = tpu.memref_slice %dma_wait3A_192[%mul3A_183, %dma_wait3A_193] : memref<163840x128xf32, #tpu.memory_space<hbm>> -> memref<128x128xf32, #tpu.memory_space<hbm>>
        %dma_wait3A_195 = arith.constant 0 : i32
        %dma_wait3A_196 = arith.constant 0 : i32
        %dma_wait3A_197 = tpu.memref_slice %arg8[%dma_wait3A_184, %dma_wait3A_195, %dma_wait3A_196] : memref<2x128x128xf32, #tpu.memory_space<vmem>> -> memref<1x128x128xf32, #tpu.memory_space<vmem>>
        %dma_wait3A_198 = tpu.memref_squeeze %dma_wait3A_197 : memref<1x128x128xf32, #tpu.memory_space<vmem>> -> memref<128x128xf32, #tpu.memory_space<vmem>>
        %dma_wait3A_199 = arith.constant 0 : i32
        %dma_wait3A_200 = arith.constant 0 : i32
        %dma_wait3A_201 = tpu.memref_slice %arg2[%arg0, %dma_wait3A_199, %dma_wait3A_200] : memref<2x163840x128xf32, #tpu.memory_space<hbm>> -> memref<1x163840x128xf32, #tpu.memory_space<hbm>>
        %dma_wait3A_202 = tpu.memref_squeeze %dma_wait3A_201 : memref<1x163840x128xf32, #tpu.memory_space<hbm>> -> memref<163840x128xf32, #tpu.memory_space<hbm>>
        %dma_wait3A_203 = arith.constant 0 : i32
        %dma_wait3A_204 = tpu.memref_slice %dma_wait3A_202[%mul3A_183, %dma_wait3A_203] : memref<163840x128xf32, #tpu.memory_space<hbm>> -> memref<128x128xf32, #tpu.memory_space<hbm>>
        tpu.wait_dma2 semaphore(%arg14 : memref<!tpu.dma_semaphore, #tpu.memory_space<semaphore_mem>>) src(%dma_wait3A_204 : memref<128x128xf32, #tpu.memory_space<hbm>>) dst(%dma_wait3A_198 : memref<128x128xf32, #tpu.memory_space<vmem>>)
        %mul3A_205 = arith.constant 2 : i32
        %mul3A_206 = arith.muli %add3A_123, %mul3A_205 : i32
        %add3A_207 = arith.constant 1 : i32
        %add3A_208 = arith.addi %mul3A_206, %add3A_207 : i32
        %dma_start3A_209 = arith.constant 1 : i32
        %dma_start3A_210 = arith.constant 0 : i32
        %dma_start3A_211 = arith.constant 0 : i32
        %dma_start3A_212 = tpu.memref_slice %arg8[%dma_start3A_209, %dma_start3A_210, %dma_start3A_211] : memref<2x128x128xf32, #tpu.memory_space<vmem>> -> memref<1x128x128xf32, #tpu.memory_space<vmem>>
        %dma_start3A_213 = tpu.memref_squeeze %dma_start3A_212 : memref<1x128x128xf32, #tpu.memory_space<vmem>> -> memref<128x128xf32, #tpu.memory_space<vmem>>
        %dma_start3A_214 = arith.constant 0 : i32
        %dma_start3A_215 = tpu.memref_slice %arg9[%add3A_208, %dma_start3A_214] : memref<40x128xi32, #tpu.memory_space<vmem>> -> memref<1x128xi32, #tpu.memory_space<vmem>>
        %dma_start3A_216 = tpu.memref_squeeze %dma_start3A_215 : memref<1x128xi32, #tpu.memory_space<vmem>> -> memref<128xi32, #tpu.memory_space<vmem>>
        %dma_start3A_217 = arith.constant 0 : i32
        %dma_start3A_218 = arith.constant 0 : i32
        %dma_start3A_219 = tpu.memref_slice %arg12[%dma_start3A_217, %dma_start3A_218] : memref<10240x128xf32, #tpu.memory_space<vmem_shared>> -> memref<10240x128xf32, #tpu.memory_space<vmem_shared>>
        tpu.enqueue_indirect_dma source(%dma_start3A_213 : memref<128x128xf32, #tpu.memory_space<vmem>>) target(%dma_start3A_219 : memref<10240x128xf32, #tpu.memory_space<vmem_shared>>) offsets(%dma_start3A_216 : memref<128xi32, #tpu.memory_space<vmem>>) semaphore(%arg16 : memref<!tpu.dma_semaphore, #tpu.memory_space<semaphore_mem>>) {add = true}
        %mul3A_220 = arith.constant 2 : i32
        %mul3A_221 = arith.muli %add3A_123, %mul3A_220 : i32
        %add3A_222 = arith.constant 0 : i32
        %add3A_223 = arith.addi %mul3A_221, %add3A_222 : i32
        %add3A_224 = arith.constant 2 : i32
        %add3A_225 = arith.addi %add3A_223, %add3A_224 : i32
        %lt3A = arith.constant 40 : i32
        %lt3A_226 = arith.cmpi slt, %add3A_225, %lt3A : i32
        %convert_element_type3A = arith.extui %lt3A_226 : i1 to i32
        %cond3A = arith.constant 0 : i32
        %cond3A_227 = arith.cmpi ne, %convert_element_type3A, %cond3A : i32
        scf.if %cond3A_227 {
          %dma_wait3A_239 = arith.constant 0 : i32
          %dma_wait3A_240 = arith.constant 0 : i32
          %dma_wait3A_241 = arith.constant 0 : i32
          %dma_wait3A_242 = tpu.memref_slice %arg8[%dma_wait3A_239, %dma_wait3A_240, %dma_wait3A_241] : memref<2x128x128xf32, #tpu.memory_space<vmem>> -> memref<1x128x128xf32, #tpu.memory_space<vmem>>
          %dma_wait3A_243 = tpu.memref_squeeze %dma_wait3A_242 : memref<1x128x128xf32, #tpu.memory_space<vmem>> -> memref<128x128xf32, #tpu.memory_space<vmem>>
          %dma_wait3A_244 = arith.constant 0 : i32
          %dma_wait3A_245 = tpu.memref_slice %arg9[%add3A_223, %dma_wait3A_244] : memref<40x128xi32, #tpu.memory_space<vmem>> -> memref<1x128xi32, #tpu.memory_space<vmem>>
          %dma_wait3A_246 = tpu.memref_squeeze %dma_wait3A_245 : memref<1x128xi32, #tpu.memory_space<vmem>> -> memref<128xi32, #tpu.memory_space<vmem>>
          %dma_wait3A_247 = arith.constant 0 : i32
          %dma_wait3A_248 = arith.constant 0 : i32
          %dma_wait3A_249 = tpu.memref_slice %arg12[%dma_wait3A_247, %dma_wait3A_248] : memref<10240x128xf32, #tpu.memory_space<vmem_shared>> -> memref<10240x128xf32, #tpu.memory_space<vmem_shared>>
          tpu.wait_indirect_dma semaphore(%arg15 : memref<!tpu.dma_semaphore, #tpu.memory_space<semaphore_mem>>) src(%dma_wait3A_243 : memref<128x128xf32, #tpu.memory_space<vmem>>) dst(%dma_wait3A_249 : memref<10240x128xf32, #tpu.memory_space<vmem_shared>>)
          %mul3A_250 = arith.constant 80 : i32
          %mul3A_251 = arith.muli %arg1, %mul3A_250 : i32
          %mul3A_252 = arith.constant 40 : i32
          %mul3A_253 = arith.muli %add3A_29, %mul3A_252 : i32
          %add3A_254 = arith.addi %mul3A_251, %mul3A_253 : i32
          %add3A_255 = arith.addi %add3A_254, %add3A_223 : i32
          %add3A_256 = arith.constant 2 : i32
          %add3A_257 = arith.addi %add3A_255, %add3A_256 : i32
          %mul3A_258 = arith.constant 128 : i32
          %mul3A_259 = arith.muli %add3A_257, %mul3A_258 : i32
          %dma_start3A_260 = arith.constant 0 : i32
          %dma_start3A_261 = arith.constant 0 : i32
          %dma_start3A_262 = arith.constant 0 : i32
          %dma_start3A_263 = tpu.memref_slice %arg8[%dma_start3A_260, %dma_start3A_261, %dma_start3A_262] : memref<2x128x128xf32, #tpu.memory_space<vmem>> -> memref<1x128x128xf32, #tpu.memory_space<vmem>>
          %dma_start3A_264 = tpu.memref_squeeze %dma_start3A_263 : memref<1x128x128xf32, #tpu.memory_space<vmem>> -> memref<128x128xf32, #tpu.memory_space<vmem>>
          %dma_start3A_265 = arith.constant 0 : i32
          %dma_start3A_266 = arith.constant 0 : i32
          %dma_start3A_267 = tpu.memref_slice %arg2[%arg0, %dma_start3A_265, %dma_start3A_266] : memref<2x163840x128xf32, #tpu.memory_space<hbm>> -> memref<1x163840x128xf32, #tpu.memory_space<hbm>>
          %dma_start3A_268 = tpu.memref_squeeze %dma_start3A_267 : memref<1x163840x128xf32, #tpu.memory_space<hbm>> -> memref<163840x128xf32, #tpu.memory_space<hbm>>
          %dma_start3A_269 = arith.constant 0 : i32
          %dma_start3A_270 = tpu.memref_slice %dma_start3A_268[%mul3A_259, %dma_start3A_269] : memref<163840x128xf32, #tpu.memory_space<hbm>> -> memref<128x128xf32, #tpu.memory_space<hbm>>
          %dma_start3A_271 = arith.constant 0 : i32
          %dma_start3A_272 = arith.constant 0 : i32
          %dma_start3A_273 = tpu.memref_slice %arg8[%dma_start3A_260, %dma_start3A_271, %dma_start3A_272] : memref<2x128x128xf32, #tpu.memory_space<vmem>> -> memref<1x128x128xf32, #tpu.memory_space<vmem>>
          %dma_start3A_274 = tpu.memref_squeeze %dma_start3A_273 : memref<1x128x128xf32, #tpu.memory_space<vmem>> -> memref<128x128xf32, #tpu.memory_space<vmem>>
          %dma_start3A_275 = arith.constant 0 : i32
          %dma_start3A_276 = arith.constant 0 : i32
          %dma_start3A_277 = tpu.memref_slice %arg2[%arg0, %dma_start3A_275, %dma_start3A_276] : memref<2x163840x128xf32, #tpu.memory_space<hbm>> -> memref<1x163840x128xf32, #tpu.memory_space<hbm>>
          %dma_start3A_278 = tpu.memref_squeeze %dma_start3A_277 : memref<1x163840x128xf32, #tpu.memory_space<hbm>> -> memref<163840x128xf32, #tpu.memory_space<hbm>>
          %dma_start3A_279 = arith.constant 0 : i32
          %dma_start3A_280 = tpu.memref_slice %dma_start3A_278[%mul3A_259, %dma_start3A_279] : memref<163840x128xf32, #tpu.memory_space<hbm>> -> memref<128x128xf32, #tpu.memory_space<hbm>>
          tpu.enqueue_dma source(%dma_start3A_280 : memref<128x128xf32, #tpu.memory_space<hbm>>) target(%dma_start3A_274 : memref<128x128xf32, #tpu.memory_space<vmem>>) target_semaphore(%arg13 : memref<!tpu.dma_semaphore, #tpu.memory_space<semaphore_mem>>)
        } else {
        }
        %mul3A_228 = arith.constant 2 : i32
        %mul3A_229 = arith.muli %add3A_123, %mul3A_228 : i32
        %add3A_230 = arith.constant 1 : i32
        %add3A_231 = arith.addi %mul3A_229, %add3A_230 : i32
        %add3A_232 = arith.constant 2 : i32
        %add3A_233 = arith.addi %add3A_231, %add3A_232 : i32
        %lt3A_234 = arith.constant 40 : i32
        %lt3A_235 = arith.cmpi slt, %add3A_233, %lt3A_234 : i32
        %convert_element_type3A_236 = arith.extui %lt3A_235 : i1 to i32
        %cond3A_237 = arith.constant 0 : i32
        %cond3A_238 = arith.cmpi ne, %convert_element_type3A_236, %cond3A_237 : i32
        scf.if %cond3A_238 {
          %dma_wait3A_239 = arith.constant 1 : i32
          %dma_wait3A_240 = arith.constant 0 : i32
          %dma_wait3A_241 = arith.constant 0 : i32
          %dma_wait3A_242 = tpu.memref_slice %arg8[%dma_wait3A_239, %dma_wait3A_240, %dma_wait3A_241] : memref<2x128x128xf32, #tpu.memory_space<vmem>> -> memref<1x128x128xf32, #tpu.memory_space<vmem>>
          %dma_wait3A_243 = tpu.memref_squeeze %dma_wait3A_242 : memref<1x128x128xf32, #tpu.memory_space<vmem>> -> memref<128x128xf32, #tpu.memory_space<vmem>>
          %dma_wait3A_244 = arith.constant 0 : i32
          %dma_wait3A_245 = tpu.memref_slice %arg9[%add3A_231, %dma_wait3A_244] : memref<40x128xi32, #tpu.memory_space<vmem>> -> memref<1x128xi32, #tpu.memory_space<vmem>>
          %dma_wait3A_246 = tpu.memref_squeeze %dma_wait3A_245 : memref<1x128xi32, #tpu.memory_space<vmem>> -> memref<128xi32, #tpu.memory_space<vmem>>
          %dma_wait3A_247 = arith.constant 0 : i32
          %dma_wait3A_248 = arith.constant 0 : i32
          %dma_wait3A_249 = tpu.memref_slice %arg12[%dma_wait3A_247, %dma_wait3A_248] : memref<10240x128xf32, #tpu.memory_space<vmem_shared>> -> memref<10240x128xf32, #tpu.memory_space<vmem_shared>>
          tpu.wait_indirect_dma semaphore(%arg16 : memref<!tpu.dma_semaphore, #tpu.memory_space<semaphore_mem>>) src(%dma_wait3A_243 : memref<128x128xf32, #tpu.memory_space<vmem>>) dst(%dma_wait3A_249 : memref<10240x128xf32, #tpu.memory_space<vmem_shared>>)
          %mul3A_250 = arith.constant 80 : i32
          %mul3A_251 = arith.muli %arg1, %mul3A_250 : i32
          %mul3A_252 = arith.constant 40 : i32
          %mul3A_253 = arith.muli %add3A_29, %mul3A_252 : i32
          %add3A_254 = arith.addi %mul3A_251, %mul3A_253 : i32
          %add3A_255 = arith.addi %add3A_254, %add3A_231 : i32
          %add3A_256 = arith.constant 2 : i32
          %add3A_257 = arith.addi %add3A_255, %add3A_256 : i32
          %mul3A_258 = arith.constant 128 : i32
          %mul3A_259 = arith.muli %add3A_257, %mul3A_258 : i32
          %dma_start3A_260 = arith.constant 1 : i32
          %dma_start3A_261 = arith.constant 0 : i32
          %dma_start3A_262 = arith.constant 0 : i32
          %dma_start3A_263 = tpu.memref_slice %arg8[%dma_start3A_260, %dma_start3A_261, %dma_start3A_262] : memref<2x128x128xf32, #tpu.memory_space<vmem>> -> memref<1x128x128xf32, #tpu.memory_space<vmem>>
          %dma_start3A_264 = tpu.memref_squeeze %dma_start3A_263 : memref<1x128x128xf32, #tpu.memory_space<vmem>> -> memref<128x128xf32, #tpu.memory_space<vmem>>
          %dma_start3A_265 = arith.constant 0 : i32
          %dma_start3A_266 = arith.constant 0 : i32
          %dma_start3A_267 = tpu.memref_slice %arg2[%arg0, %dma_start3A_265, %dma_start3A_266] : memref<2x163840x128xf32, #tpu.memory_space<hbm>> -> memref<1x163840x128xf32, #tpu.memory_space<hbm>>
          %dma_start3A_268 = tpu.memref_squeeze %dma_start3A_267 : memref<1x163840x128xf32, #tpu.memory_space<hbm>> -> memref<163840x128xf32, #tpu.memory_space<hbm>>
          %dma_start3A_269 = arith.constant 0 : i32
          %dma_start3A_270 = tpu.memref_slice %dma_start3A_268[%mul3A_259, %dma_start3A_269] : memref<163840x128xf32, #tpu.memory_space<hbm>> -> memref<128x128xf32, #tpu.memory_space<hbm>>
          %dma_start3A_271 = arith.constant 0 : i32
          %dma_start3A_272 = arith.constant 0 : i32
          %dma_start3A_273 = tpu.memref_slice %arg8[%dma_start3A_260, %dma_start3A_271, %dma_start3A_272] : memref<2x128x128xf32, #tpu.memory_space<vmem>> -> memref<1x128x128xf32, #tpu.memory_space<vmem>>
          %dma_start3A_274 = tpu.memref_squeeze %dma_start3A_273 : memref<1x128x128xf32, #tpu.memory_space<vmem>> -> memref<128x128xf32, #tpu.memory_space<vmem>>
          %dma_start3A_275 = arith.constant 0 : i32
          %dma_start3A_276 = arith.constant 0 : i32
          %dma_start3A_277 = tpu.memref_slice %arg2[%arg0, %dma_start3A_275, %dma_start3A_276] : memref<2x163840x128xf32, #tpu.memory_space<hbm>> -> memref<1x163840x128xf32, #tpu.memory_space<hbm>>
          %dma_start3A_278 = tpu.memref_squeeze %dma_start3A_277 : memref<1x163840x128xf32, #tpu.memory_space<hbm>> -> memref<163840x128xf32, #tpu.memory_space<hbm>>
          %dma_start3A_279 = arith.constant 0 : i32
          %dma_start3A_280 = tpu.memref_slice %dma_start3A_278[%mul3A_259, %dma_start3A_279] : memref<163840x128xf32, #tpu.memory_space<hbm>> -> memref<128x128xf32, #tpu.memory_space<hbm>>
          tpu.enqueue_dma source(%dma_start3A_280 : memref<128x128xf32, #tpu.memory_space<hbm>>) target(%dma_start3A_274 : memref<128x128xf32, #tpu.memory_space<vmem>>) target_semaphore(%arg14 : memref<!tpu.dma_semaphore, #tpu.memory_space<semaphore_mem>>)
        } else {
        }
      }
      %scan3A_95 = arith.constant 20 : i32
      %dma_wait3A = arith.constant 0 : i32
      %dma_wait3A_96 = arith.constant 38 : i32
      %dma_wait3A_97 = arith.constant 0 : i32
      %dma_wait3A_98 = arith.constant 0 : i32
      %dma_wait3A_99 = tpu.memref_slice %arg8[%dma_wait3A, %dma_wait3A_97, %dma_wait3A_98] : memref<2x128x128xf32, #tpu.memory_space<vmem>> -> memref<1x128x128xf32, #tpu.memory_space<vmem>>
      %dma_wait3A_100 = tpu.memref_squeeze %dma_wait3A_99 : memref<1x128x128xf32, #tpu.memory_space<vmem>> -> memref<128x128xf32, #tpu.memory_space<vmem>>
      %dma_wait3A_101 = arith.constant 0 : i32
      %dma_wait3A_102 = tpu.memref_slice %arg9[%dma_wait3A_96, %dma_wait3A_101] : memref<40x128xi32, #tpu.memory_space<vmem>> -> memref<1x128xi32, #tpu.memory_space<vmem>>
      %dma_wait3A_103 = tpu.memref_squeeze %dma_wait3A_102 : memref<1x128xi32, #tpu.memory_space<vmem>> -> memref<128xi32, #tpu.memory_space<vmem>>
      %dma_wait3A_104 = arith.constant 0 : i32
      %dma_wait3A_105 = arith.constant 0 : i32
      %dma_wait3A_106 = tpu.memref_slice %arg12[%dma_wait3A_104, %dma_wait3A_105] : memref<10240x128xf32, #tpu.memory_space<vmem_shared>> -> memref<10240x128xf32, #tpu.memory_space<vmem_shared>>
      tpu.wait_indirect_dma semaphore(%arg15 : memref<!tpu.dma_semaphore, #tpu.memory_space<semaphore_mem>>) src(%dma_wait3A_100 : memref<128x128xf32, #tpu.memory_space<vmem>>) dst(%dma_wait3A_106 : memref<10240x128xf32, #tpu.memory_space<vmem_shared>>)
      %dma_wait3A_107 = arith.constant 1 : i32
      %dma_wait3A_108 = arith.constant 39 : i32
      %dma_wait3A_109 = arith.constant 0 : i32
      %dma_wait3A_110 = arith.constant 0 : i32
      %dma_wait3A_111 = tpu.memref_slice %arg8[%dma_wait3A_107, %dma_wait3A_109, %dma_wait3A_110] : memref<2x128x128xf32, #tpu.memory_space<vmem>> -> memref<1x128x128xf32, #tpu.memory_space<vmem>>
      %dma_wait3A_112 = tpu.memref_squeeze %dma_wait3A_111 : memref<1x128x128xf32, #tpu.memory_space<vmem>> -> memref<128x128xf32, #tpu.memory_space<vmem>>
      %dma_wait3A_113 = arith.constant 0 : i32
      %dma_wait3A_114 = tpu.memref_slice %arg9[%dma_wait3A_108, %dma_wait3A_113] : memref<40x128xi32, #tpu.memory_space<vmem>> -> memref<1x128xi32, #tpu.memory_space<vmem>>
      %dma_wait3A_115 = tpu.memref_squeeze %dma_wait3A_114 : memref<1x128xi32, #tpu.memory_space<vmem>> -> memref<128xi32, #tpu.memory_space<vmem>>
      %dma_wait3A_116 = arith.constant 0 : i32
      %dma_wait3A_117 = arith.constant 0 : i32
      %dma_wait3A_118 = tpu.memref_slice %arg12[%dma_wait3A_116, %dma_wait3A_117] : memref<10240x128xf32, #tpu.memory_space<vmem_shared>> -> memref<10240x128xf32, #tpu.memory_space<vmem_shared>>
      tpu.wait_indirect_dma semaphore(%arg16 : memref<!tpu.dma_semaphore, #tpu.memory_space<semaphore_mem>>) src(%dma_wait3A_112 : memref<128x128xf32, #tpu.memory_space<vmem>>) dst(%dma_wait3A_118 : memref<10240x128xf32, #tpu.memory_space<vmem_shared>>)
    }
    %scan3A_14 = arith.constant 2 : i32
    %barrier3A_15 = arith.constant 0 : index
    tpu.barrier barrier_id(%barrier3A_15)
    %mul3A_16 = arith.constant 640 : i32
    %mul3A_17 = arith.muli %arg1, %mul3A_16 : i32
    %mul3A_18 = arith.constant 640 : i32
    %mul3A_19 = arith.muli %arg1, %mul3A_18 : i32
    "tpu.region"() ({
      %run_scoped3A = tpu.sem_alloc : memref<!tpu.dma_semaphore, #tpu.memory_space<semaphore_mem>>
      %dma_start3A = arith.constant 0 : i32
      %dma_start3A_25 = arith.constant 0 : i32
      %dma_start3A_26 = tpu.memref_slice %arg6[%arg0, %dma_start3A, %dma_start3A_25] : memref<2x10240x128xf32, #tpu.memory_space<hbm>> -> memref<1x10240x128xf32, #tpu.memory_space<hbm>>
      %dma_start3A_27 = tpu.memref_squeeze %dma_start3A_26 : memref<1x10240x128xf32, #tpu.memory_space<hbm>> -> memref<10240x128xf32, #tpu.memory_space<hbm>>
      %dma_start3A_28 = arith.constant 0 : i32
      %dma_start3A_29 = tpu.memref_slice %dma_start3A_27[%mul3A_19, %dma_start3A_28] : memref<10240x128xf32, #tpu.memory_space<hbm>> -> memref<640x128xf32, #tpu.memory_space<hbm>>
      %dma_start3A_30 = arith.constant 0 : i32
      %dma_start3A_31 = tpu.memref_slice %arg12[%mul3A_17, %dma_start3A_30] : memref<10240x128xf32, #tpu.memory_space<vmem_shared>> -> memref<640x128xf32, #tpu.memory_space<vmem_shared>>
      tpu.enqueue_dma source(%dma_start3A_31 : memref<640x128xf32, #tpu.memory_space<vmem_shared>>) target(%dma_start3A_29 : memref<640x128xf32, #tpu.memory_space<hbm>>) target_semaphore(%run_scoped3A : memref<!tpu.dma_semaphore, #tpu.memory_space<semaphore_mem>>)
      %dma_wait3A = arith.constant 0 : i32
      %dma_wait3A_32 = arith.constant 0 : i32
      %dma_wait3A_33 = tpu.memref_slice %arg6[%arg0, %dma_wait3A, %dma_wait3A_32] : memref<2x10240x128xf32, #tpu.memory_space<hbm>> -> memref<1x10240x128xf32, #tpu.memory_space<hbm>>
      %dma_wait3A_34 = tpu.memref_squeeze %dma_wait3A_33 : memref<1x10240x128xf32, #tpu.memory_space<hbm>> -> memref<10240x128xf32, #tpu.memory_space<hbm>>
      %dma_wait3A_35 = arith.constant 0 : i32
      %dma_wait3A_36 = tpu.memref_slice %dma_wait3A_34[%mul3A_19, %dma_wait3A_35] : memref<10240x128xf32, #tpu.memory_space<hbm>> -> memref<640x128xf32, #tpu.memory_space<hbm>>
      %dma_wait3A_37 = arith.constant 0 : i32
      %dma_wait3A_38 = tpu.memref_slice %arg12[%mul3A_17, %dma_wait3A_37] : memref<10240x128xf32, #tpu.memory_space<vmem_shared>> -> memref<640x128xf32, #tpu.memory_space<vmem_shared>>
      tpu.wait_dma2 semaphore(%run_scoped3A : memref<!tpu.dma_semaphore, #tpu.memory_space<semaphore_mem>>) src(%dma_wait3A_38 : memref<640x128xf32, #tpu.memory_space<vmem_shared>>) dst(%dma_wait3A_36 : memref<640x128xf32, #tpu.memory_space<hbm>>)
      tpu.yield
    }) : () -> ()
    %scan3A_20 = arith.constant 0 : i32
    %scan3A_21 = arith.constant 4 : i32
    %scan3A_22 = arith.addi %scan3A_20, %scan3A_21 : i32
    %scan3A_23 = arith.constant 1 : i32
    scf.for %scan3A_25 = %scan3A_20 to %scan3A_22 step %scan3A_23  : i32 {
      %mul3A_26 = arith.constant 1 : i32
      %mul3A_27 = arith.muli %scan3A_25, %mul3A_26 : i32
      %add3A_28 = arith.constant 0 : i32
      %add3A_29 = arith.addi %add3A_28, %mul3A_27 : i32
      %mul3A_30 = arith.constant 320 : i32
      %mul3A_31 = arith.muli %add3A, %mul3A_30 : i32
      %mul3A_32 = arith.constant 80 : i32
      %mul3A_33 = arith.muli %add3A_29, %mul3A_32 : i32
      %add3A_34 = arith.addi %mul3A_31, %mul3A_33 : i32
      "tpu.region"() ({
        %run_scoped3A = tpu.sem_alloc : memref<!tpu.dma_semaphore, #tpu.memory_space<semaphore_mem>>
        %dma_start3A_39 = tpu.memref_slice %arg5[%add3A_34] : memref<10240xi32, #tpu.memory_space<hbm>> -> memref<80xi32, #tpu.memory_space<hbm>>
        %dma_start3A_40 = tpu.memref_slice %arg5[%add3A_34] : memref<10240xi32, #tpu.memory_space<hbm>> -> memref<80xi32, #tpu.memory_space<hbm>>
        tpu.enqueue_dma source(%dma_start3A_40 : memref<80xi32, #tpu.memory_space<hbm>>) target(%arg10 : memref<80xi32, #tpu.memory_space<vmem>>) target_semaphore(%run_scoped3A : memref<!tpu.dma_semaphore, #tpu.memory_space<semaphore_mem>>)
        %dma_wait3A_41 = tpu.memref_slice %arg5[%add3A_34] : memref<10240xi32, #tpu.memory_space<hbm>> -> memref<80xi32, #tpu.memory_space<hbm>>
        %dma_wait3A_42 = tpu.memref_slice %arg5[%add3A_34] : memref<10240xi32, #tpu.memory_space<hbm>> -> memref<80xi32, #tpu.memory_space<hbm>>
        tpu.wait_dma2 semaphore(%run_scoped3A : memref<!tpu.dma_semaphore, #tpu.memory_space<semaphore_mem>>) src(%dma_wait3A_42 : memref<80xi32, #tpu.memory_space<hbm>>) dst(%arg10 : memref<80xi32, #tpu.memory_space<vmem>>)
        tpu.yield
      }) : () -> ()
      %dma_start3A = arith.constant 0 : i32
      %dma_start3A_35 = arith.constant 0 : i32
      %dma_start3A_36 = tpu.memref_slice %arg4[%dma_start3A, %dma_start3A_35] : memref<512x128xf32, #tpu.memory_space<hbm>> -> memref<512x128xf32, #tpu.memory_space<hbm>>
      tpu.enqueue_indirect_dma source(%dma_start3A_36 : memref<512x128xf32, #tpu.memory_space<hbm>>) target(%arg11 : memref<80x128xf32, #tpu.memory_space<vmem>>) offsets(%arg10 : memref<80xi32, #tpu.memory_space<vmem>>) semaphore(%arg13 : memref<!tpu.dma_semaphore, #tpu.memory_space<semaphore_mem>>)
      %dma_wait3A = arith.constant 0 : i32
      %dma_wait3A_37 = arith.constant 0 : i32
      %dma_wait3A_38 = tpu.memref_slice %arg4[%dma_wait3A, %dma_wait3A_37] : memref<512x128xf32, #tpu.memory_space<hbm>> -> memref<512x128xf32, #tpu.memory_space<hbm>>
      tpu.wait_indirect_dma semaphore(%arg13 : memref<!tpu.dma_semaphore, #tpu.memory_space<semaphore_mem>>) src(%dma_wait3A_38 : memref<512x128xf32, #tpu.memory_space<hbm>>) dst(%arg11 : memref<80x128xf32, #tpu.memory_space<vmem>>)
      "tpu.region"() ({
        %run_scoped3A = tpu.sem_alloc : memref<!tpu.dma_semaphore, #tpu.memory_space<semaphore_mem>>
        %dma_start3A_39 = arith.constant 0 : i32
        %dma_start3A_40 = tpu.memref_slice %arg7[%add3A_34, %dma_start3A_39] : memref<10240x128xf32, #tpu.memory_space<hbm>> -> memref<80x128xf32, #tpu.memory_space<hbm>>
        %dma_start3A_41 = arith.constant 0 : i32
        %dma_start3A_42 = tpu.memref_slice %arg7[%add3A_34, %dma_start3A_41] : memref<10240x128xf32, #tpu.memory_space<hbm>> -> memref<80x128xf32, #tpu.memory_space<hbm>>
        tpu.enqueue_dma source(%arg11 : memref<80x128xf32, #tpu.memory_space<vmem>>) target(%dma_start3A_42 : memref<80x128xf32, #tpu.memory_space<hbm>>) target_semaphore(%run_scoped3A : memref<!tpu.dma_semaphore, #tpu.memory_space<semaphore_mem>>)
        %dma_wait3A_43 = arith.constant 0 : i32
        %dma_wait3A_44 = tpu.memref_slice %arg7[%add3A_34, %dma_wait3A_43] : memref<10240x128xf32, #tpu.memory_space<hbm>> -> memref<80x128xf32, #tpu.memory_space<hbm>>
        %dma_wait3A_45 = arith.constant 0 : i32
        %dma_wait3A_46 = tpu.memref_slice %arg7[%add3A_34, %dma_wait3A_45] : memref<10240x128xf32, #tpu.memory_space<hbm>> -> memref<80x128xf32, #tpu.memory_space<hbm>>
        tpu.wait_dma2 semaphore(%run_scoped3A : memref<!tpu.dma_semaphore, #tpu.memory_space<semaphore_mem>>) src(%arg11 : memref<80x128xf32, #tpu.memory_space<vmem>>) dst(%dma_wait3A_46 : memref<80x128xf32, #tpu.memory_space<hbm>>)
        tpu.yield
      }) : () -> ()
    }
    %scan3A_24 = arith.constant 4 : i32
    return
  }
}

module attributes {stable_mosaic.version = 14 : i64} {
  func.func @_eatt_body(%arg0: i32, %arg1: memref<4096x16xf32, #tpu.memory_space<vmem>>, %arg2: memref<16x16xf32, #tpu.memory_space<vmem>>, %arg3: memref<1x16xf32, #tpu.memory_space<vmem>>, %arg4: memref<4096x128xf32, #tpu.memory_space<vmem>>) attributes {dimension_semantics = [#tpu.dimension_semantics<arbitrary>], iteration_bounds = array<i64: 80>, scalar_prefetch = 0 : i64, scratch_operands = 0 : i64, tpu.core_type = #tpu.core_type<tc>, window_params = [{transform_indices = @transform_0, window_bounds = array<i64: 4096, 16>}, {pipeline_mode = #tpu.pipeline_mode<synchronous>, transform_indices = @transform_1, window_bounds = array<i64: 16, 16>}, {pipeline_mode = #tpu.pipeline_mode<synchronous>, transform_indices = @transform_2, window_bounds = array<i64: 1, 16>}, {transform_indices = @transform_3, window_bounds = array<i64: 4096, 128>}]} {
    %get3A = arith.constant 0 : index
    %get3A_0 = arith.constant 0 : index
    %get3A_1 = vector.load %arg1[%get3A, %get3A_0] : memref<4096x16xf32, #tpu.memory_space<vmem>>, vector<4096x16xf32>
    %get3A_2 = arith.constant 0 : index
    %get3A_3 = arith.constant 0 : index
    %get3A_4 = vector.load %arg2[%get3A_2, %get3A_3] : memref<16x16xf32, #tpu.memory_space<vmem>>, vector<16x16xf32>
    %dot_general3A = arith.constant dense<0.000000e+00> : vector<4096x16xf32>
    %dot_general3A_5 = tpu.matmul %get3A_1, %get3A_4, %dot_general3A {dimension_numbers = #tpu.dot_dimension_numbers<[1], [0], [0], [1], [0, 0, 1, 1], [], []>, transpose_lhs_hint = false} : vector<4096x16xf32>, vector<16x16xf32>, vector<4096x16xf32> -> vector<4096x16xf32>
    %get3A_6 = arith.constant 0 : index
    %get3A_7 = arith.constant 0 : index
    %get3A_8 = vector.load %arg3[%get3A_6, %get3A_7] : memref<1x16xf32, #tpu.memory_space<vmem>>, vector<1x16xf32>
    %add3A = vector.broadcast %get3A_8 : vector<1x16xf32> to vector<4096x16xf32>
    %add3A_9 = arith.addf %dot_general3A_5, %add3A : vector<4096x16xf32>
    %max3A = arith.constant 0.000000e+00 : f32
    %max3A_10 = vector.broadcast %max3A : f32 to vector<4096x16xf32>
    %max3A_11 = arith.maximumf %add3A_9, %max3A_10 : vector<4096x16xf32>
    %iota3A = tpu.iota {dimensions = array<i32: 1>} : vector<4096x112xi32>
    %eq3A = arith.constant 0 : i32
    %eq3A_12 = vector.broadcast %eq3A : i32 to vector<4096x112xi32>
    %eq3A_13 = arith.cmpi eq, %iota3A, %eq3A_12 : vector<4096x112xi32>
    %convert_element_type3A = arith.extui %eq3A_13 : vector<4096x112xi1> to vector<4096x112xi32>
    %convert_element_type3A_14 = arith.sitofp %convert_element_type3A : vector<4096x112xi32> to vector<4096x112xf32>
    %concatenate3A = tpu.concatenate %max3A_11, %convert_element_type3A_14 in 1 : vector<4096x16xf32>, vector<4096x112xf32> -> vector<4096x128xf32>
    %swap3A = arith.constant 0 : index
    %swap3A_15 = arith.constant 0 : index
    %swap3A_16 = vector.load %arg4[%swap3A, %swap3A_15] : memref<4096x128xf32, #tpu.memory_space<vmem>>, vector<4096x128xf32>
    tpu.vector_store %arg4[%swap3A, %swap3A_15], %concatenate3A {strides = array<i32>} : memref<4096x128xf32, #tpu.memory_space<vmem>>, vector<4096x128xf32>,
    return
  }
  func.func @transform_0(%arg0: i32) -> (i32, i32) {
    %c0_i32 = arith.constant 0 : i32
    %c0_i32_0 = arith.constant 0 : i32
    return %arg0, %c0_i32 : i32, i32
  }
  func.func @transform_1(%arg0: i32) -> (i32, i32) {
    %c0_i32 = arith.constant 0 : i32
    %c0_i32_0 = arith.constant 0 : i32
    %c0_i32_1 = arith.constant 0 : i32
    return %c0_i32, %c0_i32_0 : i32, i32
  }
  func.func @transform_2(%arg0: i32) -> (i32, i32) {
    %c0_i32 = arith.constant 0 : i32
    %c0_i32_0 = arith.constant 0 : i32
    %c0_i32_1 = arith.constant 0 : i32
    return %c0_i32, %c0_i32_0 : i32, i32
  }
  func.func @transform_3(%arg0: i32) -> (i32, i32) {
    %c0_i32 = arith.constant 0 : i32
    %c0_i32_0 = arith.constant 0 : i32
    return %arg0, %c0_i32 : i32, i32
  }
}

module attributes {stable_mosaic.version = 14 : i64} {
  func.func @_enc_body(%arg0: i32, %arg1: memref<1000x32xf32, #tpu.memory_space<vmem>>, %arg2: memref<1000x128xf32, #tpu.memory_space<vmem>>, %arg3: memref<1000x128xf32, #tpu.memory_space<vmem>>, %arg4: memref<1000x128xf32, #tpu.memory_space<vmem>>, %arg5: memref<32x128xf32, #tpu.memory_space<vmem>>, %arg6: memref<1x128xf32, #tpu.memory_space<vmem>>, %arg7: memref<256x128xf32, #tpu.memory_space<vmem>>, %arg8: memref<1x128xf32, #tpu.memory_space<vmem>>, %arg9: memref<128x128xf32, #tpu.memory_space<vmem>>, %arg10: memref<1000x128xf32, #tpu.memory_space<vmem>>, %arg11: memref<1000x128xf32, #tpu.memory_space<vmem>>, %arg12: memref<1000x128xf32, #tpu.memory_space<vmem>>) attributes {dimension_semantics = [#tpu.dimension_semantics<arbitrary>], iteration_bounds = array<i64: 10>, scalar_prefetch = 0 : i64, scratch_operands = 0 : i64, tpu.core_type = #tpu.core_type<tc>, window_params = [{transform_indices = @transform_0, window_bounds = array<i64: 1000, 32>}, {transform_indices = @transform_1, window_bounds = array<i64: 1000, 128>}, {transform_indices = @transform_2, window_bounds = array<i64: 1000, 128>}, {transform_indices = @transform_3, window_bounds = array<i64: 1000, 128>}, {pipeline_mode = #tpu.pipeline_mode<synchronous>, transform_indices = @transform_4, window_bounds = array<i64: 32, 128>}, {pipeline_mode = #tpu.pipeline_mode<synchronous>, transform_indices = @transform_5, window_bounds = array<i64: 1, 128>}, {pipeline_mode = #tpu.pipeline_mode<synchronous>, transform_indices = @transform_6, window_bounds = array<i64: 256, 128>}, {pipeline_mode = #tpu.pipeline_mode<synchronous>, transform_indices = @transform_7, window_bounds = array<i64: 1, 128>}, {pipeline_mode = #tpu.pipeline_mode<synchronous>, transform_indices = @transform_8, window_bounds = array<i64: 128, 128>}, {transform_indices = @transform_9, window_bounds = array<i64: 1000, 128>}, {transform_indices = @transform_10, window_bounds = array<i64: 1000, 128>}, {transform_indices = @transform_11, window_bounds = array<i64: 1000, 128>}]} {
    %get3A = arith.constant 0 : index
    %get3A_0 = arith.constant 0 : index
    %get3A_1 = vector.load %arg1[%get3A, %get3A_0] : memref<1000x32xf32, #tpu.memory_space<vmem>>, vector<1000x32xf32>
    %get3A_2 = arith.constant 0 : index
    %get3A_3 = arith.constant 0 : index
    %get3A_4 = vector.load %arg5[%get3A_2, %get3A_3] : memref<32x128xf32, #tpu.memory_space<vmem>>, vector<32x128xf32>
    %dot_general3A = arith.constant dense<0.000000e+00> : vector<1000x128xf32>
    %dot_general3A_5 = tpu.matmul %get3A_1, %get3A_4, %dot_general3A {dimension_numbers = #tpu.dot_dimension_numbers<[1], [0], [0], [1], [0, 0, 1, 1], [], []>, transpose_lhs_hint = false} : vector<1000x32xf32>, vector<32x128xf32>, vector<1000x128xf32> -> vector<1000x128xf32>
    %get3A_6 = arith.constant 0 : index
    %get3A_7 = arith.constant 0 : index
    %get3A_8 = vector.load %arg6[%get3A_6, %get3A_7] : memref<1x128xf32, #tpu.memory_space<vmem>>, vector<1x128xf32>
    %add3A = vector.broadcast %get3A_8 : vector<1x128xf32> to vector<1000x128xf32>
    %add3A_9 = arith.addf %dot_general3A_5, %add3A : vector<1000x128xf32>
    %max3A = arith.constant 0.000000e+00 : f32
    %max3A_10 = vector.broadcast %max3A : f32 to vector<1000x128xf32>
    %max3A_11 = arith.maximumf %add3A_9, %max3A_10 : vector<1000x128xf32>
    %get3A_12 = arith.constant 0 : index
    %get3A_13 = arith.constant 0 : index
    %get3A_14 = vector.load %arg2[%get3A_12, %get3A_13] : memref<1000x128xf32, #tpu.memory_space<vmem>>, vector<1000x128xf32>
    %max3A_15 = arith.constant 0.000000e+00 : f32
    %max3A_16 = vector.broadcast %max3A_15 : f32 to vector<1000x128xf32>
    %max3A_17 = arith.maximumf %get3A_14, %max3A_16 : vector<1000x128xf32>
    %concatenate3A = tpu.concatenate %max3A_11, %max3A_17 in 1 : vector<1000x128xf32>, vector<1000x128xf32> -> vector<1000x256xf32>
    %get3A_18 = arith.constant 0 : index
    %get3A_19 = arith.constant 0 : index
    %get3A_20 = vector.load %arg7[%get3A_18, %get3A_19] : memref<256x128xf32, #tpu.memory_space<vmem>>, vector<256x128xf32>
    %dot_general3A_21 = arith.constant dense<0.000000e+00> : vector<1000x128xf32>
    %dot_general3A_22 = tpu.matmul %concatenate3A, %get3A_20, %dot_general3A_21 {dimension_numbers = #tpu.dot_dimension_numbers<[1], [0], [0], [1], [0, 0, 1, 1], [], []>, transpose_lhs_hint = false} : vector<1000x256xf32>, vector<256x128xf32>, vector<1000x128xf32> -> vector<1000x128xf32>
    %get3A_23 = arith.constant 0 : index
    %get3A_24 = arith.constant 0 : index
    %get3A_25 = vector.load %arg8[%get3A_23, %get3A_24] : memref<1x128xf32, #tpu.memory_space<vmem>>, vector<1x128xf32>
    %add3A_26 = vector.broadcast %get3A_25 : vector<1x128xf32> to vector<1000x128xf32>
    %add3A_27 = arith.addf %dot_general3A_22, %add3A_26 : vector<1000x128xf32>
    %max3A_28 = arith.constant 0.000000e+00 : f32
    %max3A_29 = vector.broadcast %max3A_28 : f32 to vector<1000x128xf32>
    %max3A_30 = arith.maximumf %add3A_27, %max3A_29 : vector<1000x128xf32>
    %swap3A = arith.constant 0 : index
    %swap3A_31 = arith.constant 0 : index
    %swap3A_32 = vector.load %arg10[%swap3A, %swap3A_31] : memref<1000x128xf32, #tpu.memory_space<vmem>>, vector<1000x128xf32>
    tpu.vector_store %arg10[%swap3A, %swap3A_31], %max3A_30 {strides = array<i32>} : memref<1000x128xf32, #tpu.memory_space<vmem>>, vector<1000x128xf32>,
    %get3A_33 = arith.constant 0 : index
    %get3A_34 = arith.constant 0 : index
    %get3A_35 = vector.load %arg9[%get3A_33, %get3A_34] : memref<128x128xf32, #tpu.memory_space<vmem>>, vector<128x128xf32>
    %dot_general3A_36 = arith.constant dense<0.000000e+00> : vector<1000x128xf32>
    %dot_general3A_37 = tpu.matmul %max3A_30, %get3A_35, %dot_general3A_36 {dimension_numbers = #tpu.dot_dimension_numbers<[1], [0], [0], [1], [0, 0, 1, 1], [], []>, transpose_lhs_hint = false} : vector<1000x128xf32>, vector<128x128xf32>, vector<1000x128xf32> -> vector<1000x128xf32>
    %swap3A_38 = arith.constant 0 : index
    %swap3A_39 = arith.constant 0 : index
    %swap3A_40 = vector.load %arg11[%swap3A_38, %swap3A_39] : memref<1000x128xf32, #tpu.memory_space<vmem>>, vector<1000x128xf32>
    tpu.vector_store %arg11[%swap3A_38, %swap3A_39], %dot_general3A_37 {strides = array<i32>} : memref<1000x128xf32, #tpu.memory_space<vmem>>, vector<1000x128xf32>,
    %get3A_41 = arith.constant 0 : index
    %get3A_42 = arith.constant 0 : index
    %get3A_43 = vector.load %arg3[%get3A_41, %get3A_42] : memref<1000x128xf32, #tpu.memory_space<vmem>>, vector<1000x128xf32>
    %get3A_44 = arith.constant 0 : index
    %get3A_45 = arith.constant 0 : index
    %get3A_46 = vector.load %arg4[%get3A_44, %get3A_45] : memref<1000x128xf32, #tpu.memory_space<vmem>>, vector<1000x128xf32>
    %add3A_47 = arith.addf %get3A_43, %get3A_46 : vector<1000x128xf32>
    %swap3A_48 = arith.constant 0 : index
    %swap3A_49 = arith.constant 0 : index
    %swap3A_50 = vector.load %arg12[%swap3A_48, %swap3A_49] : memref<1000x128xf32, #tpu.memory_space<vmem>>, vector<1000x128xf32>
    tpu.vector_store %arg12[%swap3A_48, %swap3A_49], %add3A_47 {strides = array<i32>} : memref<1000x128xf32, #tpu.memory_space<vmem>>, vector<1000x128xf32>,
    return
  }
  func.func @transform_0(%arg0: i32) -> (i32, i32) {
    %c0_i32 = arith.constant 0 : i32
    %c0_i32_0 = arith.constant 0 : i32
    return %arg0, %c0_i32 : i32, i32
  }
  func.func @transform_1(%arg0: i32) -> (i32, i32) {
    %c0_i32 = arith.constant 0 : i32
    %c0_i32_0 = arith.constant 0 : i32
    return %arg0, %c0_i32 : i32, i32
  }
  func.func @transform_2(%arg0: i32) -> (i32, i32) {
    %c0_i32 = arith.constant 0 : i32
    %c0_i32_0 = arith.constant 0 : i32
    return %arg0, %c0_i32 : i32, i32
  }
  func.func @transform_3(%arg0: i32) -> (i32, i32) {
    %c0_i32 = arith.constant 0 : i32
    %c0_i32_0 = arith.constant 0 : i32
    return %arg0, %c0_i32 : i32, i32
  }
  func.func @transform_4(%arg0: i32) -> (i32, i32) {
    %c0_i32 = arith.constant 0 : i32
    %c0_i32_0 = arith.constant 0 : i32
    %c0_i32_1 = arith.constant 0 : i32
    return %c0_i32, %c0_i32_0 : i32, i32
  }
  func.func @transform_5(%arg0: i32) -> (i32, i32) {
    %c0_i32 = arith.constant 0 : i32
    %c0_i32_0 = arith.constant 0 : i32
    %c0_i32_1 = arith.constant 0 : i32
    return %c0_i32, %c0_i32_0 : i32, i32
  }
  func.func @transform_6(%arg0: i32) -> (i32, i32) {
    %c0_i32 = arith.constant 0 : i32
    %c0_i32_0 = arith.constant 0 : i32
    %c0_i32_1 = arith.constant 0 : i32
    return %c0_i32, %c0_i32_0 : i32, i32
  }
  func.func @transform_7(%arg0: i32) -> (i32, i32) {
    %c0_i32 = arith.constant 0 : i32
    %c0_i32_0 = arith.constant 0 : i32
    %c0_i32_1 = arith.constant 0 : i32
    return %c0_i32, %c0_i32_0 : i32, i32
  }
  func.func @transform_8(%arg0: i32) -> (i32, i32) {
    %c0_i32 = arith.constant 0 : i32
    %c0_i32_0 = arith.constant 0 : i32
    %c0_i32_1 = arith.constant 0 : i32
    return %c0_i32, %c0_i32_0 : i32, i32
  }
  func.func @transform_9(%arg0: i32) -> (i32, i32) {
    %c0_i32 = arith.constant 0 : i32
    %c0_i32_0 = arith.constant 0 : i32
    return %arg0, %c0_i32 : i32, i32
  }
  func.func @transform_10(%arg0: i32) -> (i32, i32) {
    %c0_i32 = arith.constant 0 : i32
    %c0_i32_0 = arith.constant 0 : i32
    return %arg0, %c0_i32 : i32, i32
  }
  func.func @transform_11(%arg0: i32) -> (i32, i32) {
    %c0_i32 = arith.constant 0 : i32
    %c0_i32_0 = arith.constant 0 : i32
    return %arg0, %c0_i32 : i32, i32
  }
}

module attributes {stable_mosaic.version = 14 : i64} {
  func.func @_post_body(%arg0: i32, %arg1: memref<1000x128xf32, #tpu.memory_space<vmem>>, %arg2: memref<1000x128xf32, #tpu.memory_space<vmem>>, %arg3: memref<1000x128xf32, #tpu.memory_space<vmem>>, %arg4: memref<1000x128xf32, #tpu.memory_space<vmem>>, %arg5: memref<128x128xf32, #tpu.memory_space<vmem>>, %arg6: memref<1x128xf32, #tpu.memory_space<vmem>>, %arg7: memref<16x128xf32, #tpu.memory_space<vmem>>, %arg8: memref<128x384xf32, #tpu.memory_space<vmem>>, %arg9: memref<1x384xf32, #tpu.memory_space<vmem>>, %arg10: memref<128x384xf32, #tpu.memory_space<vmem>>, %arg11: memref<1x384xf32, #tpu.memory_space<vmem>>, %arg12: memref<1000x128xf32, #tpu.memory_space<vmem>>, %arg13: memref<8x128xf32, #tpu.memory_space<vmem>>) attributes {dimension_semantics = [#tpu.dimension_semantics<arbitrary>], iteration_bounds = array<i64: 10>, scalar_prefetch = 0 : i64, scratch_operands = 0 : i64, tpu.core_type = #tpu.core_type<tc>, window_params = [{transform_indices = @transform_0, window_bounds = array<i64: 1000, 128>}, {transform_indices = @transform_1, window_bounds = array<i64: 1000, 128>}, {transform_indices = @transform_2, window_bounds = array<i64: 1000, 128>}, {transform_indices = @transform_3, window_bounds = array<i64: 1000, 128>}, {pipeline_mode = #tpu.pipeline_mode<synchronous>, transform_indices = @transform_4, window_bounds = array<i64: 128, 128>}, {pipeline_mode = #tpu.pipeline_mode<synchronous>, transform_indices = @transform_5, window_bounds = array<i64: 1, 128>}, {pipeline_mode = #tpu.pipeline_mode<synchronous>, transform_indices = @transform_6, window_bounds = array<i64: 16, 128>}, {pipeline_mode = #tpu.pipeline_mode<synchronous>, transform_indices = @transform_7, window_bounds = array<i64: 128, 384>}, {pipeline_mode = #tpu.pipeline_mode<synchronous>, transform_indices = @transform_8, window_bounds = array<i64: 1, 384>}, {pipeline_mode = #tpu.pipeline_mode<synchronous>, transform_indices = @transform_9, window_bounds = array<i64: 128, 384>}, {pipeline_mode = #tpu.pipeline_mode<synchronous>, transform_indices = @transform_10, window_bounds = array<i64: 1, 384>}, {transform_indices = @transform_11, window_bounds = array<i64: 1000, 128>}, {pipeline_mode = #tpu.pipeline_mode<synchronous>, transform_indices = @transform_12, window_bounds = array<i64: 8, 128>}]} {
    %get3A = arith.constant 0 : index
    %get3A_0 = arith.constant 0 : index
    %get3A_1 = vector.load %arg1[%get3A, %get3A_0] : memref<1000x128xf32, #tpu.memory_space<vmem>>, vector<1000x128xf32>
    %get3A_2 = arith.constant 0 : index
    %get3A_3 = arith.constant 16 : index
    %get3A_4 = vector.load %arg4[%get3A_2, %get3A_3] : memref<1000x128xf32, #tpu.memory_space<vmem>>, vector<1000x1xf32>
    %get3A_5 = arith.constant 0 : index
    %get3A_6 = arith.constant 0 : index
    %get3A_7 = vector.load %arg5[%get3A_5, %get3A_6] : memref<128x128xf32, #tpu.memory_space<vmem>>, vector<128x128xf32>
    %dot_general3A = arith.constant dense<0.000000e+00> : vector<1000x128xf32>
    %dot_general3A_8 = tpu.matmul %get3A_1, %get3A_7, %dot_general3A {dimension_numbers = #tpu.dot_dimension_numbers<[1], [0], [0], [1], [0, 0, 1, 1], [], []>, transpose_lhs_hint = false} : vector<1000x128xf32>, vector<128x128xf32>, vector<1000x128xf32> -> vector<1000x128xf32>
    %get3A_9 = arith.constant 0 : index
    %get3A_10 = arith.constant 0 : index
    %get3A_11 = vector.load %arg6[%get3A_9, %get3A_10] : memref<1x128xf32, #tpu.memory_space<vmem>>, vector<1x128xf32>
    %add3A = vector.broadcast %get3A_11 : vector<1x128xf32> to vector<1000x128xf32>
    %add3A_12 = arith.addf %dot_general3A_8, %add3A : vector<1000x128xf32>
    %mul3A = vector.broadcast %get3A_4 : vector<1000x1xf32> to vector<1000x128xf32>
    %mul3A_13 = arith.mulf %mul3A, %add3A_12 : vector<1000x128xf32>
    %get3A_14 = arith.constant 0 : index
    %get3A_15 = arith.constant 0 : index
    %get3A_16 = vector.load %arg2[%get3A_14, %get3A_15] : memref<1000x128xf32, #tpu.memory_space<vmem>>, vector<1000x128xf32>
    %add3A_17 = arith.addf %mul3A_13, %get3A_16 : vector<1000x128xf32>
    %get3A_18 = arith.constant 0 : index
    %get3A_19 = arith.constant 0 : index
    %get3A_20 = vector.load %arg3[%get3A_18, %get3A_19] : memref<1000x128xf32, #tpu.memory_space<vmem>>, vector<1000x128xf32>
    %add3A_21 = arith.addf %add3A_17, %get3A_20 : vector<1000x128xf32>
    %get3A_22 = arith.constant 0 : index
    %get3A_23 = arith.constant 0 : index
    %get3A_24 = vector.load %arg4[%get3A_22, %get3A_23] : memref<1000x128xf32, #tpu.memory_space<vmem>>, vector<1000x16xf32>
    %get3A_25 = arith.constant 0 : index
    %get3A_26 = arith.constant 0 : index
    %get3A_27 = vector.load %arg7[%get3A_25, %get3A_26] : memref<16x128xf32, #tpu.memory_space<vmem>>, vector<16x128xf32>
    %dot_general3A_28 = arith.constant dense<0.000000e+00> : vector<1000x128xf32>
    %dot_general3A_29 = tpu.matmul %get3A_24, %get3A_27, %dot_general3A_28 {dimension_numbers = #tpu.dot_dimension_numbers<[1], [0], [0], [1], [0, 0, 1, 1], [], []>, transpose_lhs_hint = false} : vector<1000x16xf32>, vector<16x128xf32>, vector<1000x128xf32> -> vector<1000x128xf32>
    %add3A_30 = arith.addf %add3A_21, %dot_general3A_29 : vector<1000x128xf32>
    %get3A_31 = arith.constant 0 : index
    %get3A_32 = arith.constant 0 : index
    %get3A_33 = vector.load %arg8[%get3A_31, %get3A_32] : memref<128x384xf32, #tpu.memory_space<vmem>>, vector<128x384xf32>
    %dot_general3A_34 = arith.constant dense<0.000000e+00> : vector<1000x384xf32>
    %dot_general3A_35 = tpu.matmul %add3A_30, %get3A_33, %dot_general3A_34 {dimension_numbers = #tpu.dot_dimension_numbers<[1], [0], [0], [1], [0, 0, 1, 1], [], []>, transpose_lhs_hint = false} : vector<1000x128xf32>, vector<128x384xf32>, vector<1000x384xf32> -> vector<1000x384xf32>
    %get3A_36 = arith.constant 0 : index
    %get3A_37 = arith.constant 0 : index
    %get3A_38 = vector.load %arg9[%get3A_36, %get3A_37] : memref<1x384xf32, #tpu.memory_space<vmem>>, vector<1x384xf32>
    %add3A_39 = vector.broadcast %get3A_38 : vector<1x384xf32> to vector<1000x384xf32>
    %add3A_40 = arith.addf %dot_general3A_35, %add3A_39 : vector<1000x384xf32>
    %get3A_41 = arith.constant 0 : index
    %get3A_42 = arith.constant 0 : index
    %get3A_43 = vector.load %arg10[%get3A_41, %get3A_42] : memref<128x384xf32, #tpu.memory_space<vmem>>, vector<128x384xf32>
    %dot_general3A_44 = arith.constant dense<0.000000e+00> : vector<1000x384xf32>
    %dot_general3A_45 = tpu.matmul %get3A_1, %get3A_43, %dot_general3A_44 {dimension_numbers = #tpu.dot_dimension_numbers<[1], [0], [0], [1], [0, 0, 1, 1], [], []>, transpose_lhs_hint = false} : vector<1000x128xf32>, vector<128x384xf32>, vector<1000x384xf32> -> vector<1000x384xf32>
    %get3A_46 = arith.constant 0 : index
    %get3A_47 = arith.constant 0 : index
    %get3A_48 = vector.load %arg11[%get3A_46, %get3A_47] : memref<1x384xf32, #tpu.memory_space<vmem>>, vector<1x384xf32>
    %add3A_49 = vector.broadcast %get3A_48 : vector<1x384xf32> to vector<1000x384xf32>
    %add3A_50 = arith.addf %dot_general3A_45, %add3A_49 : vector<1000x384xf32>
    %slice3A = vector.extract_strided_slice %add3A_40 {offsets = [0, 0], sizes = [1000, 128], strides = [1, 1]} : vector<1000x384xf32> to vector<1000x128xf32>
    %slice3A_51 = vector.extract_strided_slice %add3A_50 {offsets = [0, 0], sizes = [1000, 128], strides = [1, 1]} : vector<1000x384xf32> to vector<1000x128xf32>
    %add3A_52 = arith.addf %slice3A, %slice3A_51 : vector<1000x128xf32>
    %logistic3A = arith.negf %add3A_52 : vector<1000x128xf32>
    %logistic3A_53 = math.exp %logistic3A : vector<1000x128xf32>
    %logistic3A_54 = arith.constant 1.000000e+00 : f32
    %logistic3A_55 = vector.broadcast %logistic3A_54 : f32 to vector<1000x128xf32>
    %logistic3A_56 = arith.addf %logistic3A_55, %logistic3A_53 : vector<1000x128xf32>
    %logistic3A_57 = arith.divf %logistic3A_55, %logistic3A_56 : vector<1000x128xf32>
    %slice3A_58 = vector.extract_strided_slice %add3A_40 {offsets = [0, 128], sizes = [1000, 128], strides = [1, 1]} : vector<1000x384xf32> to vector<1000x128xf32>
    %slice3A_59 = vector.extract_strided_slice %add3A_50 {offsets = [0, 128], sizes = [1000, 128], strides = [1, 1]} : vector<1000x384xf32> to vector<1000x128xf32>
    %add3A_60 = arith.addf %slice3A_58, %slice3A_59 : vector<1000x128xf32>
    %logistic3A_61 = arith.negf %add3A_60 : vector<1000x128xf32>
    %logistic3A_62 = math.exp %logistic3A_61 : vector<1000x128xf32>
    %logistic3A_63 = arith.constant 1.000000e+00 : f32
    %logistic3A_64 = vector.broadcast %logistic3A_63 : f32 to vector<1000x128xf32>
    %logistic3A_65 = arith.addf %logistic3A_64, %logistic3A_62 : vector<1000x128xf32>
    %logistic3A_66 = arith.divf %logistic3A_64, %logistic3A_65 : vector<1000x128xf32>
    %slice3A_67 = vector.extract_strided_slice %add3A_40 {offsets = [0, 256], sizes = [1000, 128], strides = [1, 1]} : vector<1000x384xf32> to vector<1000x128xf32>
    %slice3A_68 = vector.extract_strided_slice %add3A_50 {offsets = [0, 256], sizes = [1000, 128], strides = [1, 1]} : vector<1000x384xf32> to vector<1000x128xf32>
    %mul3A_69 = arith.mulf %logistic3A_57, %slice3A_68 : vector<1000x128xf32>
    %add3A_70 = arith.addf %slice3A_67, %mul3A_69 : vector<1000x128xf32>
    %tanh3A = math.tanh %add3A_70 : vector<1000x128xf32>
    %sub3A = arith.constant 1.000000e+00 : f32
    %sub3A_71 = vector.broadcast %sub3A : f32 to vector<1000x128xf32>
    %sub3A_72 = arith.subf %sub3A_71, %logistic3A_66 : vector<1000x128xf32>
    %mul3A_73 = arith.mulf %sub3A_72, %tanh3A : vector<1000x128xf32>
    %mul3A_74 = arith.mulf %logistic3A_66, %get3A_1 : vector<1000x128xf32>
    %add3A_75 = arith.addf %mul3A_73, %mul3A_74 : vector<1000x128xf32>
    %swap3A = arith.constant 0 : index
    %swap3A_76 = arith.constant 0 : index
    %swap3A_77 = vector.load %arg12[%swap3A, %swap3A_76] : memref<1000x128xf32, #tpu.memory_space<vmem>>, vector<1000x128xf32>
    tpu.vector_store %arg12[%swap3A, %swap3A_76], %add3A_75 {strides = array<i32>} : memref<1000x128xf32, #tpu.memory_space<vmem>>, vector<1000x128xf32>,
    %reduce_sum3A = arith.constant dense<0.000000e+00> : vector<128xf32>
    %reduce_sum3A_78 = vector.multi_reduction <add>, %add3A_75, %reduce_sum3A [0] : vector<1000x128xf32> to vector<128xf32>
    %mul3A_79 = arith.mulf %add3A_75, %add3A_75 : vector<1000x128xf32>
    %reduce_sum3A_80 = arith.constant dense<0.000000e+00> : vector<128xf32>
    %reduce_sum3A_81 = vector.multi_reduction <add>, %mul3A_79, %reduce_sum3A_80 [0] : vector<1000x128xf32> to vector<128xf32>
    %broadcast_in_dim3A = vector.shape_cast %reduce_sum3A_78 : vector<128xf32> to vector<1x128xf32>
    %broadcast_in_dim3A_82 = vector.shape_cast %reduce_sum3A_81 : vector<128xf32> to vector<1x128xf32>
    %broadcast_in_dim3A_83 = arith.constant 0.000000e+00 : f32
    %broadcast_in_dim3A_84 = vector.broadcast %broadcast_in_dim3A_83 : f32 to vector<6x128xf32>
    %concatenate3A = tpu.concatenate %broadcast_in_dim3A, %broadcast_in_dim3A_82, %broadcast_in_dim3A_84 in 0 : vector<1x128xf32>, vector<1x128xf32>, vector<6x128xf32> -> vector<8x128xf32>
    %eq3A = arith.constant 0 : i32
    %eq3A_85 = arith.cmpi eq, %arg0, %eq3A : i32
    %convert_element_type3A = arith.extui %eq3A_85 : i1 to i32
    %cond3A = arith.constant 0 : i32
    %cond3A_86 = arith.cmpi ne, %convert_element_type3A, %cond3A : i32
    scf.if %cond3A_86 {
      %broadcast_in_dim3A_94 = arith.constant 0.000000e+00 : f32
      %broadcast_in_dim3A_95 = vector.broadcast %broadcast_in_dim3A_94 : f32 to vector<8x128xf32>
      %swap3A_96 = arith.constant 0 : index
      %swap3A_97 = arith.constant 0 : index
      %swap3A_98 = vector.load %arg13[%swap3A_96, %swap3A_97] : memref<8x128xf32, #tpu.memory_space<vmem>>, vector<8x128xf32>
      tpu.vector_store %arg13[%swap3A_96, %swap3A_97], %broadcast_in_dim3A_95 {strides = array<i32>} : memref<8x128xf32, #tpu.memory_space<vmem>>, vector<8x128xf32>,
    } else {
    }
    %get3A_87 = arith.constant 0 : index
    %get3A_88 = arith.constant 0 : index
    %get3A_89 = vector.load %arg13[%get3A_87, %get3A_88] : memref<8x128xf32, #tpu.memory_space<vmem>>, vector<8x128xf32>
    %add3A_90 = arith.addf %get3A_89, %concatenate3A : vector<8x128xf32>
    %swap3A_91 = arith.constant 0 : index
    %swap3A_92 = arith.constant 0 : index
    %swap3A_93 = vector.load %arg13[%swap3A_91, %swap3A_92] : memref<8x128xf32, #tpu.memory_space<vmem>>, vector<8x128xf32>
    tpu.vector_store %arg13[%swap3A_91, %swap3A_92], %add3A_90 {strides = array<i32>} : memref<8x128xf32, #tpu.memory_space<vmem>>, vector<8x128xf32>,
    return
  }
  func.func @transform_0(%arg0: i32) -> (i32, i32) {
    %c0_i32 = arith.constant 0 : i32
    %c0_i32_0 = arith.constant 0 : i32
    return %arg0, %c0_i32 : i32, i32
  }
  func.func @transform_1(%arg0: i32) -> (i32, i32) {
    %c0_i32 = arith.constant 0 : i32
    %c0_i32_0 = arith.constant 0 : i32
    return %arg0, %c0_i32 : i32, i32
  }
  func.func @transform_2(%arg0: i32) -> (i32, i32) {
    %c0_i32 = arith.constant 0 : i32
    %c0_i32_0 = arith.constant 0 : i32
    return %arg0, %c0_i32 : i32, i32
  }
  func.func @transform_3(%arg0: i32) -> (i32, i32) {
    %c0_i32 = arith.constant 0 : i32
    %c0_i32_0 = arith.constant 0 : i32
    return %arg0, %c0_i32 : i32, i32
  }
  func.func @transform_4(%arg0: i32) -> (i32, i32) {
    %c0_i32 = arith.constant 0 : i32
    %c0_i32_0 = arith.constant 0 : i32
    %c0_i32_1 = arith.constant 0 : i32
    return %c0_i32, %c0_i32_0 : i32, i32
  }
  func.func @transform_5(%arg0: i32) -> (i32, i32) {
    %c0_i32 = arith.constant 0 : i32
    %c0_i32_0 = arith.constant 0 : i32
    %c0_i32_1 = arith.constant 0 : i32
    return %c0_i32, %c0_i32_0 : i32, i32
  }
  func.func @transform_6(%arg0: i32) -> (i32, i32) {
    %c0_i32 = arith.constant 0 : i32
    %c0_i32_0 = arith.constant 0 : i32
    %c0_i32_1 = arith.constant 0 : i32
    return %c0_i32, %c0_i32_0 : i32, i32
  }
  func.func @transform_7(%arg0: i32) -> (i32, i32) {
    %c0_i32 = arith.constant 0 : i32
    %c0_i32_0 = arith.constant 0 : i32
    %c0_i32_1 = arith.constant 0 : i32
    return %c0_i32, %c0_i32_0 : i32, i32
  }
  func.func @transform_8(%arg0: i32) -> (i32, i32) {
    %c0_i32 = arith.constant 0 : i32
    %c0_i32_0 = arith.constant 0 : i32
    %c0_i32_1 = arith.constant 0 : i32
    return %c0_i32, %c0_i32_0 : i32, i32
  }
  func.func @transform_9(%arg0: i32) -> (i32, i32) {
    %c0_i32 = arith.constant 0 : i32
    %c0_i32_0 = arith.constant 0 : i32
    %c0_i32_1 = arith.constant 0 : i32
    return %c0_i32, %c0_i32_0 : i32, i32
  }
  func.func @transform_10(%arg0: i32) -> (i32, i32) {
    %c0_i32 = arith.constant 0 : i32
    %c0_i32_0 = arith.constant 0 : i32
    %c0_i32_1 = arith.constant 0 : i32
    return %c0_i32, %c0_i32_0 : i32, i32
  }
  func.func @transform_11(%arg0: i32) -> (i32, i32) {
    %c0_i32 = arith.constant 0 : i32
    %c0_i32_0 = arith.constant 0 : i32
    return %arg0, %c0_i32 : i32, i32
  }
  func.func @transform_12(%arg0: i32) -> (i32, i32) {
    %c0_i32 = arith.constant 0 : i32
    %c0_i32_0 = arith.constant 0 : i32
    %c0_i32_1 = arith.constant 0 : i32
    return %c0_i32, %c0_i32_0 : i32, i32
  }
}

module attributes {stable_mosaic.version = 14 : i64} {
  func.func @_norm_proj_body(%arg0: i32, %arg1: memref<1000x128xf32, #tpu.memory_space<vmem>>, %arg2: memref<8x128xf32, #tpu.memory_space<vmem>>, %arg3: memref<1x128xf32, #tpu.memory_space<vmem>>, %arg4: memref<1x128xf32, #tpu.memory_space<vmem>>, %arg5: memref<128x128xf32, #tpu.memory_space<vmem>>, %arg6: memref<1000x128xf32, #tpu.memory_space<vmem>>, %arg7: memref<1000x128xf32, #tpu.memory_space<vmem>>) attributes {dimension_semantics = [#tpu.dimension_semantics<arbitrary>], iteration_bounds = array<i64: 10>, scalar_prefetch = 0 : i64, scratch_operands = 0 : i64, tpu.core_type = #tpu.core_type<tc>, window_params = [{transform_indices = @transform_0, window_bounds = array<i64: 1000, 128>}, {pipeline_mode = #tpu.pipeline_mode<synchronous>, transform_indices = @transform_1, window_bounds = array<i64: 8, 128>}, {pipeline_mode = #tpu.pipeline_mode<synchronous>, transform_indices = @transform_2, window_bounds = array<i64: 1, 128>}, {pipeline_mode = #tpu.pipeline_mode<synchronous>, transform_indices = @transform_3, window_bounds = array<i64: 1, 128>}, {pipeline_mode = #tpu.pipeline_mode<synchronous>, transform_indices = @transform_4, window_bounds = array<i64: 128, 128>}, {transform_indices = @transform_5, window_bounds = array<i64: 1000, 128>}, {transform_indices = @transform_6, window_bounds = array<i64: 1000, 128>}]} {
    %get3A = arith.constant 0 : index
    %get3A_0 = arith.constant 0 : index
    %get3A_1 = vector.load %arg2[%get3A, %get3A_0] : memref<8x128xf32, #tpu.memory_space<vmem>>, vector<1x128xf32>
    %mul3A = arith.constant 9.99999974E-5 : f32
    %mul3A_2 = vector.broadcast %mul3A : f32 to vector<1x128xf32>
    %mul3A_3 = arith.mulf %get3A_1, %mul3A_2 : vector<1x128xf32>
    %get3A_4 = arith.constant 1 : index
    %get3A_5 = arith.constant 0 : index
    %get3A_6 = vector.load %arg2[%get3A_4, %get3A_5] : memref<8x128xf32, #tpu.memory_space<vmem>>, vector<1x128xf32>
    %mul3A_7 = arith.constant 9.99999974E-5 : f32
    %mul3A_8 = vector.broadcast %mul3A_7 : f32 to vector<1x128xf32>
    %mul3A_9 = arith.mulf %get3A_6, %mul3A_8 : vector<1x128xf32>
    %mul3A_10 = arith.mulf %mul3A_3, %mul3A_3 : vector<1x128xf32>
    %sub3A = arith.subf %mul3A_9, %mul3A_10 : vector<1x128xf32>
    %get3A_11 = arith.constant 0 : index
    %get3A_12 = arith.constant 0 : index
    %get3A_13 = vector.load %arg1[%get3A_11, %get3A_12] : memref<1000x128xf32, #tpu.memory_space<vmem>>, vector<1000x128xf32>
    %sub3A_14 = vector.broadcast %mul3A_3 : vector<1x128xf32> to vector<1000x128xf32>
    %sub3A_15 = arith.subf %get3A_13, %sub3A_14 : vector<1000x128xf32>
    %add3A = arith.constant 9.99999974E-6 : f32
    %add3A_16 = vector.broadcast %add3A : f32 to vector<1x128xf32>
    %add3A_17 = arith.addf %sub3A, %add3A_16 : vector<1x128xf32>
    %rsqrt3A = math.rsqrt %add3A_17 : vector<1x128xf32>
    %mul3A_18 = vector.broadcast %rsqrt3A : vector<1x128xf32> to vector<1000x128xf32>
    %mul3A_19 = arith.mulf %sub3A_15, %mul3A_18 : vector<1000x128xf32>
    %get3A_20 = arith.constant 0 : index
    %get3A_21 = arith.constant 0 : index
    %get3A_22 = vector.load %arg3[%get3A_20, %get3A_21] : memref<1x128xf32, #tpu.memory_space<vmem>>, vector<1x128xf32>
    %mul3A_23 = vector.broadcast %get3A_22 : vector<1x128xf32> to vector<1000x128xf32>
    %mul3A_24 = arith.mulf %mul3A_19, %mul3A_23 : vector<1000x128xf32>
    %get3A_25 = arith.constant 0 : index
    %get3A_26 = arith.constant 0 : index
    %get3A_27 = vector.load %arg4[%get3A_25, %get3A_26] : memref<1x128xf32, #tpu.memory_space<vmem>>, vector<1x128xf32>
    %add3A_28 = vector.broadcast %get3A_27 : vector<1x128xf32> to vector<1000x128xf32>
    %add3A_29 = arith.addf %mul3A_24, %add3A_28 : vector<1000x128xf32>
    %swap3A = arith.constant 0 : index
    %swap3A_30 = arith.constant 0 : index
    %swap3A_31 = vector.load %arg6[%swap3A, %swap3A_30] : memref<1000x128xf32, #tpu.memory_space<vmem>>, vector<1000x128xf32>
    tpu.vector_store %arg6[%swap3A, %swap3A_30], %add3A_29 {strides = array<i32>} : memref<1000x128xf32, #tpu.memory_space<vmem>>, vector<1000x128xf32>,
    %get3A_32 = arith.constant 0 : index
    %get3A_33 = arith.constant 0 : index
    %get3A_34 = vector.load %arg5[%get3A_32, %get3A_33] : memref<128x128xf32, #tpu.memory_space<vmem>>, vector<128x128xf32>
    %dot_general3A = arith.constant dense<0.000000e+00> : vector<1000x128xf32>
    %dot_general3A_35 = tpu.matmul %add3A_29, %get3A_34, %dot_general3A {dimension_numbers = #tpu.dot_dimension_numbers<[1], [0], [0], [1], [0, 0, 1, 1], [], []>, transpose_lhs_hint = false} : vector<1000x128xf32>, vector<128x128xf32>, vector<1000x128xf32> -> vector<1000x128xf32>
    %swap3A_36 = arith.constant 0 : index
    %swap3A_37 = arith.constant 0 : index
    %swap3A_38 = vector.load %arg7[%swap3A_36, %swap3A_37] : memref<1000x128xf32, #tpu.memory_space<vmem>>, vector<1000x128xf32>
    tpu.vector_store %arg7[%swap3A_36, %swap3A_37], %dot_general3A_35 {strides = array<i32>} : memref<1000x128xf32, #tpu.memory_space<vmem>>, vector<1000x128xf32>,
    return
  }
  func.func @transform_0(%arg0: i32) -> (i32, i32) {
    %c0_i32 = arith.constant 0 : i32
    %c0_i32_0 = arith.constant 0 : i32
    return %arg0, %c0_i32 : i32, i32
  }
  func.func @transform_1(%arg0: i32) -> (i32, i32) {
    %c0_i32 = arith.constant 0 : i32
    %c0_i32_0 = arith.constant 0 : i32
    %c0_i32_1 = arith.constant 0 : i32
    return %c0_i32, %c0_i32_0 : i32, i32
  }
  func.func @transform_2(%arg0: i32) -> (i32, i32) {
    %c0_i32 = arith.constant 0 : i32
    %c0_i32_0 = arith.constant 0 : i32
    %c0_i32_1 = arith.constant 0 : i32
    return %c0_i32, %c0_i32_0 : i32, i32
  }
  func.func @transform_3(%arg0: i32) -> (i32, i32) {
    %c0_i32 = arith.constant 0 : i32
    %c0_i32_0 = arith.constant 0 : i32
    %c0_i32_1 = arith.constant 0 : i32
    return %c0_i32, %c0_i32_0 : i32, i32
  }
  func.func @transform_4(%arg0: i32) -> (i32, i32) {
    %c0_i32 = arith.constant 0 : i32
    %c0_i32_0 = arith.constant 0 : i32
    %c0_i32_1 = arith.constant 0 : i32
    return %c0_i32, %c0_i32_0 : i32, i32
  }
  func.func @transform_5(%arg0: i32) -> (i32, i32) {
    %c0_i32 = arith.constant 0 : i32
    %c0_i32_0 = arith.constant 0 : i32
    return %arg0, %c0_i32 : i32, i32
  }
  func.func @transform_6(%arg0: i32) -> (i32, i32) {
    %c0_i32 = arith.constant 0 : i32
    %c0_i32_0 = arith.constant 0 : i32
    return %arg0, %c0_i32 : i32, i32
  }
}

module attributes {stable_mosaic.version = 14 : i64} {
  func.func @_norm_last_body(%arg0: i32, %arg1: memref<1000x128xf32, #tpu.memory_space<vmem>>, %arg2: memref<8x128xf32, #tpu.memory_space<vmem>>, %arg3: memref<1x128xf32, #tpu.memory_space<vmem>>, %arg4: memref<1x128xf32, #tpu.memory_space<vmem>>, %arg5: memref<1000x128xf32, #tpu.memory_space<vmem>>) attributes {dimension_semantics = [#tpu.dimension_semantics<arbitrary>], iteration_bounds = array<i64: 10>, scalar_prefetch = 0 : i64, scratch_operands = 0 : i64, tpu.core_type = #tpu.core_type<tc>, window_params = [{transform_indices = @transform_0, window_bounds = array<i64: 1000, 128>}, {pipeline_mode = #tpu.pipeline_mode<synchronous>, transform_indices = @transform_1, window_bounds = array<i64: 8, 128>}, {pipeline_mode = #tpu.pipeline_mode<synchronous>, transform_indices = @transform_2, window_bounds = array<i64: 1, 128>}, {pipeline_mode = #tpu.pipeline_mode<synchronous>, transform_indices = @transform_3, window_bounds = array<i64: 1, 128>}, {transform_indices = @transform_4, window_bounds = array<i64: 1000, 128>}]} {
    %get3A = arith.constant 0 : index
    %get3A_0 = arith.constant 0 : index
    %get3A_1 = vector.load %arg2[%get3A, %get3A_0] : memref<8x128xf32, #tpu.memory_space<vmem>>, vector<1x128xf32>
    %mul3A = arith.constant 9.99999974E-5 : f32
    %mul3A_2 = vector.broadcast %mul3A : f32 to vector<1x128xf32>
    %mul3A_3 = arith.mulf %get3A_1, %mul3A_2 : vector<1x128xf32>
    %get3A_4 = arith.constant 1 : index
    %get3A_5 = arith.constant 0 : index
    %get3A_6 = vector.load %arg2[%get3A_4, %get3A_5] : memref<8x128xf32, #tpu.memory_space<vmem>>, vector<1x128xf32>
    %mul3A_7 = arith.constant 9.99999974E-5 : f32
    %mul3A_8 = vector.broadcast %mul3A_7 : f32 to vector<1x128xf32>
    %mul3A_9 = arith.mulf %get3A_6, %mul3A_8 : vector<1x128xf32>
    %mul3A_10 = arith.mulf %mul3A_3, %mul3A_3 : vector<1x128xf32>
    %sub3A = arith.subf %mul3A_9, %mul3A_10 : vector<1x128xf32>
    %get3A_11 = arith.constant 0 : index
    %get3A_12 = arith.constant 0 : index
    %get3A_13 = vector.load %arg1[%get3A_11, %get3A_12] : memref<1000x128xf32, #tpu.memory_space<vmem>>, vector<1000x128xf32>
    %sub3A_14 = vector.broadcast %mul3A_3 : vector<1x128xf32> to vector<1000x128xf32>
    %sub3A_15 = arith.subf %get3A_13, %sub3A_14 : vector<1000x128xf32>
    %add3A = arith.constant 9.99999974E-6 : f32
    %add3A_16 = vector.broadcast %add3A : f32 to vector<1x128xf32>
    %add3A_17 = arith.addf %sub3A, %add3A_16 : vector<1x128xf32>
    %rsqrt3A = math.rsqrt %add3A_17 : vector<1x128xf32>
    %mul3A_18 = vector.broadcast %rsqrt3A : vector<1x128xf32> to vector<1000x128xf32>
    %mul3A_19 = arith.mulf %sub3A_15, %mul3A_18 : vector<1000x128xf32>
    %get3A_20 = arith.constant 0 : index
    %get3A_21 = arith.constant 0 : index
    %get3A_22 = vector.load %arg3[%get3A_20, %get3A_21] : memref<1x128xf32, #tpu.memory_space<vmem>>, vector<1x128xf32>
    %mul3A_23 = vector.broadcast %get3A_22 : vector<1x128xf32> to vector<1000x128xf32>
    %mul3A_24 = arith.mulf %mul3A_19, %mul3A_23 : vector<1000x128xf32>
    %get3A_25 = arith.constant 0 : index
    %get3A_26 = arith.constant 0 : index
    %get3A_27 = vector.load %arg4[%get3A_25, %get3A_26] : memref<1x128xf32, #tpu.memory_space<vmem>>, vector<1x128xf32>
    %add3A_28 = vector.broadcast %get3A_27 : vector<1x128xf32> to vector<1000x128xf32>
    %add3A_29 = arith.addf %mul3A_24, %add3A_28 : vector<1000x128xf32>
    %swap3A = arith.constant 0 : index
    %swap3A_30 = arith.constant 0 : index
    %swap3A_31 = vector.load %arg5[%swap3A, %swap3A_30] : memref<1000x128xf32, #tpu.memory_space<vmem>>, vector<1000x128xf32>
    tpu.vector_store %arg5[%swap3A, %swap3A_30], %add3A_29 {strides = array<i32>} : memref<1000x128xf32, #tpu.memory_space<vmem>>, vector<1000x128xf32>,
    return
  }
  func.func @transform_0(%arg0: i32) -> (i32, i32) {
    %c0_i32 = arith.constant 0 : i32
    %c0_i32_0 = arith.constant 0 : i32
    return %arg0, %c0_i32 : i32, i32
  }
  func.func @transform_1(%arg0: i32) -> (i32, i32) {
    %c0_i32 = arith.constant 0 : i32
    %c0_i32_0 = arith.constant 0 : i32
    %c0_i32_1 = arith.constant 0 : i32
    return %c0_i32, %c0_i32_0 : i32, i32
  }
  func.func @transform_2(%arg0: i32) -> (i32, i32) {
    %c0_i32 = arith.constant 0 : i32
    %c0_i32_0 = arith.constant 0 : i32
    %c0_i32_1 = arith.constant 0 : i32
    return %c0_i32, %c0_i32_0 : i32, i32
  }
  func.func @transform_3(%arg0: i32) -> (i32, i32) {
    %c0_i32 = arith.constant 0 : i32
    %c0_i32_0 = arith.constant 0 : i32
    %c0_i32_1 = arith.constant 0 : i32
    return %c0_i32, %c0_i32_0 : i32, i32
  }
  func.func @transform_4(%arg0: i32) -> (i32, i32) {
    %c0_i32 = arith.constant 0 : i32
    %c0_i32_0 = arith.constant 0 : i32
    return %arg0, %c0_i32 : i32, i32
  }
}

module attributes {stable_mosaic.version = 14 : i64} {
  func.func @_agg_body(%arg0: i32, %arg1: memref<1000x128xf32, #tpu.memory_space<vmem>>, %arg2: memref<1x1x1000xi32, #tpu.memory_space<vmem>>, %arg3: memref<128x128xf32, #tpu.memory_space<vmem>>, %arg4: memref<1x128xf32, #tpu.memory_space<vmem>>, %arg5: memref<128x128xf32, #tpu.memory_space<vmem>>, %arg6: memref<1x128xf32, #tpu.memory_space<vmem>>, %arg7: memref<128x128xf32, #tpu.memory_space<vmem>>, %arg8: memref<1x128xf32, #tpu.memory_space<vmem>>, %arg9: memref<32x256xf32, #tpu.memory_space<vmem>>, %arg10: memref<32x128xf32, #tpu.memory_space<vmem>>) attributes {dimension_semantics = [#tpu.dimension_semantics<arbitrary>], iteration_bounds = array<i64: 10>, scalar_prefetch = 0 : i64, scratch_operands = 0 : i64, tpu.core_type = #tpu.core_type<tc>, window_params = [{transform_indices = @transform_0, window_bounds = array<i64: 1000, 128>}, {transform_indices = @transform_1, window_bounds = array<i64: 1, 1, 1000>}, {pipeline_mode = #tpu.pipeline_mode<synchronous>, transform_indices = @transform_2, window_bounds = array<i64: 128, 128>}, {pipeline_mode = #tpu.pipeline_mode<synchronous>, transform_indices = @transform_3, window_bounds = array<i64: 1, 128>}, {pipeline_mode = #tpu.pipeline_mode<synchronous>, transform_indices = @transform_4, window_bounds = array<i64: 128, 128>}, {pipeline_mode = #tpu.pipeline_mode<synchronous>, transform_indices = @transform_5, window_bounds = array<i64: 1, 128>}, {pipeline_mode = #tpu.pipeline_mode<synchronous>, transform_indices = @transform_6, window_bounds = array<i64: 128, 128>}, {pipeline_mode = #tpu.pipeline_mode<synchronous>, transform_indices = @transform_7, window_bounds = array<i64: 1, 128>}, {pipeline_mode = #tpu.pipeline_mode<synchronous>, transform_indices = @transform_8, window_bounds = array<i64: 32, 256>}, {pipeline_mode = #tpu.pipeline_mode<synchronous>, transform_indices = @transform_9, window_bounds = array<i64: 32, 128>}]} {
    %get3A = arith.constant 0 : index
    %get3A_0 = arith.constant 0 : index
    %get3A_1 = vector.load %arg1[%get3A, %get3A_0] : memref<1000x128xf32, #tpu.memory_space<vmem>>, vector<1000x128xf32>
    %get3A_2 = arith.constant 0 : index
    %get3A_3 = arith.constant 0 : index
    %get3A_4 = vector.load %arg3[%get3A_2, %get3A_3] : memref<128x128xf32, #tpu.memory_space<vmem>>, vector<128x128xf32>
    %dot_general3A = arith.constant dense<0.000000e+00> : vector<1000x128xf32>
    %dot_general3A_5 = tpu.matmul %get3A_1, %get3A_4, %dot_general3A {dimension_numbers = #tpu.dot_dimension_numbers<[1], [0], [0], [1], [0, 0, 1, 1], [], []>, transpose_lhs_hint = false} : vector<1000x128xf32>, vector<128x128xf32>, vector<1000x128xf32> -> vector<1000x128xf32>
    %get3A_6 = arith.constant 0 : index
    %get3A_7 = arith.constant 0 : index
    %get3A_8 = vector.load %arg4[%get3A_6, %get3A_7] : memref<1x128xf32, #tpu.memory_space<vmem>>, vector<1x128xf32>
    %add3A = vector.broadcast %get3A_8 : vector<1x128xf32> to vector<1000x128xf32>
    %add3A_9 = arith.addf %dot_general3A_5, %add3A : vector<1000x128xf32>
    %get3A_10 = arith.constant 0 : index
    %get3A_11 = arith.constant 0 : index
    %get3A_12 = vector.load %arg5[%get3A_10, %get3A_11] : memref<128x128xf32, #tpu.memory_space<vmem>>, vector<128x128xf32>
    %dot_general3A_13 = arith.constant dense<0.000000e+00> : vector<1000x128xf32>
    %dot_general3A_14 = tpu.matmul %get3A_1, %get3A_12, %dot_general3A_13 {dimension_numbers = #tpu.dot_dimension_numbers<[1], [0], [0], [1], [0, 0, 1, 1], [], []>, transpose_lhs_hint = false} : vector<1000x128xf32>, vector<128x128xf32>, vector<1000x128xf32> -> vector<1000x128xf32>
    %get3A_15 = arith.constant 0 : index
    %get3A_16 = arith.constant 0 : index
    %get3A_17 = vector.load %arg6[%get3A_15, %get3A_16] : memref<1x128xf32, #tpu.memory_space<vmem>>, vector<1x128xf32>
    %add3A_18 = vector.broadcast %get3A_17 : vector<1x128xf32> to vector<1000x128xf32>
    %add3A_19 = arith.addf %dot_general3A_14, %add3A_18 : vector<1000x128xf32>
    %reduce_max3A = arith.constant dense<0xFF800000> : vector<1000xf32>
    %reduce_max3A_20 = vector.multi_reduction <maximumf>, %add3A_19, %reduce_max3A [1] : vector<1000x128xf32> to vector<1000xf32>
    %broadcast_in_dim3A = vector.shape_cast %reduce_max3A_20 : vector<1000xf32> to vector<1000x1xf32>
    %sub3A = vector.broadcast %broadcast_in_dim3A : vector<1000x1xf32> to vector<1000x128xf32>
    %sub3A_21 = arith.subf %add3A_19, %sub3A : vector<1000x128xf32>
    %exp3A = math.exp %sub3A_21 : vector<1000x128xf32>
    %reduce_sum3A = arith.constant dense<0.000000e+00> : vector<1000xf32>
    %reduce_sum3A_22 = vector.multi_reduction <add>, %exp3A, %reduce_sum3A [1] : vector<1000x128xf32> to vector<1000xf32>
    %broadcast_in_dim3A_23 = vector.shape_cast %reduce_sum3A_22 : vector<1000xf32> to vector<1000x1xf32>
    %div3A = vector.broadcast %broadcast_in_dim3A_23 : vector<1000x1xf32> to vector<1000x128xf32>
    %div3A_24 = arith.divf %exp3A, %div3A : vector<1000x128xf32>
    %mul3A = arith.mulf %add3A_9, %div3A_24 : vector<1000x128xf32>
    %get3A_25 = arith.constant 0 : index
    %get3A_26 = arith.constant 0 : index
    %get3A_27 = arith.constant 0 : index
    %get3A_28 = vector.load %arg2[%get3A_25, %get3A_26, %get3A_27] : memref<1x1x1000xi32, #tpu.memory_space<vmem>>, vector<1x1x1000xi32>
    %get3A_29 = vector.shape_cast %get3A_28 : vector<1x1x1000xi32> to vector<1000xi32>
    %iota3A = tpu.iota {dimensions = array<i32: 0>} : vector<32x1000xi32>
    %broadcast_in_dim3A_30 = vector.shape_cast %get3A_29 : vector<1000xi32> to vector<1x1000xi32>
    %eq3A = vector.broadcast %broadcast_in_dim3A_30 : vector<1x1000xi32> to vector<32x1000xi32>
    %eq3A_31 = arith.cmpi eq, %iota3A, %eq3A : vector<32x1000xi32>
    %convert_element_type3A = arith.extui %eq3A_31 : vector<32x1000xi1> to vector<32x1000xi32>
    %convert_element_type3A_32 = arith.sitofp %convert_element_type3A : vector<32x1000xi32> to vector<32x1000xf32>
    %iota3A_33 = tpu.iota {dimensions = array<i32: 1>} : vector<1000x128xi32>
    %eq3A_34 = arith.constant 0 : i32
    %eq3A_35 = vector.broadcast %eq3A_34 : i32 to vector<1000x128xi32>
    %eq3A_36 = arith.cmpi eq, %iota3A_33, %eq3A_35 : vector<1000x128xi32>
    %convert_element_type3A_37 = arith.extui %eq3A_36 : vector<1000x128xi1> to vector<1000x128xi32>
    %convert_element_type3A_38 = arith.sitofp %convert_element_type3A_37 : vector<1000x128xi32> to vector<1000x128xf32>
    %concatenate3A = tpu.concatenate %mul3A, %convert_element_type3A_38 in 1 : vector<1000x128xf32>, vector<1000x128xf32> -> vector<1000x256xf32>
    %dot_general3A_39 = arith.constant dense<0.000000e+00> : vector<32x256xf32>
    %dot_general3A_40 = tpu.matmul %convert_element_type3A_32, %concatenate3A, %dot_general3A_39 {dimension_numbers = #tpu.dot_dimension_numbers<[1], [0], [0], [1], [0, 0, 1, 1], [], []>, transpose_lhs_hint = false} : vector<32x1000xf32>, vector<1000x256xf32>, vector<32x256xf32> -> vector<32x256xf32>
    %eq3A_41 = arith.constant 0 : i32
    %eq3A_42 = arith.cmpi eq, %arg0, %eq3A_41 : i32
    %convert_element_type3A_43 = arith.extui %eq3A_42 : i1 to i32
    %cond3A = arith.constant 0 : i32
    %cond3A_44 = arith.cmpi ne, %convert_element_type3A_43, %cond3A : i32
    scf.if %cond3A_44 {
      %broadcast_in_dim3A_56 = arith.constant 0.000000e+00 : f32
      %broadcast_in_dim3A_57 = vector.broadcast %broadcast_in_dim3A_56 : f32 to vector<32x256xf32>
      %swap3A_58 = arith.constant 0 : index
      %swap3A_59 = arith.constant 0 : index
      %swap3A_60 = vector.load %arg9[%swap3A_58, %swap3A_59] : memref<32x256xf32, #tpu.memory_space<vmem>>, vector<32x256xf32>
      tpu.vector_store %arg9[%swap3A_58, %swap3A_59], %broadcast_in_dim3A_57 {strides = array<i32>} : memref<32x256xf32, #tpu.memory_space<vmem>>, vector<32x256xf32>,
    } else {
    }
    %get3A_45 = arith.constant 0 : index
    %get3A_46 = arith.constant 0 : index
    %get3A_47 = vector.load %arg9[%get3A_45, %get3A_46] : memref<32x256xf32, #tpu.memory_space<vmem>>, vector<32x256xf32>
    %add3A_48 = arith.addf %get3A_47, %dot_general3A_40 : vector<32x256xf32>
    %swap3A = arith.constant 0 : index
    %swap3A_49 = arith.constant 0 : index
    %swap3A_50 = vector.load %arg9[%swap3A, %swap3A_49] : memref<32x256xf32, #tpu.memory_space<vmem>>, vector<32x256xf32>
    tpu.vector_store %arg9[%swap3A, %swap3A_49], %add3A_48 {strides = array<i32>} : memref<32x256xf32, #tpu.memory_space<vmem>>, vector<32x256xf32>,
    %eq3A_51 = arith.constant 9 : i32
    %eq3A_52 = arith.cmpi eq, %arg0, %eq3A_51 : i32
    %convert_element_type3A_53 = arith.extui %eq3A_52 : i1 to i32
    %cond3A_54 = arith.constant 0 : i32
    %cond3A_55 = arith.cmpi ne, %convert_element_type3A_53, %cond3A_54 : i32
    scf.if %cond3A_55 {
      %get3A_56 = arith.constant 0 : index
      %get3A_57 = arith.constant 0 : index
      %get3A_58 = vector.load %arg9[%get3A_56, %get3A_57] : memref<32x256xf32, #tpu.memory_space<vmem>>, vector<32x256xf32>
      %slice3A = vector.extract_strided_slice %get3A_58 {offsets = [0, 0], sizes = [32, 128], strides = [1, 1]} : vector<32x256xf32> to vector<32x128xf32>
      %slice3A_59 = vector.extract_strided_slice %get3A_58 {offsets = [0, 128], sizes = [32, 1], strides = [1, 1]} : vector<32x256xf32> to vector<32x1xf32>
      %max3A = arith.constant 1.000000e+00 : f32
      %max3A_60 = vector.broadcast %max3A : f32 to vector<32x1xf32>
      %max3A_61 = arith.maximumf %slice3A_59, %max3A_60 : vector<32x1xf32>
      %div3A_62 = vector.broadcast %max3A_61 : vector<32x1xf32> to vector<32x128xf32>
      %div3A_63 = arith.divf %slice3A, %div3A_62 : vector<32x128xf32>
      %get3A_64 = arith.constant 0 : index
      %get3A_65 = arith.constant 0 : index
      %get3A_66 = vector.load %arg7[%get3A_64, %get3A_65] : memref<128x128xf32, #tpu.memory_space<vmem>>, vector<128x128xf32>
      %dot_general3A_67 = arith.constant dense<0.000000e+00> : vector<32x128xf32>
      %dot_general3A_68 = tpu.matmul %div3A_63, %get3A_66, %dot_general3A_67 {dimension_numbers = #tpu.dot_dimension_numbers<[1], [0], [0], [1], [0, 0, 1, 1], [], []>, transpose_lhs_hint = false} : vector<32x128xf32>, vector<128x128xf32>, vector<32x128xf32> -> vector<32x128xf32>
      %get3A_69 = arith.constant 0 : index
      %get3A_70 = arith.constant 0 : index
      %get3A_71 = vector.load %arg8[%get3A_69, %get3A_70] : memref<1x128xf32, #tpu.memory_space<vmem>>, vector<1x128xf32>
      %add3A_72 = vector.broadcast %get3A_71 : vector<1x128xf32> to vector<32x128xf32>
      %add3A_73 = arith.addf %dot_general3A_68, %add3A_72 : vector<32x128xf32>
      %swap3A_74 = arith.constant 0 : index
      %swap3A_75 = arith.constant 0 : index
      %swap3A_76 = vector.load %arg10[%swap3A_74, %swap3A_75] : memref<32x128xf32, #tpu.memory_space<vmem>>, vector<32x128xf32>
      tpu.vector_store %arg10[%swap3A_74, %swap3A_75], %add3A_73 {strides = array<i32>} : memref<32x128xf32, #tpu.memory_space<vmem>>, vector<32x128xf32>,
    } else {
    }
    return
  }
  func.func @transform_0(%arg0: i32) -> (i32, i32) {
    %c0_i32 = arith.constant 0 : i32
    %c0_i32_0 = arith.constant 0 : i32
    return %arg0, %c0_i32 : i32, i32
  }
  func.func @transform_1(%arg0: i32) -> (i32, i32, i32) {
    %c0_i32 = arith.constant 0 : i32
    %c0_i32_0 = arith.constant 0 : i32
    %c0_i32_1 = arith.constant 0 : i32
    return %arg0, %c0_i32, %c0_i32_0 : i32, i32, i32
  }
  func.func @transform_2(%arg0: i32) -> (i32, i32) {
    %c0_i32 = arith.constant 0 : i32
    %c0_i32_0 = arith.constant 0 : i32
    %c0_i32_1 = arith.constant 0 : i32
    return %c0_i32, %c0_i32_0 : i32, i32
  }
  func.func @transform_3(%arg0: i32) -> (i32, i32) {
    %c0_i32 = arith.constant 0 : i32
    %c0_i32_0 = arith.constant 0 : i32
    %c0_i32_1 = arith.constant 0 : i32
    return %c0_i32, %c0_i32_0 : i32, i32
  }
  func.func @transform_4(%arg0: i32) -> (i32, i32) {
    %c0_i32 = arith.constant 0 : i32
    %c0_i32_0 = arith.constant 0 : i32
    %c0_i32_1 = arith.constant 0 : i32
    return %c0_i32, %c0_i32_0 : i32, i32
  }
  func.func @transform_5(%arg0: i32) -> (i32, i32) {
    %c0_i32 = arith.constant 0 : i32
    %c0_i32_0 = arith.constant 0 : i32
    %c0_i32_1 = arith.constant 0 : i32
    return %c0_i32, %c0_i32_0 : i32, i32
  }
  func.func @transform_6(%arg0: i32) -> (i32, i32) {
    %c0_i32 = arith.constant 0 : i32
    %c0_i32_0 = arith.constant 0 : i32
    %c0_i32_1 = arith.constant 0 : i32
    return %c0_i32, %c0_i32_0 : i32, i32
  }
  func.func @transform_7(%arg0: i32) -> (i32, i32) {
    %c0_i32 = arith.constant 0 : i32
    %c0_i32_0 = arith.constant 0 : i32
    %c0_i32_1 = arith.constant 0 : i32
    return %c0_i32, %c0_i32_0 : i32, i32
  }
  func.func @transform_8(%arg0: i32) -> (i32, i32) {
    %c0_i32 = arith.constant 0 : i32
    %c0_i32_0 = arith.constant 0 : i32
    %c0_i32_1 = arith.constant 0 : i32
    return %c0_i32, %c0_i32_0 : i32, i32
  }
  func.func @transform_9(%arg0: i32) -> (i32, i32) {
    %c0_i32 = arith.constant 0 : i32
    %c0_i32_0 = arith.constant 0 : i32
    %c0_i32_1 = arith.constant 0 : i32
    return %c0_i32, %c0_i32_0 : i32, i32
  }
}

</mosaic_0001>

<sc_bundles>
// kernel: kernel.12.cloned.1.call-start
scs
__scs_entry_jumppad:
0x0: {  	(pc) =	sbr.rel $0x88, $3  }
0x1: {  	(tag) =	ssettag $0x0;
	lr =	simm.s32 $0x1  }
0x2: {  	[smem:$0x3F7F] =	sst lr;
	_ =	strace $0xD0000000  }
0x3: {  	_ = 	snop  }
0x4: {  	_ = 	snop  }
0x5: {  	_ = 	snop  }
0x6: {  	_ = 	snop  }
0x7: {  	_ = 	snop  }
__scs_overlays_trampoline_lowered:
0x8: {  	[smem:$0x3F8E] =	sst s0  }
0x9: {  	[smem:$0x3F8F] =	sst s1  }
0xa: {  	[smem:$0x3F90] =	sst s2  }
0xb: {  	[smem:$0x3F91] =	sst s3  }
0xc: {  	[smem:$0x3F92] =	sst s4  }
0xd: {  	[smem:$0x3F93] =	sst s5  }
0xe: {  	[smem:$0x3F94] =	sst s6  }
0xf: {  	[smem:$0x3F95] =	sst s7  }
0x10: {  	[smem:$0x3F96] =	sst s8  }
0x11: {  	[smem:$0x3F97] =	sst s9;
	s0 =	simm.s32 @!p0 $0x0  }
0x12: {  	s1 =	sld [smem:$0x3F7D];
	s0 =	simm.s32 @p0 $0x1  }
0x13: {  	[smem:$0x3F98] =	sst s0;
	s0 =	simm.s32 @!p1 $0x0  }
0x14: {  	s2 =	sld [smem:$0x3F7C];
	s0 =	simm.s32 @p1 $0x1  }
0x15: {  	[smem:$0x3F99] =	sst s0;
	s0 =	simm.s32 @!p2 $0x0  }
0x16: {  	s3 =	sld [smem:$0x3FDB];
	s0 =	simm.s32 @p2 $0x1  }
0x17: {  	s4 =	simm.s32 $0x1BF5;
	[smem:$0x3F9B] =	sst s0  }
0x18: {  	s0 =	sld [smem:$0x3F7E];
	_ =	swait.ge [sflag:s4], $0x0  }
0x19: {  	s7 =	sld [smem:$0x3F7F]  }
0x1a: {  	s8 =	sadd.s32 $0xFFFFE003, lr  }
0x1b: {  	s9 =	sadd.s32 $0xFFFFFEF7, lr;
	s5 =	simm.s32 $0xFFFFFFFF;
	p2 =	slt.u32 s8, $0xFFFFF086  }
0x1c: {  	p1 =	slt.u32 s9, $0xF7A;
	s5 =	simm.s32 @!p2 $0x0  }
0x1d: {  	s5 =	simm.s32 @p1 $0x1;
	p0 =	seq.s32 s7, s2  }
0x1e: {  	s7 =	smul.u32 @!p0 $0xF7A, s2;
	p2 =	seq.s32 @!p0 s5, $0x0  }
0x1f: {  	s9 =	smul.u32 $0xF7A, s1;
	s8 =	simm.s32 @!p0 $0x1BF5;
	p2 =	por !p2, p0  }
0x20: {  	[sflag:s8] =	ssyncset.s32 @!p0 $0xFFFFF086;
	s6 =	sadd.s32 @!p0 s3, s7;
	s7 =	simm.s32 @!p0 $0x108  }
0x21: {  	s3 =	sadd.s32 s3, s9;
	s6 =	sadd.s32 @!p0 $0x88, s6;
	s7 =	simm.s32 @p2 $0x1082  }
0x22: {  	[simem:s7], [sflag:s8] =	dma.local @!p0 [hbm:s6], $0xF7A  }
0x23: {  	s9 =	sor.u32 $0xD0000000, s2;
	s6 =	simm.s32 $0x108;
	_ =	swait.ge @!p0 [sflag:s8], $0x0  }
0x24: {  	s3 =	sadd.s32 $0x88, s3;
	s6 =	simm.s32 @!p1 $0x1082;
	[sflag:s4] =	ssyncset.s32 $0xFFFFF086  }
0x25: {  	[simem:s6], [sflag:s4] =	dma.local [hbm:s3], $0xF7A  }
0x26: {  	[smem:$0x3F7F] =	sst s1;
	(tag) =	ssettag s2;
	_ =	strace s9  }
0x27: {  	s1 =	sld [smem:$0x3F8F]  }
0x28: {  	s2 =	sld [smem:$0x3F90]  }
0x29: {  	s4 =	sld [smem:$0x3F92]  }
0x2a: {  	p0 =	seq.s32 s5, $0x0;
	s5 =	sld [smem:$0x3F93]  }
0x2b: {  	s6 =	sld [smem:$0x3F94]  }
0x2c: {  	s7 =	sld [smem:$0x3F95]  }
0x2d: {  	s3 =	simm.s32 $0x108;
	s8 =	sld [smem:$0x3F96]  }
0x2e: {  	s3 =	simm.s32 @!p0 $0x1082;
	s9 =	sld [smem:$0x3F97]  }
0x2f: {  	lr =	sadd.s32 s0, s3;
	s0 =	sld [smem:$0x3F8E]  }
0x30: {  	s3 =	sld [smem:$0x3F91]  }
0x31: {  	[smem:$0x3F9A] =	sst s10  }
0x32: {  	s10 =	sld [smem:$0x3F98];
	_ =	sdelay $0x3  }
0x33: {  	p0 =	seq.s32 s10, $0x1;
	s10 =	sld [smem:$0x3F9A];
	_ =	sdelay $0x3  }
0x34: {  	[smem:$0x3F9A] =	sst s10  }
0x35: {  	s10 =	sld [smem:$0x3F99];
	_ =	sdelay $0x3  }
0x36: {  	p1 =	seq.s32 s10, $0x1;
	s10 =	sld [smem:$0x3F9A];
	_ =	sdelay $0x3  }
0x37: {  	[smem:$0x3F9A] =	sst s10  }
0x38: {  	s10 =	sld [smem:$0x3F9B]  }
0x39: {  	_ = 	snop;
	(pc) =	sbr.ind lr, $3  }
0x3a: {  	_ = 	snop  }
0x3b: {  	_ = 	snop  }
0x3c: {  	p2 =	seq.s32 s10, $0x1;
	s10 =	sld [smem:$0x3F9A]  }
0x3d: {  	_ =	shalt  }
0x3e: {  	_ =	shalt  }
0x3f: {  	_ =	shalt  }
0x40: {  	_ =	shalt  }
0x41: {  	_ =	shalt  }
0x42: {  	_ =	shalt  }
0x43: {  	_ =	shalt  }
0x44: {  	_ =	shalt  }
0x45: {  	_ =	shalt  }
0x46: {  	_ =	shalt  }
0x47: {  	_ =	shalt  }
0x48: {  	_ =	shalt  }
0x49: {  	_ =	shalt  }
0x4a: {  	_ =	shalt  }
0x4b: {  	_ =	shalt  }
0x4c: {  	_ =	shalt  }
0x4d: {  	_ =	shalt  }
0x4e: {  	_ =	shalt  }
0x4f: {  	_ =	shalt  }
0x50: {  	_ =	shalt  }
0x51: {  	_ =	shalt  }
0x52: {  	_ =	shalt  }
0x53: {  	_ =	shalt  }
0x54: {  	_ =	shalt  }
0x55: {  	_ =	shalt  }
0x56: {  	_ =	shalt  }
0x57: {  	_ =	shalt  }
0x58: {  	_ =	shalt  }
0x59: {  	_ =	shalt  }
0x5a: {  	_ =	shalt  }
0x5b: {  	_ =	shalt  }
0x5c: {  	_ =	shalt  }
0x5d: {  	_ =	shalt  }
0x5e: {  	_ =	shalt  }
0x5f: {  	_ =	shalt  }
0x60: {  	_ =	shalt  }
0x61: {  	_ =	shalt  }
0x62: {  	_ =	shalt  }
0x63: {  	_ =	shalt  }
0x64: {  	_ =	shalt  }
0x65: {  	_ =	shalt  }
0x66: {  	_ =	shalt  }
0x67: {  	_ =	shalt  }
0x68: {  	_ =	shalt  }
0x69: {  	_ =	shalt  }
0x6a: {  	_ =	shalt  }
0x6b: {  	_ =	shalt  }
0x6c: {  	_ =	shalt  }
0x6d: {  	_ =	shalt  }
0x6e: {  	_ =	shalt  }
0x6f: {  	_ =	shalt  }
0x70: {  	_ =	shalt  }
0x71: {  	_ =	shalt  }
0x72: {  	_ =	shalt  }
0x73: {  	_ =	shalt  }
0x74: {  	_ =	shalt  }
0x75: {  	_ =	shalt  }
0x76: {  	_ =	shalt  }
0x77: {  	_ =	shalt  }
0x78: {  	_ =	shalt  }
0x79: {  	_ =	shalt  }
0x7a: {  	_ =	shalt  }
0x7b: {  	_ =	shalt  }
0x7c: {  	_ =	shalt  }
0x7d: {  	_ =	shalt  }
0x7e: {  	_ =	shalt  }
0x7f: {  	_ =	shalt  }
0x80: {  	_ =	shalt  }
0x81: {  	_ =	shalt  }
0x82: {  	_ =	shalt  }
0x83: {  	_ =	shalt  }
0x84: {  	_ =	shalt  }
0x85: {  	_ =	shalt  }
0x86: {  	_ =	shalt  }
0x87: {  	_ =	shalt  }
.Lfunc_end0:
.L_simem_size_0:
called_computation_lowered:
.L_overlay_start_0:
0x88: {  	s2 =	sld [smem:$0x3FD9]  }
0x89: {  	s3 =	sld [smem:$0x3FFE];
	_ =	sdelay $0x1  }
0x8a: {  	s1 =	srdreg.scid  }
0x8b: {  	s0 =	sand.u32 $0x1, s1  }
0x8c: {  	s17 =	sshll.u32 s0, $0xA;
	s2 =	sadd.s32 s3, s2  }
0x8d: {  	s2 =	sadd.s32 s2, s17  }
0x8e: {  	[smem:$0x3FA6] =	sst s2  }
0x8f: {  	_ = 	snop  }
0x90: {  	s2 =	sld [smem:$0x3FC4];
	(tm) =	ssettm $0x1  }
0x91: {  	s18 =	sld [smem:$0x3FFB];
	_ =	sdelay $0x3  }
0x92: {  	_ =	strace s18  }
0x93: {  	s3 =	sld [smem:$0x3FFC];
	_ =	sdelay $0x3  }
0x94: {  	_ =	strace s3  }
0x95: {  	s3 =	sld [smem:$0x3FFD];
	_ =	sdelay $0x3  }
0x96: {  	_ =	strace s3  }
0x97: {  	_ =	strace $0x8FFFFFFF  }
0x98: {  	s19 =	sld [smem:$0x3FDB];
	_ =	sdelay $0x1  }
0x99: {  	s4 =	simm.s32 $_scs_section_size  }
0x9a: {  	s5 =	simm.s32 $_size__tile_overlayer_lowered;
	s6 =	simm.s32 $_tile_overlayer_lowered  }
0x9b: {  	s22 =	simm.s32 $0x1BFF;
	s21 =	sshll.u32 s6, $0x1;
	s3 =	sadd.s32 s4, s19  }
0x9c: {  	s7 =	simm.s32 $0x0;
	s20 =	sshll.u32 s5, $0x1;
	s5 =	sadd.s32 s21, s3  }
0x9d: {  	[timem:s7], [sflag:s22] =	dma.local [hbm:s5], s20  }
0x9e: {  	_ =	swait.ge [sflag:s22], s20  }
0x9f: {  	s4 =	ssub.s32 $0x0, s20;
	[sflag:s22] =	ssyncset.done $0x0  }
0xa0: {  	[sflag:s22] =	ssyncadd.s32 s4;
	_ =	sdelay $0x1  }
0xa1: {  	s23 =	simm.s32 $0x1B8B  }
0xa2: {  	_ =	swait.ge [sflag:s23], $0x1  }
0xa3: {  	[sflag:s23] =	ssyncset.done $0x0  }
0xa4: {  	s25 =	simm.s32 $0x1B8E;
	s24 =	sld [smem:$0x3FFE];
	[sflag:s23] =	ssyncadd.s32 $0xFFFFFFFF  }
0xa5: {  	s26 =	simm.s32 $execute0_lowered;
	[smem:$0x3FD2] =	sst s25  }
0xa6: {  	s5 =	sshll.u32 s26, $0x1;
	_ =	strace $0x80000046;
	[dreg:$0x1] =	wrdreg $0xFFFFFFFF  }
0xa7: {  	s28 =	simm.s32 $_size_execute0_lowered;
	s3 =	sadd.s32 s3, s5;
	[dreg:$0x0] =	wrdreg $0x0  }
0xa8: {  	s5 =	sshll.u32 s28, $0x1;
	[dreg:$0x2] =	wrdreg s3  }
0xa9: {  	[dreg:$0x3] =	wrdreg s5  }
0xaa: {  	[dreg:$0x4] =	wrdreg $0xC0  }
0xab: {  	_ =	task [dreg:s7], $0x5FFFF  }
0xac: {  	[dreg:$0x1] =	wrdreg $0xFFFFFFFF  }
0xad: {  	[dreg:$0x0] =	wrdreg $0x60  }
0xae: {  	[dreg:$0x2] =	wrdreg s24  }
0xaf: {  	[dreg:$0x3] =	wrdreg s2  }
0xb0: {  	[dreg:$0x4] =	wrdreg $0xBC800  }
0xb1: {  	[dreg:$0x5] =	wrdreg $0x9  }
0xb2: {  	_ =	task.clear_ibuf [dreg:s7], $0x6FFFF;
	_ =	strace $0x90000046  }
0xb3: {  	s29 =	simm.s32 $0x9;
	_ =	strace $0x80000048  }
0xb4: {  	_ =	swait.ge [sflag:s29], $0x1  }
0xb5: {  	[sflag:s29] =	ssyncadd.s32 $0xFFFFFFFF  }
0xb6: {  	_ =	strace $0x90000048  }
0xb7: {  	_ =	sfence  }
0xb8: {  	s30 =	sld [smem:$0x0];
	_ =	sdelay $0x2  }
0xb9: {  	s31 =	sshll.u32 s1, $0xD;
	s1 =	sshrl.u32 s1, $0x2  }
0xba: {  	s3 =	sand.u32 $0x4000, s31;
	s1 =	sadd.s32 s1, s30  }
0xbb: {  	s0 =	sor.u32 s3, s0;
	s1 =	sshll.u32 s1, $0x11  }
0xbc: {  	s0 =	sor.u32 s1, s0  }
0xbd: {  	s0 =	sadd.s32 $0x8F2B, s0  }
0xbe: {  	[sflag:s0] =	ssyncadd.remote.s32 $0x1  }
0xbf: {  	_ =	sfence.sel $0xFFFF  }
0xc0: {  	[dreg:$0x0] =	wrdreg $0xFFFFFFFF;
	(pc) =	sbr.abs _section_cstart, $3  }
0xc1: {  	[dreg:$0x1] =	wrdreg $0xFFFFFFFF  }
0xc2: {  	_ =	task.clear_ibuf [dreg:s7], $0x2FFFF;
	_ =	strace $0x9FFFFFFF  }
0xc3: {  	(tm) =	ssettm $0x7FFFFFFF  }
tec
execute0_lowered:
.L_overlay_start_1:
0x0: {  	(tag) =	ssettag $0x1  }
0x1: {  	s0 =	rddreg [dreg:$0x0]  }
0x2: {  	s1 =	rddreg [dreg:$0x1];
	s17 =	stileid.u32  }
0x3: {  	s3 =	srdreg.scid;
	s11 =	smul.u32 $0x50000, s17  }
0x4: {  	s2 =	rddreg [dreg:$0x2];
	s14 =	smul.u32 $0x500, s17  }
0x5: {  	s28 =	simm.s32 $0x4000;
	s4 =	sand.u32 $0x1, s3;
	s15 =	smul.u32 $0x2800, s17  }
0x6: {  	s29 =	simm.s32 $0x1;
	s30 =	simm.s32 $0x80;
	s5 =	smul.u32 $0x280000, s4  }
0x7: {  	s31 =	simm.s32 $0x2;
	s3 =	simm.s32 $0x0;
	s6 =	smul.u32 $0x5000, s4  }
0x8: {  	s9 =	sadd.s32 $0x515600, s0;
	[smem:$0x7FF] =	sst s3;
	s21 =	smul.u32 $0x28000, s4  }
0x9: {  	s22 =	ssub.s32 $0x2, s4;
	s4 =	sshll.u32 s4, $0x4;
	_ =	strace $0x80000047  }
0xa: {  	s23 =	sshrl.u32 s22, $0x1;
	s4 =	sor.u32 s17, s4;
	s24 =	sshrl.u32 s11, $0x2  }
0xb: {  	s7 =	sadd.s32 s5, s0;
	s8 =	sadd.s32 s6, s0;
	s5 =	smul.u32 $0x50, s17  }
0xc: {  	s10 =	sadd.s32 s21, s0;
	s0 =	sadd.s32 $0x6A600, s0;
	s13 =	smul.u32 $0x140, s4  }
0xd: {  	s12 =	ssub.s32 s22, s23;
	s6 =	sadd.s32 s24, s2;
	s4 =	smul.u32 $0x1400, s4  }
0xe: {  	s24 =	smul.u32 $0x28000, s17;
	s11 =	sadd.s32 $0x6600, s8;
	s12 =	smax.u32 s12, $0x1  }
0xf: {  	s7 =	sadd.s32 $0x515C00, s7;
	s25 =	sadd.s32 $0x4000, s6;
	[dreg:$0x5] =	wrdreg s12  }
0x10: {  	s10 =	sadd.s32 $0x1A600, s10;
	s26 =	sadd.s32 $0x8000, s6;
	[dreg:$0x6] =	wrdreg s25  }
0x11: {  	s8 =	sor.u32 $0x1, s5;
	s16 =	sshrl.u32 s13, $0x3;
	[dreg:$0x7] =	wrdreg s26  }
0x12: {  	s4 =	sadd.s32 s0, s4;
	s20 =	sadd.s32 $0xA0, s13;
	s25 =	sadd.s32 $0xC000, s6  }
0x13: {  	s26 =	sor.u32 $0x1800, s24;
	s24 =	simm.s32 $0x5;
	[dreg:$0x8] =	wrdreg s4  }
0x14: {  	s16 =	sadd.s32 s9, s16;
	s21 =	sshrl.u32 s20, $0x3;
	[dreg:$0xf] =	wrdreg s25  }
0x15: {  	s25 =	sadd.s32 s7, s26;
	[dreg:$0x4] =	wrdreg s16;
	s16 =	sadd.s32 $0x50, s13  }
0x16: {  	s26 =	simm.s32 $0x8000;
	s13 =	sadd.s32 $0xF0, s13;
	s18 =	sshrl.u32 s16, $0x3  }
0x17: {  	s12 =	sshll.u32 s16, $0x4;
	s22 =	sshrl.u32 s13, $0x3;
	s23 =	sshll.u32 s13, $0x4  }
0x18: {  	s13 =	simm.s32 $0x9480;
	s4 =	sadd.s32 s9, s18;
	s19 =	sadd.s32 s0, s12  }
0x19: {  	s12 =	sadd.s32 s9, s21;
	s21 =	sadd.s32 s14, s11;
	[dreg:$0x9] =	wrdreg s4  }
0x1a: {  	s11 =	simm.s32 $0x9400;
	s14 =	simm.s32 $0x0;
	[dreg:$0xa] =	wrdreg s19  }
0x1b: {  	s4 =	sshll.u32 s20, $0x4;
	[dreg:$0xb] =	wrdreg s12;
	s12 =	simm.s32 $0x50  }
0x1c: {  	s4 =	sadd.s32 s0, s4;
	s0 =	sadd.s32 s0, s23;
	s23 =	sadd.s32 s15, s10  }
0x1d: {  	s10 =	simm.s32 $0x9380;
	[dreg:$0xc] =	wrdreg s4;
	s4 =	sadd.s32 s9, s22  }
0x1e: {  	[dreg:$0xe] =	wrdreg s0;
	s22 =	sadd.s32 $0x10000, s6;
	s0 =	simm.s32 $0x3  }
0x1f: {  	v0 =	vimm.f32 $0.0e+00;
	s9 =	simm.s32 $0x9300;
	[dreg:$0xd] =	wrdreg s4;
	s4 =	simm.s32 $0x4  }
.LBB2_1:
0x20: {  	s15 =	simm.s32 $0x0;
	s16 =	simm.s32 $0x200  }
.LBB2_2:
0x21: {  	p0 =	sne.s32 s16, $0xFE00;
	[tilespmem:s15+$0x70] =	vst v0  }
0x22: {  	[tilespmem:s15+$0x0] =	vst v0  }
0x23: {  	[tilespmem:s15+$0x10] =	vst v0  }
.Ltmp0:
0x24: {  	[tilespmem:s15+$0x20] =	vst v0;
	(pc) =	sbr.rel @p0 .LBB2_2-.Ltmp0, $4  }
0x25: {  	[tilespmem:s15+$0x30] =	vst v0  }
0x26: {  	[tilespmem:s15+$0x40] =	vst v0  }
0x27: {  	[tilespmem:s15+$0x50] =	vst v0  }
0x28: {  	[tilespmem:s15+$0x60] =	vst v0;
	s15 =	sshra.s32 s16, $0x2;
	s16 =	sadd.s32 $0x200, s16  }
0x29: {  	[tilespmem:s15+$0x70] =	vst v0  }
0x2a: {  	[tilespmem:s15+$0x0] =	vst v0  }
0x2b: {  	[tilespmem:s15+$0x10] =	vst v0  }
0x2c: {  	[tilespmem:s15+$0x20] =	vst v0  }
0x2d: {  	[tilespmem:s15+$0x30] =	vst v0  }
0x2e: {  	[tilespmem:s15+$0x40] =	vst v0  }
0x2f: {  	[tilespmem:s15+$0x50] =	vst v0  }
0x30: {  	[tilespmem:s15+$0x60] =	vst v0;
	s15 =	simm.s32 $0x0  }
0x31: {  	[spmem:s6] =	stream.linear.scatter [tilespmem:s15], [sflag:$0x5], $0x4000, $0x38;
	[tilespmem:$0x1FC80] =	vst v63  }
0x32: {  	_ =	swait.ge [sflag:s24], $0x4000  }
0x33: {  	[sflag:s24] =	ssyncset.done $0x0  }
0x34: {  	s16 =	rddreg [dreg:$0x6];
	[sflag:s24] =	ssyncadd.s32 $0xFFFFC000  }
0x35: {  	[spmem:s16] =	stream.linear.scatter [tilespmem:s15], [sflag:$0x5], $0x4000, $0x38;
	[tilespmem:$0x1FC80] =	vst v63  }
0x36: {  	_ =	swait.ge [sflag:s24], $0x4000  }
0x37: {  	[sflag:s24] =	ssyncset.done $0x0  }
0x38: {  	s19 =	rddreg [dreg:$0x7];
	[sflag:s24] =	ssyncadd.s32 $0xFFFFC000  }
0x39: {  	[spmem:s19] =	stream.linear.scatter [tilespmem:s15], [sflag:$0x5], $0x4000, $0x38;
	[tilespmem:$0x1FC80] =	vst v63  }
0x3a: {  	_ =	swait.ge [sflag:s24], $0x4000  }
0x3b: {  	[sflag:s24] =	ssyncset.done $0x0  }
0x3c: {  	s20 =	rddreg [dreg:$0xf];
	[sflag:s24] =	ssyncadd.s32 $0xFFFFC000  }
0x3d: {  	[spmem:s20] =	stream.linear.scatter [tilespmem:s15], [sflag:$0x5], $0x4000, $0x38;
	[tilespmem:$0x1FC80] =	vst v63  }
0x3e: {  	_ =	swait.ge [sflag:s24], $0x4000  }
0x3f: {  	[sflag:s24] =	ssyncset.done $0x0  }
0x40: {  	[sflag:s24] =	ssyncadd.s32 $0xFFFFC000  }
0x41: {  	[spmem:s22] =	stream.linear.scatter [tilespmem:s15], [sflag:$0x5], $0x4000, $0x38;
	[tilespmem:$0x1FC80] =	vst v63  }
0x42: {  	_ =	swait.ge [sflag:s24], $0x4000  }
0x43: {  	[sflag:s24] =	ssyncset.done $0x0  }
0x44: {  	[sflag:s24] =	ssyncadd.s32 $0xFFFFC000  }
0x45: {  	p1 =	por $0x1, $0x1;
	s16 =	simm.s32 $0x0;
	[bflag:$0x0] =	sbarrier.arrive $0xFFFF  }
.LBB2_4:
0x46: {  	s17 =	smul.u32 $0x280, s16;
	_ =	sdelay $0x1  }
0x47: {  	s18 =	smul.u32 $0x28, s16;
	s17 =	sadd.s32 s17, s21  }
0x48: {  	[tilespmem:s26], [sflag:$0x5] =	stream.linear.gather [hbm4b:s17+s15], $0x1400, $0x38;
	[tilespmem:$0x1FC80] =	vst v63  }
0x49: {  	s20 =	sadd.s32 s5, s18;
	_ =	swait.ge [sflag:s24], $0x1400  }
0x4a: {  	s17 =	sshll.u32 s20, $0xB;
	[sflag:s24] =	ssyncset.done $0x0  }
0x4b: {  	s19 =	sadd.s32 s18, s8;
	s17 =	sadd.s32 s17, s7;
	[sflag:s24] =	ssyncadd.s32 $0xFFFFEC00  }
0x4c: {  	[tilespmem:s15], [sflag:$0x1] =	stream.linear.gather [hbm4b:s17+s15], $0x4000, $0x38;
	[tilespmem:$0x1FC80] =	vst v63  }
0x4d: {  	s17 =	sshll.u32 s19, $0xB  }
0x4e: {  	s17 =	sadd.s32 s17, s7  }
0x4f: {  	[tilespmem:s28], [sflag:$0x2] =	stream.linear.gather [hbm4b:s17+s15], $0x4000, $0x38;
	[tilespmem:$0x1FC80] =	vst v63  }
0x50: {  	_ =	swait.ge [sflag:s29], $0x4000  }
0x51: {  	[sflag:s29] =	ssyncset.done $0x0  }
0x52: {  	s20 =	simm.s32 $0x8000;
	[sflag:s29] =	ssyncadd.s32 $0xFFFFC000  }
0x53: {  	[spmem:s2] =	stream.indirect.scatter.add.f32 [tilespmem:s3], [sflag:$0x3], $0x80, s20, s30, $0xb8;
	[tilespmem:$0x1FC80] =	vst v63  }
0x54: {  	_ =	swait.ge [sflag:s31], $0x4000  }
0x55: {  	[sflag:s31] =	ssyncset.done $0x0  }
0x56: {  	s18 =	smul.u32 $0x14000, s16;
	s19 =	simm.s32 $0x8080;
	[sflag:s31] =	ssyncadd.s32 $0xFFFFC000  }
0x57: {  	[spmem:s2] =	stream.indirect.scatter.add.f32 [tilespmem:s28], [sflag:$0x4], $0x80, s19, s30, $0xb8;
	[tilespmem:$0x1FC80] =	vst v63  }
0x58: {  	_ =	swait.ge [sflag:s0], $0x4000  }
0x59: {  	s16 =	sadd.s32 s18, s25;
	[sflag:s0] =	ssyncset.done $0x0  }
0x5a: {  	s20 =	sadd.s32 $0xFFFFF800, s16;
	[sflag:s0] =	ssyncadd.s32 $0xFFFFC000  }
0x5b: {  	[tilespmem:s3], [sflag:$0x1] =	stream.linear.gather [hbm4b:s20+s3], $0x4000, $0x38;
	[tilespmem:$0x1FC80] =	vst v63  }
0x5c: {  	_ =	swait.ge [sflag:s4], $0x4000  }
0x5d: {  	p0 =	por p1, p1;
	[sflag:s4] =	ssyncset.done $0x0  }
0x5e: {  	s18 =	sadd.s32 $0x1000, s16;
	s17 =	simm.s32 $0x400;
	[sflag:s4] =	ssyncadd.s32 $0xFFFFC000  }
.LBB2_5:
0x5f: {  	[tilespmem:s28], [sflag:$0x2] =	stream.linear.gather [hbm4b:s16+s3], $0x4000, $0x38;
	[tilespmem:$0x1FC80] =	vst v63  }
0x60: {  	s19 =	smov.u32 s17;
	s16 =	smov.u32 s18  }
0x61: {  	p1 =	sne.s32 s17, $0x4800;
	s17 =	sadd.s32 $0x400, s17;
	_ =	swait.ge [sflag:s29], $0x4000  }
0x62: {  	s19 =	sshra.s32 s19, $0x2;
	[sflag:s29] =	ssyncset.done $0x0  }
0x63: {  	s20 =	sadd.s32 $0x8000, s19;
	[sflag:s29] =	ssyncadd.s32 $0xFFFFC000  }
0x64: {  	[spmem:s2] =	stream.indirect.scatter.add.f32 [tilespmem:s3], [sflag:$0x3], $0x80, s20, s30, $0xb8;
	[tilespmem:$0x1FC80] =	vst v63  }
0x65: {  	_ =	swait.ge [sflag:s31], $0x4000  }
0x66: {  	[sflag:s31] =	ssyncset.done $0x0  }
0x67: {  	s19 =	sadd.s32 $0x8080, s19;
	[sflag:s31] =	ssyncadd.s32 $0xFFFFC000  }
0x68: {  	[spmem:s2] =	stream.indirect.scatter.add.f32 [tilespmem:s28], [sflag:$0x4], $0x80, s19, s30, $0xb8;
	[tilespmem:$0x1FC80] =	vst v63  }
0x69: {  	_ =	swait.ge [sflag:s0], $0x4000  }
0x6a: {  	[sflag:s0] =	ssyncset.done $0x0  }
.Ltmp1:
0x6b: {  	s19 =	sadd.s32 $0xFFFFF800, s18;
	[sflag:s0] =	ssyncadd.s32 $0xFFFFC000;
	(pc) =	sbr.rel @p1 .LBB2_5-.Ltmp1, $4  }
0x6c: {  	[tilespmem:s3], [sflag:$0x1] =	stream.linear.gather [hbm4b:s19+s3], $0x4000, $0x38;
	[tilespmem:$0x1FC80] =	vst v63  }
0x6d: {  	_ =	swait.ge [sflag:s4], $0x4000  }
0x6e: {  	[sflag:s4] =	ssyncset.done $0x0  }
0x6f: {  	s18 =	sadd.s32 $0x1000, s18;
	[sflag:s4] =	ssyncadd.s32 $0xFFFFC000  }
0x70: {  	[tilespmem:s28], [sflag:$0x2] =	stream.linear.gather [hbm4b:s16+s3], $0x4000, $0x38;
	[tilespmem:$0x1FC80] =	vst v63  }
0x71: {  	s16 =	simm.s32 $0x1  }
0x72: {  	_ =	swait.ge [sflag:s16], $0x4000  }
0x73: {  	[sflag:s16] =	ssyncset.done $0x0  }
0x74: {  	[sflag:s16] =	ssyncadd.s32 $0xFFFFC000  }
0x75: {  	[spmem:s2] =	stream.indirect.scatter.add.f32 [tilespmem:s3], [sflag:$0x3], $0x80, s9, s30, $0xb8;
	[tilespmem:$0x1FC80] =	vst v63  }
0x76: {  	_ =	swait.ge [sflag:s31], $0x4000  }
0x77: {  	[sflag:s31] =	ssyncset.done $0x0  }
0x78: {  	[sflag:s31] =	ssyncadd.s32 $0xFFFFC000  }
0x79: {  	[spmem:s2] =	stream.indirect.scatter.add.f32 [tilespmem:s28], [sflag:$0x4], $0x80, s10, s30, $0xb8;
	[tilespmem:$0x1FC80] =	vst v63  }
0x7a: {  	_ =	swait.ge [sflag:s0], $0x4000  }
.Ltmp2:
0x7b: {  	[sflag:s0] =	ssyncset.done $0x0;
	(pc) =	sbr.rel @p0 .LBB2_4-.Ltmp2, $4  }
0x7c: {  	[sflag:s0] =	ssyncadd.s32 $0xFFFFC000  }
0x7d: {  	_ =	swait.ge [sflag:s4], $0x4000  }
0x7e: {  	[sflag:s4] =	ssyncset.done $0x0  }
0x7f: {  	p1 =	por $0x0, $0x0;
	[sflag:s4] =	ssyncadd.s32 $0xFFFFC000  }
0x80: {  	s15 =	stileid.u32  }
0x81: {  	s15 =	sshll.u32 s15, $0x6  }
0x82: {  	[bflag:$0x0] =	sbarrier.arrive $0xFFFF;
	s16 =	sshrl.u32 s6, $0x3;
	s15 =	sor.u32 $0x1C05, s15  }
0x83: {  	[hbm:s23], [sflag:s15] =	dma.local [spmem:s16], $0x2800  }
0x84: {  	_ =	swait.ge [sflag:s24], $0x2800  }
0x85: {  	[sflag:s24] =	ssyncset.done $0x0  }
0x86: {  	s17 =	rddreg [dreg:$0x4];
	[sflag:s24] =	ssyncadd.s32 $0xFFFFD800  }
0x87: {  	[tilespmem:s11], [sflag:$0x5] =	stream.linear.gather [hbm4b:s17+s3], $0x50, $0x38;
	[tilespmem:$0x1FC80] =	vst v63  }
0x88: {  	_ =	swait.ge [sflag:s24], $0x50  }
0x89: {  	[sflag:s24] =	ssyncset.done $0x0  }
0x8a: {  	[sflag:s24] =	ssyncadd.s32 $0xFFFFFFB0  }
0x8b: {  	[tilespmem:s13], [sflag:$0x1] =	stream.indirect.gather [hbm4b:s1+s12], $0x80, s11, s12, $0xb8;
	[tilespmem:$0x1FC80] =	vst v63  }
0x8c: {  	_ =	swait.ge [sflag:s29], $0x2800  }
0x8d: {  	[sflag:s29] =	ssyncset.done $0x0  }
0x8e: {  	s18 =	rddreg [dreg:$0x8];
	[sflag:s29] =	ssyncadd.s32 $0xFFFFD800  }
0x8f: {  	[hbm4b:s18+s3] =	stream.linear.scatter [tilespmem:s13], [sflag:$0x5], $0x2800, $0x38;
	[tilespmem:$0x1FC80] =	vst v63  }
0x90: {  	_ =	swait.ge [sflag:s24], $0x2800  }
0x91: {  	[sflag:s24] =	ssyncset.done $0x0  }
0x92: {  	s19 =	rddreg [dreg:$0x9];
	[sflag:s24] =	ssyncadd.s32 $0xFFFFD800  }
0x93: {  	[tilespmem:s11], [sflag:$0x5] =	stream.linear.gather [hbm4b:s19+s3], $0x50, $0x38;
	[tilespmem:$0x1FC80] =	vst v63  }
0x94: {  	_ =	swait.ge [sflag:s24], $0x50  }
0x95: {  	[sflag:s24] =	ssyncset.done $0x0  }
0x96: {  	[sflag:s24] =	ssyncadd.s32 $0xFFFFFFB0  }
0x97: {  	[tilespmem:s13], [sflag:$0x1] =	stream.indirect.gather [hbm4b:s1+s12], $0x80, s11, s12, $0xb8;
	[tilespmem:$0x1FC80] =	vst v63  }
0x98: {  	_ =	swait.ge [sflag:s29], $0x2800  }
0x99: {  	[sflag:s29] =	ssyncset.done $0x0  }
0x9a: {  	s20 =	rddreg [dreg:$0xa];
	[sflag:s29] =	ssyncadd.s32 $0xFFFFD800  }
0x9b: {  	[hbm4b:s20+s3] =	stream.linear.scatter [tilespmem:s13], [sflag:$0x5], $0x2800, $0x38;
	[tilespmem:$0x1FC80] =	vst v63  }
0x9c: {  	_ =	swait.ge [sflag:s24], $0x2800  }
0x9d: {  	[sflag:s24] =	ssyncset.done $0x0  }
0x9e: {  	s16 =	rddreg [dreg:$0xb];
	[sflag:s24] =	ssyncadd.s32 $0xFFFFD800  }
0x9f: {  	[tilespmem:s11], [sflag:$0x5] =	stream.linear.gather [hbm4b:s16+s3], $0x50, $0x38;
	[tilespmem:$0x1FC80] =	vst v63  }
0xa0: {  	_ =	swait.ge [sflag:s24], $0x50  }
0xa1: {  	[sflag:s24] =	ssyncset.done $0x0  }
0xa2: {  	[sflag:s24] =	ssyncadd.s32 $0xFFFFFFB0  }
0xa3: {  	[tilespmem:s13], [sflag:$0x1] =	stream.indirect.gather [hbm4b:s1+s12], $0x80, s11, s12, $0xb8;
	[tilespmem:$0x1FC80] =	vst v63  }
0xa4: {  	_ =	swait.ge [sflag:s29], $0x2800  }
0xa5: {  	[sflag:s29] =	ssyncset.done $0x0  }
0xa6: {  	s17 =	rddreg [dreg:$0xc];
	[sflag:s29] =	ssyncadd.s32 $0xFFFFD800  }
0xa7: {  	[hbm4b:s17+s3] =	stream.linear.scatter [tilespmem:s13], [sflag:$0x5], $0x2800, $0x38;
	[tilespmem:$0x1FC80] =	vst v63  }
0xa8: {  	_ =	swait.ge [sflag:s24], $0x2800  }
0xa9: {  	[sflag:s24] =	ssyncset.done $0x0  }
0xaa: {  	s18 =	rddreg [dreg:$0xd];
	[sflag:s24] =	ssyncadd.s32 $0xFFFFD800  }
0xab: {  	[tilespmem:s11], [sflag:$0x5] =	stream.linear.gather [hbm4b:s18+s3], $0x50, $0x38;
	[tilespmem:$0x1FC80] =	vst v63  }
0xac: {  	_ =	swait.ge [sflag:s24], $0x50  }
0xad: {  	[sflag:s24] =	ssyncset.done $0x0  }
0xae: {  	[sflag:s24] =	ssyncadd.s32 $0xFFFFFFB0  }
0xaf: {  	[tilespmem:s13], [sflag:$0x1] =	stream.indirect.gather [hbm4b:s1+s12], $0x80, s11, s12, $0xb8;
	[tilespmem:$0x1FC80] =	vst v63  }
0xb0: {  	_ =	swait.ge [sflag:s29], $0x2800  }
0xb1: {  	[sflag:s29] =	ssyncset.done $0x0  }
0xb2: {  	s19 =	rddreg [dreg:$0xe];
	[sflag:s29] =	ssyncadd.s32 $0xFFFFD800  }
0xb3: {  	[hbm4b:s19+s3] =	stream.linear.scatter [tilespmem:s13], [sflag:$0x5], $0x2800, $0x38;
	[tilespmem:$0x1FC80] =	vst v63  }
0xb4: {  	_ =	swait.ge [sflag:s24], $0x2800  }
0xb5: {  	s14 =	sadd.s32 $0x1, s14;
	s20 =	rddreg [dreg:$0x5]  }
0xb6: {  	p0 =	sne.s32 s14, s20  }
.Ltmp3:
0xb7: {  	_ = 	snop;
	(pc) =	sbr.rel @p0 .LBB2_1-.Ltmp3, $3  }
0xb8: {  	_ =	sdelay $0x1  }
0xb9: {  	[sflag:s24] =	ssyncset.done $0x0  }
0xba: {  	[sflag:s24] =	ssyncadd.s32 $0xFFFFD800  }
0xbb: {  	_ =	sfence.sel $0x180000  }
0xbc: {  	[bflag:$0x0] =	sbarrier.arrive $0xFFFF  }
0xbd: {  	_ =	strace $0x90000047  }
0xbe: {  	s0 =	stileid.u32;
	[bflag:$0x2] =	sbarrier.arrive $0xFFFF  }
0xbf: {  	p0 =	sne.s32 s0, $0x0;
	s0 =	rddreg [dreg:$0x3]  }
0xc0: {  	s0 =	sadd.s32 @!p0 $0x100000, s0  }
0xc1: {  	[sflag:s0] =	ssyncadd.tile.s32 @!p0 $0x1;
	_ =	shalt  }
.Lfunc_end2:
_tile_overlayer_lowered:
.L_overlay_start_2:
0xc2: {  	(tag) =	ssettag $0x2  }
0xc3: {  	s0 =	rddreg [dreg:$0x0];
	s2 =	stileid.u32  }
0xc4: {  	s1 =	rddreg [dreg:$0x1];
	p0 =	sne.s32 s2, $0x0  }
0xc5: {  	s3 =	rddreg [dreg:$0x2];
	[bflag:$0x3] =	sbarrier.arrive $0xFFFF;
	s2 =	simm.s32 @!p0 $0x1C05  }
0xc6: {  	[timem:s3], [sflag:s2] =	dma.local @!p0 [hbm:s0], s1  }
0xc7: {  	s0 =	simm.s32 @!p0 $0x5  }
0xc8: {  	_ =	swait.ge @!p0 [sflag:s0], s1  }
0xc9: {  	s1 =	ssub.s32 @!p0 $0x0, s1;
	[sflag:s0] =	ssyncset.done @!p0 $0x0  }
0xca: {  	[sflag:s0] =	ssyncadd.s32 @!p0 s1  }
0xcb: {  	[bflag:$0x3] =	sbarrier.arrive $0xFFFF  }
0xcc: {  	_ =	shalt  }

// kernel: kernel.15.cloned.1.call-start
scs
__scs_entry_jumppad:
0x0: {  	(pc) =	sbr.rel $0x88, $3  }
0x1: {  	(tag) =	ssettag $0x0;
	lr =	simm.s32 $0x1  }
0x2: {  	[smem:$0x3F7F] =	sst lr;
	_ =	strace $0xD0000000  }
0x3: {  	_ = 	snop  }
0x4: {  	_ = 	snop  }
0x5: {  	_ = 	snop  }
0x6: {  	_ = 	snop  }
0x7: {  	_ = 	snop  }
__scs_overlays_trampoline_lowered:
0x8: {  	[smem:$0x3F8E] =	sst s0  }
0x9: {  	[smem:$0x3F8F] =	sst s1  }
0xa: {  	[smem:$0x3F90] =	sst s2  }
0xb: {  	[smem:$0x3F91] =	sst s3  }
0xc: {  	[smem:$0x3F92] =	sst s4  }
0xd: {  	[smem:$0x3F93] =	sst s5  }
0xe: {  	[smem:$0x3F94] =	sst s6  }
0xf: {  	[smem:$0x3F95] =	sst s7  }
0x10: {  	[smem:$0x3F96] =	sst s8  }
0x11: {  	[smem:$0x3F97] =	sst s9;
	s0 =	simm.s32 @!p0 $0x0  }
0x12: {  	s1 =	sld [smem:$0x3F7D];
	s0 =	simm.s32 @p0 $0x1  }
0x13: {  	[smem:$0x3F98] =	sst s0;
	s0 =	simm.s32 @!p1 $0x0  }
0x14: {  	s2 =	sld [smem:$0x3F7C];
	s0 =	simm.s32 @p1 $0x1  }
0x15: {  	[smem:$0x3F99] =	sst s0;
	s0 =	simm.s32 @!p2 $0x0  }
0x16: {  	s3 =	sld [smem:$0x3FDB];
	s0 =	simm.s32 @p2 $0x1  }
0x17: {  	s4 =	simm.s32 $0x1BF5;
	[smem:$0x3F9B] =	sst s0  }
0x18: {  	s0 =	sld [smem:$0x3F7E];
	_ =	swait.ge [sflag:s4], $0x0  }
0x19: {  	s7 =	sld [smem:$0x3F7F]  }
0x1a: {  	s8 =	sadd.s32 $0xFFFFE003, lr  }
0x1b: {  	s9 =	sadd.s32 $0xFFFFFEF7, lr;
	s5 =	simm.s32 $0xFFFFFFFF;
	p2 =	slt.u32 s8, $0xFFFFF086  }
0x1c: {  	p1 =	slt.u32 s9, $0xF7A;
	s5 =	simm.s32 @!p2 $0x0  }
0x1d: {  	s5 =	simm.s32 @p1 $0x1;
	p0 =	seq.s32 s7, s2  }
0x1e: {  	s7 =	smul.u32 @!p0 $0xF7A, s2;
	p2 =	seq.s32 @!p0 s5, $0x0  }
0x1f: {  	s9 =	smul.u32 $0xF7A, s1;
	s8 =	simm.s32 @!p0 $0x1BF5;
	p2 =	por !p2, p0  }
0x20: {  	[sflag:s8] =	ssyncset.s32 @!p0 $0xFFFFF086;
	s6 =	sadd.s32 @!p0 s3, s7;
	s7 =	simm.s32 @!p0 $0x108  }
0x21: {  	s3 =	sadd.s32 s3, s9;
	s6 =	sadd.s32 @!p0 $0x88, s6;
	s7 =	simm.s32 @p2 $0x1082  }
0x22: {  	[simem:s7], [sflag:s8] =	dma.local @!p0 [hbm:s6], $0xF7A  }
0x23: {  	s9 =	sor.u32 $0xD0000000, s2;
	s6 =	simm.s32 $0x108;
	_ =	swait.ge @!p0 [sflag:s8], $0x0  }
0x24: {  	s3 =	sadd.s32 $0x88, s3;
	s6 =	simm.s32 @!p1 $0x1082;
	[sflag:s4] =	ssyncset.s32 $0xFFFFF086  }
0x25: {  	[simem:s6], [sflag:s4] =	dma.local [hbm:s3], $0xF7A  }
0x26: {  	[smem:$0x3F7F] =	sst s1;
	(tag) =	ssettag s2;
	_ =	strace s9  }
0x27: {  	s1 =	sld [smem:$0x3F8F]  }
0x28: {  	s2 =	sld [smem:$0x3F90]  }
0x29: {  	s4 =	sld [smem:$0x3F92]  }
0x2a: {  	p0 =	seq.s32 s5, $0x0;
	s5 =	sld [smem:$0x3F93]  }
0x2b: {  	s6 =	sld [smem:$0x3F94]  }
0x2c: {  	s7 =	sld [smem:$0x3F95]  }
0x2d: {  	s3 =	simm.s32 $0x108;
	s8 =	sld [smem:$0x3F96]  }
0x2e: {  	s3 =	simm.s32 @!p0 $0x1082;
	s9 =	sld [smem:$0x3F97]  }
0x2f: {  	lr =	sadd.s32 s0, s3;
	s0 =	sld [smem:$0x3F8E]  }
0x30: {  	s3 =	sld [smem:$0x3F91]  }
0x31: {  	[smem:$0x3F9A] =	sst s10  }
0x32: {  	s10 =	sld [smem:$0x3F98];
	_ =	sdelay $0x3  }
0x33: {  	p0 =	seq.s32 s10, $0x1;
	s10 =	sld [smem:$0x3F9A];
	_ =	sdelay $0x3  }
0x34: {  	[smem:$0x3F9A] =	sst s10  }
0x35: {  	s10 =	sld [smem:$0x3F99];
	_ =	sdelay $0x3  }
0x36: {  	p1 =	seq.s32 s10, $0x1;
	s10 =	sld [smem:$0x3F9A];
	_ =	sdelay $0x3  }
0x37: {  	[smem:$0x3F9A] =	sst s10  }
0x38: {  	s10 =	sld [smem:$0x3F9B]  }
0x39: {  	_ = 	snop;
	(pc) =	sbr.ind lr, $3  }
0x3a: {  	_ = 	snop  }
0x3b: {  	_ = 	snop  }
0x3c: {  	p2 =	seq.s32 s10, $0x1;
	s10 =	sld [smem:$0x3F9A]  }
0x3d: {  	_ =	shalt  }
0x3e: {  	_ =	shalt  }
0x3f: {  	_ =	shalt  }
0x40: {  	_ =	shalt  }
0x41: {  	_ =	shalt  }
0x42: {  	_ =	shalt  }
0x43: {  	_ =	shalt  }
0x44: {  	_ =	shalt  }
0x45: {  	_ =	shalt  }
0x46: {  	_ =	shalt  }
0x47: {  	_ =	shalt  }
0x48: {  	_ =	shalt  }
0x49: {  	_ =	shalt  }
0x4a: {  	_ =	shalt  }
0x4b: {  	_ =	shalt  }
0x4c: {  	_ =	shalt  }
0x4d: {  	_ =	shalt  }
0x4e: {  	_ =	shalt  }
0x4f: {  	_ =	shalt  }
0x50: {  	_ =	shalt  }
0x51: {  	_ =	shalt  }
0x52: {  	_ =	shalt  }
0x53: {  	_ =	shalt  }
0x54: {  	_ =	shalt  }
0x55: {  	_ =	shalt  }
0x56: {  	_ =	shalt  }
0x57: {  	_ =	shalt  }
0x58: {  	_ =	shalt  }
0x59: {  	_ =	shalt  }
0x5a: {  	_ =	shalt  }
0x5b: {  	_ =	shalt  }
0x5c: {  	_ =	shalt  }
0x5d: {  	_ =	shalt  }
0x5e: {  	_ =	shalt  }
0x5f: {  	_ =	shalt  }
0x60: {  	_ =	shalt  }
0x61: {  	_ =	shalt  }
0x62: {  	_ =	shalt  }
0x63: {  	_ =	shalt  }
0x64: {  	_ =	shalt  }
0x65: {  	_ =	shalt  }
0x66: {  	_ =	shalt  }
0x67: {  	_ =	shalt  }
0x68: {  	_ =	shalt  }
0x69: {  	_ =	shalt  }
0x6a: {  	_ =	shalt  }
0x6b: {  	_ =	shalt  }
0x6c: {  	_ =	shalt  }
0x6d: {  	_ =	shalt  }
0x6e: {  	_ =	shalt  }
0x6f: {  	_ =	shalt  }
0x70: {  	_ =	shalt  }
0x71: {  	_ =	shalt  }
0x72: {  	_ =	shalt  }
0x73: {  	_ =	shalt  }
0x74: {  	_ =	shalt  }
0x75: {  	_ =	shalt  }
0x76: {  	_ =	shalt  }
0x77: {  	_ =	shalt  }
0x78: {  	_ =	shalt  }
0x79: {  	_ =	shalt  }
0x7a: {  	_ =	shalt  }
0x7b: {  	_ =	shalt  }
0x7c: {  	_ =	shalt  }
0x7d: {  	_ =	shalt  }
0x7e: {  	_ =	shalt  }
0x7f: {  	_ =	shalt  }
0x80: {  	_ =	shalt  }
0x81: {  	_ =	shalt  }
0x82: {  	_ =	shalt  }
0x83: {  	_ =	shalt  }
0x84: {  	_ =	shalt  }
0x85: {  	_ =	shalt  }
0x86: {  	_ =	shalt  }
0x87: {  	_ =	shalt  }
.Lfunc_end0:
.L_simem_size_0:
called_computation.1_lowered:
.L_overlay_start_0:
0x88: {  	s2 =	sld [smem:$0x3FD9]  }
0x89: {  	s3 =	sld [smem:$0x3FFE];
	_ =	sdelay $0x1  }
0x8a: {  	s1 =	srdreg.scid  }
0x8b: {  	s0 =	sand.u32 $0x1, s1  }
0x8c: {  	s14 =	sshll.u32 s0, $0xA;
	s2 =	sadd.s32 s3, s2  }
0x8d: {  	s2 =	sadd.s32 s2, s14  }
0x8e: {  	[smem:$0x3FA6] =	sst s2  }
0x8f: {  	_ = 	snop  }
0x90: {  	s2 =	sld [smem:$0x3FD0];
	_ =	sdelay $0x2  }
0x91: {  	s15 =	simm.s32 $0xA;
	s4 =	simm.s32 $0x10  }
0x92: {  	[smem:s4], [sflag:s15] =	dma.local [hbm:s2], $0x1  }
0x93: {  	_ =	swait.eq [sflag:s15], $0x1  }
0x94: {  	[sflag:s15] =	ssyncset.done $0x0  }
0x95: {  	[sflag:s15] =	ssyncadd.s32 $0xFFFFFFFF  }
0x96: {  	s16 =	sld [smem:$0x10];
	(tm) =	ssettm $0x1  }
0x97: {  	s17 =	sld [smem:$0x3FFB];
	_ =	sdelay $0x3  }
0x98: {  	_ =	strace s17  }
0x99: {  	s3 =	sld [smem:$0x3FFC];
	_ =	sdelay $0x3  }
0x9a: {  	_ =	strace s3  }
0x9b: {  	s3 =	sld [smem:$0x3FFD];
	_ =	sdelay $0x3  }
0x9c: {  	_ =	strace s3  }
0x9d: {  	_ =	strace $0x8FFFFFFF  }
0x9e: {  	s18 =	sld [smem:$0x3FDB];
	_ =	sdelay $0x1  }
0x9f: {  	s19 =	simm.s32 $_scs_section_size  }
0xa0: {  	s5 =	simm.s32 $_size__tile_overlayer_lowered;
	s6 =	simm.s32 $_tile_overlayer_lowered  }
0xa1: {  	s22 =	simm.s32 $0x1BFF;
	s21 =	sshll.u32 s6, $0x1;
	s3 =	sadd.s32 s19, s18  }
0xa2: {  	s7 =	simm.s32 $0x0;
	s20 =	sshll.u32 s5, $0x1;
	s5 =	sadd.s32 s21, s3  }
0xa3: {  	[timem:s7], [sflag:s22] =	dma.local [hbm:s5], s20  }
0xa4: {  	_ =	swait.ge [sflag:s22], s20  }
0xa5: {  	s4 =	ssub.s32 $0x0, s20;
	[sflag:s22] =	ssyncset.done $0x0  }
0xa6: {  	[sflag:s22] =	ssyncadd.s32 s4;
	_ =	sdelay $0x1  }
0xa7: {  	s23 =	simm.s32 $0x1B8B  }
0xa8: {  	_ =	swait.ge [sflag:s23], $0x1  }
0xa9: {  	[sflag:s23] =	ssyncset.done $0x0  }
0xaa: {  	s25 =	simm.s32 $0x1B8E;
	s24 =	sld [smem:$0x3FFE];
	[sflag:s23] =	ssyncadd.s32 $0xFFFFFFFF  }
0xab: {  	s26 =	simm.s32 $execute0_lowered;
	[smem:$0x3FD2] =	sst s25  }
0xac: {  	s5 =	sshll.u32 s26, $0x1;
	_ =	strace $0x80000049;
	[dreg:$0x1] =	wrdreg $0xFFFFFFFF  }
0xad: {  	s28 =	simm.s32 $_size_execute0_lowered;
	s3 =	sadd.s32 s3, s5;
	[dreg:$0x0] =	wrdreg $0x0  }
0xae: {  	s5 =	sshll.u32 s28, $0x1;
	[dreg:$0x2] =	wrdreg s3  }
0xaf: {  	[dreg:$0x3] =	wrdreg s5  }
0xb0: {  	[dreg:$0x4] =	wrdreg $0xC0  }
0xb1: {  	_ =	task [dreg:s7], $0x5FFFF  }
0xb2: {  	[dreg:$0x1] =	wrdreg $0xFFFFFFFF  }
0xb3: {  	[dreg:$0x0] =	wrdreg $0x60  }
0xb4: {  	[dreg:$0x2] =	wrdreg s16  }
0xb5: {  	[dreg:$0x3] =	wrdreg s24  }
0xb6: {  	[dreg:$0x4] =	wrdreg $0xA8000  }
0xb7: {  	[dreg:$0x5] =	wrdreg $0x9  }
0xb8: {  	_ =	task.clear_ibuf [dreg:s7], $0x6FFFF;
	_ =	strace $0x90000049  }
0xb9: {  	s29 =	simm.s32 $0x9;
	_ =	strace $0x8000004B  }
0xba: {  	_ =	swait.ge [sflag:s29], $0x1  }
0xbb: {  	[sflag:s29] =	ssyncadd.s32 $0xFFFFFFFF  }
0xbc: {  	_ =	strace $0x9000004B  }
0xbd: {  	_ =	sfence  }
0xbe: {  	s30 =	sld [smem:$0x0];
	_ =	sdelay $0x2  }
0xbf: {  	s31 =	sshll.u32 s1, $0xD;
	s1 =	sshrl.u32 s1, $0x2  }
0xc0: {  	s3 =	sand.u32 $0x4000, s31;
	s1 =	sadd.s32 s1, s30  }
0xc1: {  	s0 =	sor.u32 s3, s0;
	s1 =	sshll.u32 s1, $0x11  }
0xc2: {  	s0 =	sor.u32 s1, s0  }
0xc3: {  	s0 =	sadd.s32 $0x8F2B, s0  }
0xc4: {  	[sflag:s0] =	ssyncadd.remote.s32 $0x1  }
0xc5: {  	_ =	sfence.sel $0xFFFF  }
0xc6: {  	[dreg:$0x0] =	wrdreg $0xFFFFFFFF;
	(pc) =	sbr.abs _section_cstart, $3  }
0xc7: {  	[dreg:$0x1] =	wrdreg $0xFFFFFFFF  }
0xc8: {  	_ =	task.clear_ibuf [dreg:s7], $0x2FFFF;
	_ =	strace $0x9FFFFFFF  }
0xc9: {  	(tm) =	ssettm $0x7FFFFFFF  }
tec
execute0_lowered:
.L_overlay_start_1:
0x0: {  	(tag) =	ssettag $0x1  }
0x1: {  	s1 =	rddreg [dreg:$0x0]  }
0x2: {  	s5 =	rddreg [dreg:$0x1]  }
0x3: {  	s0 =	srdreg.scid;
	s2 =	rddreg [dreg:$0x2]  }
0x4: {  	s4 =	simm.s32 $0x0;
	s3 =	stileid.u32;
	s11 =	simm.s32 $0x5  }
0x5: {  	s13 =	simm.s32 $0x8000;
	s16 =	simm.s32 $0x80;
	s17 =	simm.s32 $0x8080  }
0x6: {  	s18 =	simm.s32 $0x4000;
	s19 =	simm.s32 $0x1;
	s20 =	simm.s32 $0x2  }
0x7: {  	s21 =	simm.s32 $0x3;
	s22 =	simm.s32 $0x4;
	s9 =	smul.u32 $0x50000, s3  }
0x8: {  	s23 =	simm.s32 $0xA700;
	s6 =	sand.u32 $0x1, s0;
	s14 =	smul.u32 $0x500, s3  }
0x9: {  	s26 =	simm.s32 $0x0;
	s0 =	rddreg [dreg:$0x3];
	s7 =	smul.u32 $0x5000, s6  }
0xa: {  	[smem:$0x7FF] =	sst s4;
	s8 =	smul.u32 $0x28000, s6;
	s6 =	ssub.s32 $0x2, s6  }
0xb: {  	s25 =	smul.u32 $0x2800, s3;
	_ =	strace $0x8000004A;
	s10 =	sshrl.u32 s6, $0x1  }
0xc: {  	s31 =	sshrl.u32 s9, $0x2;
	s7 =	sadd.s32 s7, s5;
	s8 =	sadd.s32 s8, s5  }
0xd: {  	s6 =	ssub.s32 s6, s10;
	s5 =	sadd.s32 s31, s2;
	s12 =	sadd.s32 $0x10600, s7  }
0xe: {  	s15 =	sadd.s32 $0x6600, s7;
	s24 =	sadd.s32 $0x1A600, s8;
	s6 =	smax.u32 s6, $0x1  }
0xf: {  	s7 =	sadd.s32 $0x4000, s5;
	s8 =	sadd.s32 $0x8000, s5;
	s9 =	sadd.s32 $0xC000, s5  }
0x10: {  	s10 =	sadd.s32 $0x10000, s5;
	s12 =	sadd.s32 s14, s12;
	s14 =	sadd.s32 s14, s15  }
0x11: {  	v0 =	vimm.f32 $0.0e+00;
	s15 =	simm.s32 $0x9400;
	s24 =	sadd.s32 s25, s24;
	s25 =	simm.s32 $0xA780  }
.LBB2_1:
0x12: {  	s28 =	simm.s32 $0x0;
	s29 =	simm.s32 $0x200  }
.LBB2_2:
0x13: {  	p0 =	sne.s32 s29, $0xFE00;
	[tilespmem:s28+$0x70] =	vst v0  }
0x14: {  	[tilespmem:s28+$0x0] =	vst v0  }
0x15: {  	[tilespmem:s28+$0x10] =	vst v0  }
.Ltmp0:
0x16: {  	[tilespmem:s28+$0x20] =	vst v0;
	(pc) =	sbr.rel @p0 .LBB2_2-.Ltmp0, $4  }
0x17: {  	[tilespmem:s28+$0x30] =	vst v0  }
0x18: {  	[tilespmem:s28+$0x40] =	vst v0  }
0x19: {  	[tilespmem:s28+$0x50] =	vst v0  }
0x1a: {  	[tilespmem:s28+$0x60] =	vst v0;
	s28 =	sshra.s32 s29, $0x2;
	s29 =	sadd.s32 $0x200, s29  }
0x1b: {  	[tilespmem:s28+$0x70] =	vst v0  }
0x1c: {  	[tilespmem:s28+$0x0] =	vst v0  }
0x1d: {  	[tilespmem:s28+$0x10] =	vst v0  }
0x1e: {  	[tilespmem:s28+$0x20] =	vst v0  }
0x1f: {  	[tilespmem:s28+$0x30] =	vst v0  }
0x20: {  	[tilespmem:s28+$0x40] =	vst v0  }
0x21: {  	[tilespmem:s28+$0x50] =	vst v0  }
0x22: {  	[tilespmem:s28+$0x60] =	vst v0;
	s28 =	simm.s32 $0x0  }
0x23: {  	[spmem:s5] =	stream.linear.scatter [tilespmem:s28], [sflag:$0x5], $0x4000, $0x38;
	[tilespmem:$0x1E800] =	vst v63  }
0x24: {  	_ =	swait.ge [sflag:s11], $0x4000  }
0x25: {  	[sflag:s11] =	ssyncset.done $0x0  }
0x26: {  	[sflag:s11] =	ssyncadd.s32 $0xFFFFC000  }
0x27: {  	[spmem:s7] =	stream.linear.scatter [tilespmem:s28], [sflag:$0x5], $0x4000, $0x38;
	[tilespmem:$0x1E800] =	vst v63  }
0x28: {  	_ =	swait.ge [sflag:s11], $0x4000  }
0x29: {  	[sflag:s11] =	ssyncset.done $0x0  }
0x2a: {  	[sflag:s11] =	ssyncadd.s32 $0xFFFFC000  }
0x2b: {  	[spmem:s8] =	stream.linear.scatter [tilespmem:s28], [sflag:$0x5], $0x4000, $0x38;
	[tilespmem:$0x1E800] =	vst v63  }
0x2c: {  	_ =	swait.ge [sflag:s11], $0x4000  }
0x2d: {  	[sflag:s11] =	ssyncset.done $0x0  }
0x2e: {  	[sflag:s11] =	ssyncadd.s32 $0xFFFFC000  }
0x2f: {  	[spmem:s9] =	stream.linear.scatter [tilespmem:s28], [sflag:$0x5], $0x4000, $0x38;
	[tilespmem:$0x1E800] =	vst v63  }
0x30: {  	_ =	swait.ge [sflag:s11], $0x4000  }
0x31: {  	[sflag:s11] =	ssyncset.done $0x0  }
0x32: {  	[sflag:s11] =	ssyncadd.s32 $0xFFFFC000  }
0x33: {  	[spmem:s10] =	stream.linear.scatter [tilespmem:s28], [sflag:$0x5], $0x4000, $0x38;
	[tilespmem:$0x1E800] =	vst v63  }
0x34: {  	_ =	swait.ge [sflag:s11], $0x4000  }
0x35: {  	[sflag:s11] =	ssyncset.done $0x0  }
0x36: {  	[sflag:s11] =	ssyncadd.s32 $0xFFFFC000  }
0x37: {  	[bflag:$0x0] =	sbarrier.arrive $0xFFFF  }
0x38: {  	[tilespmem:s13], [sflag:$0x5] =	stream.linear.gather [hbm4b:s12+s28], $0x1400, $0x38;
	[tilespmem:$0x1E800] =	vst v63  }
0x39: {  	_ =	swait.ge [sflag:s11], $0x1400  }
0x3a: {  	[sflag:s11] =	ssyncset.done $0x0  }
0x3b: {  	[sflag:s11] =	ssyncadd.s32 $0xFFFFEC00  }
0x3c: {  	[tilespmem:s15], [sflag:$0x5] =	stream.linear.gather [hbm4b:s14+s28], $0x1400, $0x38;
	[tilespmem:$0x1E800] =	vst v63  }
0x3d: {  	_ =	swait.ge [sflag:s11], $0x1400  }
0x3e: {  	[sflag:s11] =	ssyncset.done $0x0  }
0x3f: {  	[sflag:s11] =	ssyncadd.s32 $0xFFFFEC00  }
0x40: {  	[tilespmem:s28], [sflag:$0x1] =	stream.indirect.gather [hbm4b:s1+s16], $0x80, s13, s16, $0xb8;
	[tilespmem:$0x1E800] =	vst v63  }
0x41: {  	_ = 	snop  }
0x42: {  	[tilespmem:s18], [sflag:$0x2] =	stream.indirect.gather [hbm4b:s1+s16], $0x80, s17, s16, $0xb8;
	[tilespmem:$0x1E800] =	vst v63  }
0x43: {  	_ =	swait.ge [sflag:s19], $0x4000  }
0x44: {  	[sflag:s19] =	ssyncset.done $0x0  }
0x45: {  	s28 =	simm.s32 $0x9400;
	[sflag:s19] =	ssyncadd.s32 $0xFFFFC000  }
0x46: {  	[spmem:s2] =	stream.indirect.scatter.add.f32 [tilespmem:s4], [sflag:$0x3], $0x80, s28, s16, $0xb8;
	[tilespmem:$0x1E800] =	vst v63  }
0x47: {  	_ =	swait.ge [sflag:s20], $0x4000  }
0x48: {  	[sflag:s20] =	ssyncset.done $0x0  }
0x49: {  	s28 =	simm.s32 $0x9480;
	[sflag:s20] =	ssyncadd.s32 $0xFFFFC000  }
0x4a: {  	[spmem:s2] =	stream.indirect.scatter.add.f32 [tilespmem:s18], [sflag:$0x4], $0x80, s28, s16, $0xb8;
	[tilespmem:$0x1E800] =	vst v63  }
0x4b: {  	_ =	swait.ge [sflag:s21], $0x4000  }
0x4c: {  	[sflag:s21] =	ssyncset.done $0x0  }
0x4d: {  	s28 =	simm.s32 $0x8100;
	[sflag:s21] =	ssyncadd.s32 $0xFFFFC000  }
0x4e: {  	[tilespmem:s4], [sflag:$0x1] =	stream.indirect.gather [hbm4b:s1+s16], $0x80, s28, s16, $0xb8;
	[tilespmem:$0x1E800] =	vst v63  }
0x4f: {  	_ =	swait.ge [sflag:s22], $0x4000  }
0x50: {  	[sflag:s22] =	ssyncset.done $0x0  }
0x51: {  	s29 =	simm.s32 $0x8180;
	s28 =	simm.s32 $0x400;
	[sflag:s22] =	ssyncadd.s32 $0xFFFFC000  }
.LBB2_4:
0x52: {  	[tilespmem:s18], [sflag:$0x2] =	stream.indirect.gather [hbm4b:s1+s16], $0x80, s29, s16, $0xb8;
	[tilespmem:$0x1E800] =	vst v63  }
0x53: {  	s29 =	smov.u32 s28  }
0x54: {  	p0 =	sne.s32 s28, $0x4800;
	s28 =	sadd.s32 $0x400, s28;
	_ =	swait.ge [sflag:s19], $0x4000  }
0x55: {  	s29 =	sshra.s32 s29, $0x2;
	[sflag:s19] =	ssyncset.done $0x0  }
0x56: {  	s30 =	sadd.s32 $0x9400, s29;
	[sflag:s19] =	ssyncadd.s32 $0xFFFFC000  }
0x57: {  	[spmem:s2] =	stream.indirect.scatter.add.f32 [tilespmem:s4], [sflag:$0x3], $0x80, s30, s16, $0xb8;
	[tilespmem:$0x1E800] =	vst v63  }
0x58: {  	_ =	swait.ge [sflag:s20], $0x4000  }
0x59: {  	[sflag:s20] =	ssyncset.done $0x0  }
0x5a: {  	s30 =	sadd.s32 $0x9480, s29;
	[sflag:s20] =	ssyncadd.s32 $0xFFFFC000  }
0x5b: {  	[spmem:s2] =	stream.indirect.scatter.add.f32 [tilespmem:s18], [sflag:$0x4], $0x80, s30, s16, $0xb8;
	[tilespmem:$0x1E800] =	vst v63  }
0x5c: {  	_ =	swait.ge [sflag:s21], $0x4000  }
0x5d: {  	[sflag:s21] =	ssyncset.done $0x0  }
.Ltmp1:
0x5e: {  	s30 =	sadd.s32 $0x8100, s29;
	[sflag:s21] =	ssyncadd.s32 $0xFFFFC000;
	(pc) =	sbr.rel @p0 .LBB2_4-.Ltmp1, $4  }
0x5f: {  	[tilespmem:s4], [sflag:$0x1] =	stream.indirect.gather [hbm4b:s1+s16], $0x80, s30, s16, $0xb8;
	[tilespmem:$0x1E800] =	vst v63  }
0x60: {  	_ =	swait.ge [sflag:s22], $0x4000  }
0x61: {  	[sflag:s22] =	ssyncset.done $0x0  }
0x62: {  	s29 =	sadd.s32 $0x8180, s29;
	[sflag:s22] =	ssyncadd.s32 $0xFFFFC000  }
0x63: {  	[tilespmem:s18], [sflag:$0x2] =	stream.indirect.gather [hbm4b:s1+s16], $0x80, s29, s16, $0xb8;
	[tilespmem:$0x1E800] =	vst v63  }
0x64: {  	_ =	swait.ge [sflag:s19], $0x4000  }
0x65: {  	[sflag:s19] =	ssyncset.done $0x0  }
0x66: {  	s28 =	simm.s32 $0x0;
	[sflag:s19] =	ssyncadd.s32 $0xFFFFC000  }
0x67: {  	[spmem:s2] =	stream.indirect.scatter.add.f32 [tilespmem:s28], [sflag:$0x3], $0x80, s23, s16, $0xb8;
	[tilespmem:$0x1E800] =	vst v63  }
0x68: {  	_ =	swait.ge [sflag:s20], $0x4000  }
0x69: {  	[sflag:s20] =	ssyncset.done $0x0  }
0x6a: {  	[sflag:s20] =	ssyncadd.s32 $0xFFFFC000  }
0x6b: {  	[spmem:s2] =	stream.indirect.scatter.add.f32 [tilespmem:s18], [sflag:$0x4], $0x80, s25, s16, $0xb8;
	[tilespmem:$0x1E800] =	vst v63  }
0x6c: {  	_ =	swait.ge [sflag:s21], $0x4000  }
0x6d: {  	[sflag:s21] =	ssyncset.done $0x0  }
0x6e: {  	[sflag:s21] =	ssyncadd.s32 $0xFFFFC000  }
0x6f: {  	_ =	swait.ge [sflag:s22], $0x4000  }
0x70: {  	[sflag:s22] =	ssyncset.done $0x0  }
0x71: {  	s29 =	sadd.s32 $0x280, s12;
	[sflag:s22] =	ssyncadd.s32 $0xFFFFC000  }
0x72: {  	[tilespmem:s13], [sflag:$0x5] =	stream.linear.gather [hbm4b:s29+s28], $0x1400, $0x38;
	[tilespmem:$0x1E800] =	vst v63  }
0x73: {  	_ =	swait.ge [sflag:s11], $0x1400  }
0x74: {  	[sflag:s11] =	ssyncset.done $0x0  }
0x75: {  	s29 =	sadd.s32 $0x280, s14;
	[sflag:s11] =	ssyncadd.s32 $0xFFFFEC00  }
0x76: {  	[tilespmem:s15], [sflag:$0x5] =	stream.linear.gather [hbm4b:s29+s28], $0x1400, $0x38;
	[tilespmem:$0x1E800] =	vst v63  }
0x77: {  	_ =	swait.ge [sflag:s11], $0x1400  }
0x78: {  	[sflag:s11] =	ssyncset.done $0x0  }
0x79: {  	[sflag:s11] =	ssyncadd.s32 $0xFFFFEC00  }
0x7a: {  	[tilespmem:s28], [sflag:$0x1] =	stream.indirect.gather [hbm4b:s1+s16], $0x80, s13, s16, $0xb8;
	[tilespmem:$0x1E800] =	vst v63  }
0x7b: {  	_ = 	snop  }
0x7c: {  	[tilespmem:s18], [sflag:$0x2] =	stream.indirect.gather [hbm4b:s1+s16], $0x80, s17, s16, $0xb8;
	[tilespmem:$0x1E800] =	vst v63  }
0x7d: {  	_ =	swait.ge [sflag:s19], $0x4000  }
0x7e: {  	[sflag:s19] =	ssyncset.done $0x0  }
0x7f: {  	s28 =	simm.s32 $0x9400;
	[sflag:s19] =	ssyncadd.s32 $0xFFFFC000  }
0x80: {  	[spmem:s2] =	stream.indirect.scatter.add.f32 [tilespmem:s4], [sflag:$0x3], $0x80, s28, s16, $0xb8;
	[tilespmem:$0x1E800] =	vst v63  }
0x81: {  	_ =	swait.ge [sflag:s20], $0x4000  }
0x82: {  	[sflag:s20] =	ssyncset.done $0x0  }
0x83: {  	s28 =	simm.s32 $0x9480;
	[sflag:s20] =	ssyncadd.s32 $0xFFFFC000  }
0x84: {  	[spmem:s2] =	stream.indirect.scatter.add.f32 [tilespmem:s18], [sflag:$0x4], $0x80, s28, s16, $0xb8;
	[tilespmem:$0x1E800] =	vst v63  }
0x85: {  	_ =	swait.ge [sflag:s21], $0x4000  }
0x86: {  	[sflag:s21] =	ssyncset.done $0x0  }
0x87: {  	s28 =	simm.s32 $0x8100;
	[sflag:s21] =	ssyncadd.s32 $0xFFFFC000  }
0x88: {  	[tilespmem:s4], [sflag:$0x1] =	stream.indirect.gather [hbm4b:s1+s16], $0x80, s28, s16, $0xb8;
	[tilespmem:$0x1E800] =	vst v63  }
0x89: {  	_ =	swait.ge [sflag:s22], $0x4000  }
0x8a: {  	[sflag:s22] =	ssyncset.done $0x0  }
0x8b: {  	s29 =	simm.s32 $0x8180;
	s28 =	simm.s32 $0x400;
	[sflag:s22] =	ssyncadd.s32 $0xFFFFC000  }
.LBB2_6:
0x8c: {  	[tilespmem:s18], [sflag:$0x2] =	stream.indirect.gather [hbm4b:s1+s16], $0x80, s29, s16, $0xb8;
	[tilespmem:$0x1E800] =	vst v63  }
0x8d: {  	s29 =	smov.u32 s28  }
0x8e: {  	p0 =	sne.s32 s28, $0x4800;
	s28 =	sadd.s32 $0x400, s28;
	_ =	swait.ge [sflag:s19], $0x4000  }
0x8f: {  	s29 =	sshra.s32 s29, $0x2;
	[sflag:s19] =	ssyncset.done $0x0  }
0x90: {  	s30 =	sadd.s32 $0x9400, s29;
	[sflag:s19] =	ssyncadd.s32 $0xFFFFC000  }
0x91: {  	[spmem:s2] =	stream.indirect.scatter.add.f32 [tilespmem:s4], [sflag:$0x3], $0x80, s30, s16, $0xb8;
	[tilespmem:$0x1E800] =	vst v63  }
0x92: {  	_ =	swait.ge [sflag:s20], $0x4000  }
0x93: {  	[sflag:s20] =	ssyncset.done $0x0  }
0x94: {  	s30 =	sadd.s32 $0x9480, s29;
	[sflag:s20] =	ssyncadd.s32 $0xFFFFC000  }
0x95: {  	[spmem:s2] =	stream.indirect.scatter.add.f32 [tilespmem:s18], [sflag:$0x4], $0x80, s30, s16, $0xb8;
	[tilespmem:$0x1E800] =	vst v63  }
0x96: {  	_ =	swait.ge [sflag:s21], $0x4000  }
0x97: {  	[sflag:s21] =	ssyncset.done $0x0  }
.Ltmp2:
0x98: {  	s30 =	sadd.s32 $0x8100, s29;
	[sflag:s21] =	ssyncadd.s32 $0xFFFFC000;
	(pc) =	sbr.rel @p0 .LBB2_6-.Ltmp2, $4  }
0x99: {  	[tilespmem:s4], [sflag:$0x1] =	stream.indirect.gather [hbm4b:s1+s16], $0x80, s30, s16, $0xb8;
	[tilespmem:$0x1E800] =	vst v63  }
0x9a: {  	_ =	swait.ge [sflag:s22], $0x4000  }
0x9b: {  	[sflag:s22] =	ssyncset.done $0x0  }
0x9c: {  	s29 =	sadd.s32 $0x8180, s29;
	[sflag:s22] =	ssyncadd.s32 $0xFFFFC000  }
0x9d: {  	[tilespmem:s18], [sflag:$0x2] =	stream.indirect.gather [hbm4b:s1+s16], $0x80, s29, s16, $0xb8;
	[tilespmem:$0x1E800] =	vst v63  }
0x9e: {  	_ =	swait.ge [sflag:s19], $0x4000  }
0x9f: {  	[sflag:s19] =	ssyncset.done $0x0  }
0xa0: {  	[sflag:s19] =	ssyncadd.s32 $0xFFFFC000  }
0xa1: {  	[spmem:s2] =	stream.indirect.scatter.add.f32 [tilespmem:s4], [sflag:$0x3], $0x80, s23, s16, $0xb8;
	[tilespmem:$0x1E800] =	vst v63  }
0xa2: {  	_ =	swait.ge [sflag:s20], $0x4000  }
0xa3: {  	[sflag:s20] =	ssyncset.done $0x0  }
0xa4: {  	[sflag:s20] =	ssyncadd.s32 $0xFFFFC000  }
0xa5: {  	[spmem:s2] =	stream.indirect.scatter.add.f32 [tilespmem:s18], [sflag:$0x4], $0x80, s25, s16, $0xb8;
	[tilespmem:$0x1E800] =	vst v63  }
0xa6: {  	_ =	swait.ge [sflag:s21], $0x4000  }
0xa7: {  	[sflag:s21] =	ssyncset.done $0x0  }
0xa8: {  	[sflag:s21] =	ssyncadd.s32 $0xFFFFC000  }
0xa9: {  	_ =	swait.ge [sflag:s22], $0x4000  }
0xaa: {  	s28 =	sshll.u32 s3, $0x6;
	s26 =	sadd.s32 $0x1, s26;
	[sflag:s22] =	ssyncset.done $0x0  }
0xab: {  	s31 =	sshrl.u32 s5, $0x3;
	p0 =	sne.s32 s26, s6;
	[sflag:s22] =	ssyncadd.s32 $0xFFFFC000  }
.Ltmp3:
0xac: {  	s28 =	sor.u32 $0x1C05, s28;
	[bflag:$0x0] =	sbarrier.arrive $0xFFFF;
	(pc) =	sbr.rel @p0 .LBB2_1-.Ltmp3, $4  }
0xad: {  	[hbm:s24], [sflag:s28] =	dma.local [spmem:s31], $0x2800  }
0xae: {  	_ =	swait.ge [sflag:s11], $0x2800  }
0xaf: {  	[sflag:s11] =	ssyncset.done $0x0  }
0xb0: {  	[sflag:s11] =	ssyncadd.s32 $0xFFFFD800  }
0xb1: {  	_ =	sfence.sel $0x180000  }
0xb2: {  	[bflag:$0x0] =	sbarrier.arrive $0xFFFF  }
0xb3: {  	p0 =	sne.s32 s3, $0x0;
	_ =	strace $0x9000004A  }
0xb4: {  	s0 =	sadd.s32 @!p0 $0x100000, s0;
	[bflag:$0x2] =	sbarrier.arrive $0xFFFF  }
0xb5: {  	[sflag:s0] =	ssyncadd.tile.s32 @!p0 $0x1;
	_ =	shalt  }
.Lfunc_end2:
_tile_overlayer_lowered:
.L_overlay_start_2:
0xb6: {  	(tag) =	ssettag $0x2  }
0xb7: {  	s0 =	rddreg [dreg:$0x0];
	s2 =	stileid.u32  }
0xb8: {  	s1 =	rddreg [dreg:$0x1];
	p0 =	sne.s32 s2, $0x0  }
0xb9: {  	s3 =	rddreg [dreg:$0x2];
	[bflag:$0x3] =	sbarrier.arrive $0xFFFF;
	s2 =	simm.s32 @!p0 $0x1C05  }
0xba: {  	[timem:s3], [sflag:s2] =	dma.local @!p0 [hbm:s0], s1  }
0xbb: {  	s0 =	simm.s32 @!p0 $0x5  }
0xbc: {  	_ =	swait.ge @!p0 [sflag:s0], s1  }
0xbd: {  	s1 =	ssub.s32 @!p0 $0x0, s1;
	[sflag:s0] =	ssyncset.done @!p0 $0x0  }
0xbe: {  	[sflag:s0] =	ssyncadd.s32 @!p0 s1  }
0xbf: {  	[bflag:$0x3] =	sbarrier.arrive $0xFFFF  }
0xc0: {  	_ =	shalt  }

// kernel: kernel.18.cloned.1.call-start
scs
__scs_entry_jumppad:
0x0: {  	(pc) =	sbr.rel $0x88, $3  }
0x1: {  	(tag) =	ssettag $0x0;
	lr =	simm.s32 $0x1  }
0x2: {  	[smem:$0x3F7F] =	sst lr;
	_ =	strace $0xD0000000  }
0x3: {  	_ = 	snop  }
0x4: {  	_ = 	snop  }
0x5: {  	_ = 	snop  }
0x6: {  	_ = 	snop  }
0x7: {  	_ = 	snop  }
__scs_overlays_trampoline_lowered:
0x8: {  	[smem:$0x3F8E] =	sst s0  }
0x9: {  	[smem:$0x3F8F] =	sst s1  }
0xa: {  	[smem:$0x3F90] =	sst s2  }
0xb: {  	[smem:$0x3F91] =	sst s3  }
0xc: {  	[smem:$0x3F92] =	sst s4  }
0xd: {  	[smem:$0x3F93] =	sst s5  }
0xe: {  	[smem:$0x3F94] =	sst s6  }
0xf: {  	[smem:$0x3F95] =	sst s7  }
0x10: {  	[smem:$0x3F96] =	sst s8  }
0x11: {  	[smem:$0x3F97] =	sst s9;
	s0 =	simm.s32 @!p0 $0x0  }
0x12: {  	s1 =	sld [smem:$0x3F7D];
	s0 =	simm.s32 @p0 $0x1  }
0x13: {  	[smem:$0x3F98] =	sst s0;
	s0 =	simm.s32 @!p1 $0x0  }
0x14: {  	s2 =	sld [smem:$0x3F7C];
	s0 =	simm.s32 @p1 $0x1  }
0x15: {  	[smem:$0x3F99] =	sst s0;
	s0 =	simm.s32 @!p2 $0x0  }
0x16: {  	s3 =	sld [smem:$0x3FDB];
	s0 =	simm.s32 @p2 $0x1  }
0x17: {  	s4 =	simm.s32 $0x1BF5;
	[smem:$0x3F9B] =	sst s0  }
0x18: {  	s0 =	sld [smem:$0x3F7E];
	_ =	swait.ge [sflag:s4], $0x0  }
0x19: {  	s7 =	sld [smem:$0x3F7F]  }
0x1a: {  	s8 =	sadd.s32 $0xFFFFE003, lr  }
0x1b: {  	s9 =	sadd.s32 $0xFFFFFEF7, lr;
	s5 =	simm.s32 $0xFFFFFFFF;
	p2 =	slt.u32 s8, $0xFFFFF086  }
0x1c: {  	p1 =	slt.u32 s9, $0xF7A;
	s5 =	simm.s32 @!p2 $0x0  }
0x1d: {  	s5 =	simm.s32 @p1 $0x1;
	p0 =	seq.s32 s7, s2  }
0x1e: {  	s7 =	smul.u32 @!p0 $0xF7A, s2;
	p2 =	seq.s32 @!p0 s5, $0x0  }
0x1f: {  	s9 =	smul.u32 $0xF7A, s1;
	s8 =	simm.s32 @!p0 $0x1BF5;
	p2 =	por !p2, p0  }
0x20: {  	[sflag:s8] =	ssyncset.s32 @!p0 $0xFFFFF086;
	s6 =	sadd.s32 @!p0 s3, s7;
	s7 =	simm.s32 @!p0 $0x108  }
0x21: {  	s3 =	sadd.s32 s3, s9;
	s6 =	sadd.s32 @!p0 $0x88, s6;
	s7 =	simm.s32 @p2 $0x1082  }
0x22: {  	[simem:s7], [sflag:s8] =	dma.local @!p0 [hbm:s6], $0xF7A  }
0x23: {  	s9 =	sor.u32 $0xD0000000, s2;
	s6 =	simm.s32 $0x108;
	_ =	swait.ge @!p0 [sflag:s8], $0x0  }
0x24: {  	s3 =	sadd.s32 $0x88, s3;
	s6 =	simm.s32 @!p1 $0x1082;
	[sflag:s4] =	ssyncset.s32 $0xFFFFF086  }
0x25: {  	[simem:s6], [sflag:s4] =	dma.local [hbm:s3], $0xF7A  }
0x26: {  	[smem:$0x3F7F] =	sst s1;
	(tag) =	ssettag s2;
	_ =	strace s9  }
0x27: {  	s1 =	sld [smem:$0x3F8F]  }
0x28: {  	s2 =	sld [smem:$0x3F90]  }
0x29: {  	s4 =	sld [smem:$0x3F92]  }
0x2a: {  	p0 =	seq.s32 s5, $0x0;
	s5 =	sld [smem:$0x3F93]  }
0x2b: {  	s6 =	sld [smem:$0x3F94]  }
0x2c: {  	s7 =	sld [smem:$0x3F95]  }
0x2d: {  	s3 =	simm.s32 $0x108;
	s8 =	sld [smem:$0x3F96]  }
0x2e: {  	s3 =	simm.s32 @!p0 $0x1082;
	s9 =	sld [smem:$0x3F97]  }
0x2f: {  	lr =	sadd.s32 s0, s3;
	s0 =	sld [smem:$0x3F8E]  }
0x30: {  	s3 =	sld [smem:$0x3F91]  }
0x31: {  	[smem:$0x3F9A] =	sst s10  }
0x32: {  	s10 =	sld [smem:$0x3F98];
	_ =	sdelay $0x3  }
0x33: {  	p0 =	seq.s32 s10, $0x1;
	s10 =	sld [smem:$0x3F9A];
	_ =	sdelay $0x3  }
0x34: {  	[smem:$0x3F9A] =	sst s10  }
0x35: {  	s10 =	sld [smem:$0x3F99];
	_ =	sdelay $0x3  }
0x36: {  	p1 =	seq.s32 s10, $0x1;
	s10 =	sld [smem:$0x3F9A];
	_ =	sdelay $0x3  }
0x37: {  	[smem:$0x3F9A] =	sst s10  }
0x38: {  	s10 =	sld [smem:$0x3F9B]  }
0x39: {  	_ = 	snop;
	(pc) =	sbr.ind lr, $3  }
0x3a: {  	_ = 	snop  }
0x3b: {  	_ = 	snop  }
0x3c: {  	p2 =	seq.s32 s10, $0x1;
	s10 =	sld [smem:$0x3F9A]  }
0x3d: {  	_ =	shalt  }
0x3e: {  	_ =	shalt  }
0x3f: {  	_ =	shalt  }
0x40: {  	_ =	shalt  }
0x41: {  	_ =	shalt  }
0x42: {  	_ =	shalt  }
0x43: {  	_ =	shalt  }
0x44: {  	_ =	shalt  }
0x45: {  	_ =	shalt  }
0x46: {  	_ =	shalt  }
0x47: {  	_ =	shalt  }
0x48: {  	_ =	shalt  }
0x49: {  	_ =	shalt  }
0x4a: {  	_ =	shalt  }
0x4b: {  	_ =	shalt  }
0x4c: {  	_ =	shalt  }
0x4d: {  	_ =	shalt  }
0x4e: {  	_ =	shalt  }
0x4f: {  	_ =	shalt  }
0x50: {  	_ =	shalt  }
0x51: {  	_ =	shalt  }
0x52: {  	_ =	shalt  }
0x53: {  	_ =	shalt  }
0x54: {  	_ =	shalt  }
0x55: {  	_ =	shalt  }
0x56: {  	_ =	shalt  }
0x57: {  	_ =	shalt  }
0x58: {  	_ =	shalt  }
0x59: {  	_ =	shalt  }
0x5a: {  	_ =	shalt  }
0x5b: {  	_ =	shalt  }
0x5c: {  	_ =	shalt  }
0x5d: {  	_ =	shalt  }
0x5e: {  	_ =	shalt  }
0x5f: {  	_ =	shalt  }
0x60: {  	_ =	shalt  }
0x61: {  	_ =	shalt  }
0x62: {  	_ =	shalt  }
0x63: {  	_ =	shalt  }
0x64: {  	_ =	shalt  }
0x65: {  	_ =	shalt  }
0x66: {  	_ =	shalt  }
0x67: {  	_ =	shalt  }
0x68: {  	_ =	shalt  }
0x69: {  	_ =	shalt  }
0x6a: {  	_ =	shalt  }
0x6b: {  	_ =	shalt  }
0x6c: {  	_ =	shalt  }
0x6d: {  	_ =	shalt  }
0x6e: {  	_ =	shalt  }
0x6f: {  	_ =	shalt  }
0x70: {  	_ =	shalt  }
0x71: {  	_ =	shalt  }
0x72: {  	_ =	shalt  }
0x73: {  	_ =	shalt  }
0x74: {  	_ =	shalt  }
0x75: {  	_ =	shalt  }
0x76: {  	_ =	shalt  }
0x77: {  	_ =	shalt  }
0x78: {  	_ =	shalt  }
0x79: {  	_ =	shalt  }
0x7a: {  	_ =	shalt  }
0x7b: {  	_ =	shalt  }
0x7c: {  	_ =	shalt  }
0x7d: {  	_ =	shalt  }
0x7e: {  	_ =	shalt  }
0x7f: {  	_ =	shalt  }
0x80: {  	_ =	shalt  }
0x81: {  	_ =	shalt  }
0x82: {  	_ =	shalt  }
0x83: {  	_ =	shalt  }
0x84: {  	_ =	shalt  }
0x85: {  	_ =	shalt  }
0x86: {  	_ =	shalt  }
0x87: {  	_ =	shalt  }
.Lfunc_end0:
.L_simem_size_0:
called_computation.2_lowered:
.L_overlay_start_0:
0x88: {  	s2 =	sld [smem:$0x3FD9]  }
0x89: {  	s3 =	sld [smem:$0x3FFE];
	_ =	sdelay $0x1  }
0x8a: {  	s1 =	srdreg.scid  }
0x8b: {  	s0 =	sand.u32 $0x1, s1  }
0x8c: {  	s14 =	sshll.u32 s0, $0xA;
	s2 =	sadd.s32 s3, s2  }
0x8d: {  	s2 =	sadd.s32 s2, s14  }
0x8e: {  	[smem:$0x3FA6] =	sst s2  }
0x8f: {  	_ = 	snop  }
0x90: {  	s2 =	sld [smem:$0x3FD0];
	_ =	sdelay $0x2  }
0x91: {  	s15 =	simm.s32 $0xA;
	s4 =	simm.s32 $0x10  }
0x92: {  	[smem:s4], [sflag:s15] =	dma.local [hbm:s2], $0x1  }
0x93: {  	_ =	swait.eq [sflag:s15], $0x1  }
0x94: {  	[sflag:s15] =	ssyncset.done $0x0  }
0x95: {  	[sflag:s15] =	ssyncadd.s32 $0xFFFFFFFF  }
0x96: {  	s16 =	sld [smem:$0x10];
	(tm) =	ssettm $0x1  }
0x97: {  	s17 =	sld [smem:$0x3FFB];
	_ =	sdelay $0x3  }
0x98: {  	_ =	strace s17  }
0x99: {  	s3 =	sld [smem:$0x3FFC];
	_ =	sdelay $0x3  }
0x9a: {  	_ =	strace s3  }
0x9b: {  	s3 =	sld [smem:$0x3FFD];
	_ =	sdelay $0x3  }
0x9c: {  	_ =	strace s3  }
0x9d: {  	_ =	strace $0x8FFFFFFF  }
0x9e: {  	s18 =	sld [smem:$0x3FDB];
	_ =	sdelay $0x1  }
0x9f: {  	s19 =	simm.s32 $_scs_section_size  }
0xa0: {  	s5 =	simm.s32 $_size__tile_overlayer_lowered;
	s6 =	simm.s32 $_tile_overlayer_lowered  }
0xa1: {  	s22 =	simm.s32 $0x1BFF;
	s21 =	sshll.u32 s6, $0x1;
	s3 =	sadd.s32 s19, s18  }
0xa2: {  	s7 =	simm.s32 $0x0;
	s20 =	sshll.u32 s5, $0x1;
	s5 =	sadd.s32 s21, s3  }
0xa3: {  	[timem:s7], [sflag:s22] =	dma.local [hbm:s5], s20  }
0xa4: {  	_ =	swait.ge [sflag:s22], s20  }
0xa5: {  	s4 =	ssub.s32 $0x0, s20;
	[sflag:s22] =	ssyncset.done $0x0  }
0xa6: {  	[sflag:s22] =	ssyncadd.s32 s4;
	_ =	sdelay $0x1  }
0xa7: {  	s23 =	simm.s32 $0x1B8B  }
0xa8: {  	_ =	swait.ge [sflag:s23], $0x1  }
0xa9: {  	[sflag:s23] =	ssyncset.done $0x0  }
0xaa: {  	s25 =	simm.s32 $0x1B8E;
	s24 =	sld [smem:$0x3FFE];
	[sflag:s23] =	ssyncadd.s32 $0xFFFFFFFF  }
0xab: {  	s26 =	simm.s32 $execute0_lowered;
	[smem:$0x3FD2] =	sst s25  }
0xac: {  	s5 =	sshll.u32 s26, $0x1;
	_ =	strace $0x8000004C;
	[dreg:$0x1] =	wrdreg $0xFFFFFFFF  }
0xad: {  	s28 =	simm.s32 $_size_execute0_lowered;
	s3 =	sadd.s32 s3, s5;
	[dreg:$0x0] =	wrdreg $0x0  }
0xae: {  	s5 =	sshll.u32 s28, $0x1;
	[dreg:$0x2] =	wrdreg s3  }
0xaf: {  	[dreg:$0x3] =	wrdreg s5  }
0xb0: {  	[dreg:$0x4] =	wrdreg $0xC0  }
0xb1: {  	_ =	task [dreg:s7], $0x5FFFF  }
0xb2: {  	[dreg:$0x1] =	wrdreg $0xFFFFFFFF  }
0xb3: {  	[dreg:$0x0] =	wrdreg $0x60  }
0xb4: {  	[dreg:$0x2] =	wrdreg s16  }
0xb5: {  	[dreg:$0x3] =	wrdreg s24  }
0xb6: {  	[dreg:$0x4] =	wrdreg $0xA8000  }
0xb7: {  	[dreg:$0x5] =	wrdreg $0x9  }
0xb8: {  	_ =	task.clear_ibuf [dreg:s7], $0x6FFFF;
	_ =	strace $0x9000004C  }
0xb9: {  	s29 =	simm.s32 $0x9;
	_ =	strace $0x8000004E  }
0xba: {  	_ =	swait.ge [sflag:s29], $0x1  }
0xbb: {  	[sflag:s29] =	ssyncadd.s32 $0xFFFFFFFF  }
0xbc: {  	_ =	strace $0x9000004E  }
0xbd: {  	_ =	sfence  }
0xbe: {  	s30 =	sld [smem:$0x0];
	_ =	sdelay $0x2  }
0xbf: {  	s31 =	sshll.u32 s1, $0xD;
	s1 =	sshrl.u32 s1, $0x2  }
0xc0: {  	s3 =	sand.u32 $0x4000, s31;
	s1 =	sadd.s32 s1, s30  }
0xc1: {  	s0 =	sor.u32 s3, s0;
	s1 =	sshll.u32 s1, $0x11  }
0xc2: {  	s0 =	sor.u32 s1, s0  }
0xc3: {  	s0 =	sadd.s32 $0x8F2B, s0  }
0xc4: {  	[sflag:s0] =	ssyncadd.remote.s32 $0x1  }
0xc5: {  	_ =	sfence.sel $0xFFFF  }
0xc6: {  	[dreg:$0x0] =	wrdreg $0xFFFFFFFF;
	(pc) =	sbr.abs _section_cstart, $3  }
0xc7: {  	[dreg:$0x1] =	wrdreg $0xFFFFFFFF  }
0xc8: {  	_ =	task.clear_ibuf [dreg:s7], $0x2FFFF;
	_ =	strace $0x9FFFFFFF  }
0xc9: {  	(tm) =	ssettm $0x7FFFFFFF  }
tec
execute0_lowered:
.L_overlay_start_1:
0x0: {  	(tag) =	ssettag $0x1  }
0x1: {  	s1 =	rddreg [dreg:$0x0]  }
0x2: {  	s5 =	rddreg [dreg:$0x1]  }
0x3: {  	s0 =	srdreg.scid;
	s2 =	rddreg [dreg:$0x2]  }
0x4: {  	s4 =	simm.s32 $0x0;
	s3 =	stileid.u32;
	s11 =	simm.s32 $0x5  }
0x5: {  	s13 =	simm.s32 $0x8000;
	s16 =	simm.s32 $0x80;
	s17 =	simm.s32 $0x8080  }
0x6: {  	s18 =	simm.s32 $0x4000;
	s19 =	simm.s32 $0x1;
	s20 =	simm.s32 $0x2  }
0x7: {  	s21 =	simm.s32 $0x3;
	s22 =	simm.s32 $0x4;
	s9 =	smul.u32 $0x50000, s3  }
0x8: {  	s23 =	simm.s32 $0xA700;
	s6 =	sand.u32 $0x1, s0;
	s14 =	smul.u32 $0x500, s3  }
0x9: {  	s26 =	simm.s32 $0x0;
	s0 =	rddreg [dreg:$0x3];
	s7 =	smul.u32 $0x5000, s6  }
0xa: {  	[smem:$0x7FF] =	sst s4;
	s8 =	smul.u32 $0x28000, s6;
	s6 =	ssub.s32 $0x2, s6  }
0xb: {  	s25 =	smul.u32 $0x2800, s3;
	_ =	strace $0x8000004D;
	s10 =	sshrl.u32 s6, $0x1  }
0xc: {  	s31 =	sshrl.u32 s9, $0x2;
	s7 =	sadd.s32 s7, s5;
	s8 =	sadd.s32 s8, s5  }
0xd: {  	s6 =	ssub.s32 s6, s10;
	s5 =	sadd.s32 s31, s2;
	s12 =	sadd.s32 $0x10600, s7  }
0xe: {  	s15 =	sadd.s32 $0x6600, s7;
	s24 =	sadd.s32 $0x1A600, s8;
	s6 =	smax.u32 s6, $0x1  }
0xf: {  	s7 =	sadd.s32 $0x4000, s5;
	s8 =	sadd.s32 $0x8000, s5;
	s9 =	sadd.s32 $0xC000, s5  }
0x10: {  	s10 =	sadd.s32 $0x10000, s5;
	s12 =	sadd.s32 s14, s12;
	s14 =	sadd.s32 s14, s15  }
0x11: {  	v0 =	vimm.f32 $0.0e+00;
	s15 =	simm.s32 $0x9400;
	s24 =	sadd.s32 s25, s24;
	s25 =	simm.s32 $0xA780  }
.LBB2_1:
0x12: {  	s28 =	simm.s32 $0x0;
	s29 =	simm.s32 $0x200  }
.LBB2_2:
0x13: {  	p0 =	sne.s32 s29, $0xFE00;
	[tilespmem:s28+$0x70] =	vst v0  }
0x14: {  	[tilespmem:s28+$0x0] =	vst v0  }
0x15: {  	[tilespmem:s28+$0x10] =	vst v0  }
.Ltmp0:
0x16: {  	[tilespmem:s28+$0x20] =	vst v0;
	(pc) =	sbr.rel @p0 .LBB2_2-.Ltmp0, $4  }
0x17: {  	[tilespmem:s28+$0x30] =	vst v0  }
0x18: {  	[tilespmem:s28+$0x40] =	vst v0  }
0x19: {  	[tilespmem:s28+$0x50] =	vst v0  }
0x1a: {  	[tilespmem:s28+$0x60] =	vst v0;
	s28 =	sshra.s32 s29, $0x2;
	s29 =	sadd.s32 $0x200, s29  }
0x1b: {  	[tilespmem:s28+$0x70] =	vst v0  }
0x1c: {  	[tilespmem:s28+$0x0] =	vst v0  }
0x1d: {  	[tilespmem:s28+$0x10] =	vst v0  }
0x1e: {  	[tilespmem:s28+$0x20] =	vst v0  }
0x1f: {  	[tilespmem:s28+$0x30] =	vst v0  }
0x20: {  	[tilespmem:s28+$0x40] =	vst v0  }
0x21: {  	[tilespmem:s28+$0x50] =	vst v0  }
0x22: {  	[tilespmem:s28+$0x60] =	vst v0;
	s28 =	simm.s32 $0x0  }
0x23: {  	[spmem:s5] =	stream.linear.scatter [tilespmem:s28], [sflag:$0x5], $0x4000, $0x38;
	[tilespmem:$0x1E800] =	vst v63  }
0x24: {  	_ =	swait.ge [sflag:s11], $0x4000  }
0x25: {  	[sflag:s11] =	ssyncset.done $0x0  }
0x26: {  	[sflag:s11] =	ssyncadd.s32 $0xFFFFC000  }
0x27: {  	[spmem:s7] =	stream.linear.scatter [tilespmem:s28], [sflag:$0x5], $0x4000, $0x38;
	[tilespmem:$0x1E800] =	vst v63  }
0x28: {  	_ =	swait.ge [sflag:s11], $0x4000  }
0x29: {  	[sflag:s11] =	ssyncset.done $0x0  }
0x2a: {  	[sflag:s11] =	ssyncadd.s32 $0xFFFFC000  }
0x2b: {  	[spmem:s8] =	stream.linear.scatter [tilespmem:s28], [sflag:$0x5], $0x4000, $0x38;
	[tilespmem:$0x1E800] =	vst v63  }
0x2c: {  	_ =	swait.ge [sflag:s11], $0x4000  }
0x2d: {  	[sflag:s11] =	ssyncset.done $0x0  }
0x2e: {  	[sflag:s11] =	ssyncadd.s32 $0xFFFFC000  }
0x2f: {  	[spmem:s9] =	stream.linear.scatter [tilespmem:s28], [sflag:$0x5], $0x4000, $0x38;
	[tilespmem:$0x1E800] =	vst v63  }
0x30: {  	_ =	swait.ge [sflag:s11], $0x4000  }
0x31: {  	[sflag:s11] =	ssyncset.done $0x0  }
0x32: {  	[sflag:s11] =	ssyncadd.s32 $0xFFFFC000  }
0x33: {  	[spmem:s10] =	stream.linear.scatter [tilespmem:s28], [sflag:$0x5], $0x4000, $0x38;
	[tilespmem:$0x1E800] =	vst v63  }
0x34: {  	_ =	swait.ge [sflag:s11], $0x4000  }
0x35: {  	[sflag:s11] =	ssyncset.done $0x0  }
0x36: {  	[sflag:s11] =	ssyncadd.s32 $0xFFFFC000  }
0x37: {  	[bflag:$0x0] =	sbarrier.arrive $0xFFFF  }
0x38: {  	[tilespmem:s13], [sflag:$0x5] =	stream.linear.gather [hbm4b:s12+s28], $0x1400, $0x38;
	[tilespmem:$0x1E800] =	vst v63  }
0x39: {  	_ =	swait.ge [sflag:s11], $0x1400  }
0x3a: {  	[sflag:s11] =	ssyncset.done $0x0  }
0x3b: {  	[sflag:s11] =	ssyncadd.s32 $0xFFFFEC00  }
0x3c: {  	[tilespmem:s15], [sflag:$0x5] =	stream.linear.gather [hbm4b:s14+s28], $0x1400, $0x38;
	[tilespmem:$0x1E800] =	vst v63  }
0x3d: {  	_ =	swait.ge [sflag:s11], $0x1400  }
0x3e: {  	[sflag:s11] =	ssyncset.done $0x0  }
0x3f: {  	[sflag:s11] =	ssyncadd.s32 $0xFFFFEC00  }
0x40: {  	[tilespmem:s28], [sflag:$0x1] =	stream.indirect.gather [hbm4b:s1+s16], $0x80, s13, s16, $0xb8;
	[tilespmem:$0x1E800] =	vst v63  }
0x41: {  	_ = 	snop  }
0x42: {  	[tilespmem:s18], [sflag:$0x2] =	stream.indirect.gather [hbm4b:s1+s16], $0x80, s17, s16, $0xb8;
	[tilespmem:$0x1E800] =	vst v63  }
0x43: {  	_ =	swait.ge [sflag:s19], $0x4000  }
0x44: {  	[sflag:s19] =	ssyncset.done $0x0  }
0x45: {  	s28 =	simm.s32 $0x9400;
	[sflag:s19] =	ssyncadd.s32 $0xFFFFC000  }
0x46: {  	[spmem:s2] =	stream.indirect.scatter.add.f32 [tilespmem:s4], [sflag:$0x3], $0x80, s28, s16, $0xb8;
	[tilespmem:$0x1E800] =	vst v63  }
0x47: {  	_ =	swait.ge [sflag:s20], $0x4000  }
0x48: {  	[sflag:s20] =	ssyncset.done $0x0  }
0x49: {  	s28 =	simm.s32 $0x9480;
	[sflag:s20] =	ssyncadd.s32 $0xFFFFC000  }
0x4a: {  	[spmem:s2] =	stream.indirect.scatter.add.f32 [tilespmem:s18], [sflag:$0x4], $0x80, s28, s16, $0xb8;
	[tilespmem:$0x1E800] =	vst v63  }
0x4b: {  	_ =	swait.ge [sflag:s21], $0x4000  }
0x4c: {  	[sflag:s21] =	ssyncset.done $0x0  }
0x4d: {  	s28 =	simm.s32 $0x8100;
	[sflag:s21] =	ssyncadd.s32 $0xFFFFC000  }
0x4e: {  	[tilespmem:s4], [sflag:$0x1] =	stream.indirect.gather [hbm4b:s1+s16], $0x80, s28, s16, $0xb8;
	[tilespmem:$0x1E800] =	vst v63  }
0x4f: {  	_ =	swait.ge [sflag:s22], $0x4000  }
0x50: {  	[sflag:s22] =	ssyncset.done $0x0  }
0x51: {  	s29 =	simm.s32 $0x8180;
	s28 =	simm.s32 $0x400;
	[sflag:s22] =	ssyncadd.s32 $0xFFFFC000  }
.LBB2_4:
0x52: {  	[tilespmem:s18], [sflag:$0x2] =	stream.indirect.gather [hbm4b:s1+s16], $0x80, s29, s16, $0xb8;
	[tilespmem:$0x1E800] =	vst v63  }
0x53: {  	s29 =	smov.u32 s28  }
0x54: {  	p0 =	sne.s32 s28, $0x4800;
	s28 =	sadd.s32 $0x400, s28;
	_ =	swait.ge [sflag:s19], $0x4000  }
0x55: {  	s29 =	sshra.s32 s29, $0x2;
	[sflag:s19] =	ssyncset.done $0x0  }
0x56: {  	s30 =	sadd.s32 $0x9400, s29;
	[sflag:s19] =	ssyncadd.s32 $0xFFFFC000  }
0x57: {  	[spmem:s2] =	stream.indirect.scatter.add.f32 [tilespmem:s4], [sflag:$0x3], $0x80, s30, s16, $0xb8;
	[tilespmem:$0x1E800] =	vst v63  }
0x58: {  	_ =	swait.ge [sflag:s20], $0x4000  }
0x59: {  	[sflag:s20] =	ssyncset.done $0x0  }
0x5a: {  	s30 =	sadd.s32 $0x9480, s29;
	[sflag:s20] =	ssyncadd.s32 $0xFFFFC000  }
0x5b: {  	[spmem:s2] =	stream.indirect.scatter.add.f32 [tilespmem:s18], [sflag:$0x4], $0x80, s30, s16, $0xb8;
	[tilespmem:$0x1E800] =	vst v63  }
0x5c: {  	_ =	swait.ge [sflag:s21], $0x4000  }
0x5d: {  	[sflag:s21] =	ssyncset.done $0x0  }
.Ltmp1:
0x5e: {  	s30 =	sadd.s32 $0x8100, s29;
	[sflag:s21] =	ssyncadd.s32 $0xFFFFC000;
	(pc) =	sbr.rel @p0 .LBB2_4-.Ltmp1, $4  }
0x5f: {  	[tilespmem:s4], [sflag:$0x1] =	stream.indirect.gather [hbm4b:s1+s16], $0x80, s30, s16, $0xb8;
	[tilespmem:$0x1E800] =	vst v63  }
0x60: {  	_ =	swait.ge [sflag:s22], $0x4000  }
0x61: {  	[sflag:s22] =	ssyncset.done $0x0  }
0x62: {  	s29 =	sadd.s32 $0x8180, s29;
	[sflag:s22] =	ssyncadd.s32 $0xFFFFC000  }
0x63: {  	[tilespmem:s18], [sflag:$0x2] =	stream.indirect.gather [hbm4b:s1+s16], $0x80, s29, s16, $0xb8;
	[tilespmem:$0x1E800] =	vst v63  }
0x64: {  	_ =	swait.ge [sflag:s19], $0x4000  }
0x65: {  	[sflag:s19] =	ssyncset.done $0x0  }
0x66: {  	s28 =	simm.s32 $0x0;
	[sflag:s19] =	ssyncadd.s32 $0xFFFFC000  }
0x67: {  	[spmem:s2] =	stream.indirect.scatter.add.f32 [tilespmem:s28], [sflag:$0x3], $0x80, s23, s16, $0xb8;
	[tilespmem:$0x1E800] =	vst v63  }
0x68: {  	_ =	swait.ge [sflag:s20], $0x4000  }
0x69: {  	[sflag:s20] =	ssyncset.done $0x0  }
0x6a: {  	[sflag:s20] =	ssyncadd.s32 $0xFFFFC000  }
0x6b: {  	[spmem:s2] =	stream.indirect.scatter.add.f32 [tilespmem:s18], [sflag:$0x4], $0x80, s25, s16, $0xb8;
	[tilespmem:$0x1E800] =	vst v63  }
0x6c: {  	_ =	swait.ge [sflag:s21], $0x4000  }
0x6d: {  	[sflag:s21] =	ssyncset.done $0x0  }
0x6e: {  	[sflag:s21] =	ssyncadd.s32 $0xFFFFC000  }
0x6f: {  	_ =	swait.ge [sflag:s22], $0x4000  }
0x70: {  	[sflag:s22] =	ssyncset.done $0x0  }
0x71: {  	s29 =	sadd.s32 $0x280, s12;
	[sflag:s22] =	ssyncadd.s32 $0xFFFFC000  }
0x72: {  	[tilespmem:s13], [sflag:$0x5] =	stream.linear.gather [hbm4b:s29+s28], $0x1400, $0x38;
	[tilespmem:$0x1E800] =	vst v63  }
0x73: {  	_ =	swait.ge [sflag:s11], $0x1400  }
0x74: {  	[sflag:s11] =	ssyncset.done $0x0  }
0x75: {  	s29 =	sadd.s32 $0x280, s14;
	[sflag:s11] =	ssyncadd.s32 $0xFFFFEC00  }
0x76: {  	[tilespmem:s15], [sflag:$0x5] =	stream.linear.gather [hbm4b:s29+s28], $0x1400, $0x38;
	[tilespmem:$0x1E800] =	vst v63  }
0x77: {  	_ =	swait.ge [sflag:s11], $0x1400  }
0x78: {  	[sflag:s11] =	ssyncset.done $0x0  }
0x79: {  	[sflag:s11] =	ssyncadd.s32 $0xFFFFEC00  }
0x7a: {  	[tilespmem:s28], [sflag:$0x1] =	stream.indirect.gather [hbm4b:s1+s16], $0x80, s13, s16, $0xb8;
	[tilespmem:$0x1E800] =	vst v63  }
0x7b: {  	_ = 	snop  }
0x7c: {  	[tilespmem:s18], [sflag:$0x2] =	stream.indirect.gather [hbm4b:s1+s16], $0x80, s17, s16, $0xb8;
	[tilespmem:$0x1E800] =	vst v63  }
0x7d: {  	_ =	swait.ge [sflag:s19], $0x4000  }
0x7e: {  	[sflag:s19] =	ssyncset.done $0x0  }
0x7f: {  	s28 =	simm.s32 $0x9400;
	[sflag:s19] =	ssyncadd.s32 $0xFFFFC000  }
0x80: {  	[spmem:s2] =	stream.indirect.scatter.add.f32 [tilespmem:s4], [sflag:$0x3], $0x80, s28, s16, $0xb8;
	[tilespmem:$0x1E800] =	vst v63  }
0x81: {  	_ =	swait.ge [sflag:s20], $0x4000  }
0x82: {  	[sflag:s20] =	ssyncset.done $0x0  }
0x83: {  	s28 =	simm.s32 $0x9480;
	[sflag:s20] =	ssyncadd.s32 $0xFFFFC000  }
0x84: {  	[spmem:s2] =	stream.indirect.scatter.add.f32 [tilespmem:s18], [sflag:$0x4], $0x80, s28, s16, $0xb8;
	[tilespmem:$0x1E800] =	vst v63  }
0x85: {  	_ =	swait.ge [sflag:s21], $0x4000  }
0x86: {  	[sflag:s21] =	ssyncset.done $0x0  }
0x87: {  	s28 =	simm.s32 $0x8100;
	[sflag:s21] =	ssyncadd.s32 $0xFFFFC000  }
0x88: {  	[tilespmem:s4], [sflag:$0x1] =	stream.indirect.gather [hbm4b:s1+s16], $0x80, s28, s16, $0xb8;
	[tilespmem:$0x1E800] =	vst v63  }
0x89: {  	_ =	swait.ge [sflag:s22], $0x4000  }
0x8a: {  	[sflag:s22] =	ssyncset.done $0x0  }
0x8b: {  	s29 =	simm.s32 $0x8180;
	s28 =	simm.s32 $0x400;
	[sflag:s22] =	ssyncadd.s32 $0xFFFFC000  }
.LBB2_6:
0x8c: {  	[tilespmem:s18], [sflag:$0x2] =	stream.indirect.gather [hbm4b:s1+s16], $0x80, s29, s16, $0xb8;
	[tilespmem:$0x1E800] =	vst v63  }
0x8d: {  	s29 =	smov.u32 s28  }
0x8e: {  	p0 =	sne.s32 s28, $0x4800;
	s28 =	sadd.s32 $0x400, s28;
	_ =	swait.ge [sflag:s19], $0x4000  }
0x8f: {  	s29 =	sshra.s32 s29, $0x2;
	[sflag:s19] =	ssyncset.done $0x0  }
0x90: {  	s30 =	sadd.s32 $0x9400, s29;
	[sflag:s19] =	ssyncadd.s32 $0xFFFFC000  }
0x91: {  	[spmem:s2] =	stream.indirect.scatter.add.f32 [tilespmem:s4], [sflag:$0x3], $0x80, s30, s16, $0xb8;
	[tilespmem:$0x1E800] =	vst v63  }
0x92: {  	_ =	swait.ge [sflag:s20], $0x4000  }
0x93: {  	[sflag:s20] =	ssyncset.done $0x0  }
0x94: {  	s30 =	sadd.s32 $0x9480, s29;
	[sflag:s20] =	ssyncadd.s32 $0xFFFFC000  }
0x95: {  	[spmem:s2] =	stream.indirect.scatter.add.f32 [tilespmem:s18], [sflag:$0x4], $0x80, s30, s16, $0xb8;
	[tilespmem:$0x1E800] =	vst v63  }
0x96: {  	_ =	swait.ge [sflag:s21], $0x4000  }
0x97: {  	[sflag:s21] =	ssyncset.done $0x0  }
.Ltmp2:
0x98: {  	s30 =	sadd.s32 $0x8100, s29;
	[sflag:s21] =	ssyncadd.s32 $0xFFFFC000;
	(pc) =	sbr.rel @p0 .LBB2_6-.Ltmp2, $4  }
0x99: {  	[tilespmem:s4], [sflag:$0x1] =	stream.indirect.gather [hbm4b:s1+s16], $0x80, s30, s16, $0xb8;
	[tilespmem:$0x1E800] =	vst v63  }
0x9a: {  	_ =	swait.ge [sflag:s22], $0x4000  }
0x9b: {  	[sflag:s22] =	ssyncset.done $0x0  }
0x9c: {  	s29 =	sadd.s32 $0x8180, s29;
	[sflag:s22] =	ssyncadd.s32 $0xFFFFC000  }
0x9d: {  	[tilespmem:s18], [sflag:$0x2] =	stream.indirect.gather [hbm4b:s1+s16], $0x80, s29, s16, $0xb8;
	[tilespmem:$0x1E800] =	vst v63  }
0x9e: {  	_ =	swait.ge [sflag:s19], $0x4000  }
0x9f: {  	[sflag:s19] =	ssyncset.done $0x0  }
0xa0: {  	[sflag:s19] =	ssyncadd.s32 $0xFFFFC000  }
0xa1: {  	[spmem:s2] =	stream.indirect.scatter.add.f32 [tilespmem:s4], [sflag:$0x3], $0x80, s23, s16, $0xb8;
	[tilespmem:$0x1E800] =	vst v63  }
0xa2: {  	_ =	swait.ge [sflag:s20], $0x4000  }
0xa3: {  	[sflag:s20] =	ssyncset.done $0x0  }
0xa4: {  	[sflag:s20] =	ssyncadd.s32 $0xFFFFC000  }
0xa5: {  	[spmem:s2] =	stream.indirect.scatter.add.f32 [tilespmem:s18], [sflag:$0x4], $0x80, s25, s16, $0xb8;
	[tilespmem:$0x1E800] =	vst v63  }
0xa6: {  	_ =	swait.ge [sflag:s21], $0x4000  }
0xa7: {  	[sflag:s21] =	ssyncset.done $0x0  }
0xa8: {  	[sflag:s21] =	ssyncadd.s32 $0xFFFFC000  }
0xa9: {  	_ =	swait.ge [sflag:s22], $0x4000  }
0xaa: {  	s28 =	sshll.u32 s3, $0x6;
	s26 =	sadd.s32 $0x1, s26;
	[sflag:s22] =	ssyncset.done $0x0  }
0xab: {  	s31 =	sshrl.u32 s5, $0x3;
	p0 =	sne.s32 s26, s6;
	[sflag:s22] =	ssyncadd.s32 $0xFFFFC000  }
.Ltmp3:
0xac: {  	s28 =	sor.u32 $0x1C05, s28;
	[bflag:$0x0] =	sbarrier.arrive $0xFFFF;
	(pc) =	sbr.rel @p0 .LBB2_1-.Ltmp3, $4  }
0xad: {  	[hbm:s24], [sflag:s28] =	dma.local [spmem:s31], $0x2800  }
0xae: {  	_ =	swait.ge [sflag:s11], $0x2800  }
0xaf: {  	[sflag:s11] =	ssyncset.done $0x0  }
0xb0: {  	[sflag:s11] =	ssyncadd.s32 $0xFFFFD800  }
0xb1: {  	_ =	sfence.sel $0x180000  }
0xb2: {  	[bflag:$0x0] =	sbarrier.arrive $0xFFFF  }
0xb3: {  	p0 =	sne.s32 s3, $0x0;
	_ =	strace $0x9000004D  }
0xb4: {  	s0 =	sadd.s32 @!p0 $0x100000, s0;
	[bflag:$0x2] =	sbarrier.arrive $0xFFFF  }
0xb5: {  	[sflag:s0] =	ssyncadd.tile.s32 @!p0 $0x1;
	_ =	shalt  }
.Lfunc_end2:
_tile_overlayer_lowered:
.L_overlay_start_2:
0xb6: {  	(tag) =	ssettag $0x2  }
0xb7: {  	s0 =	rddreg [dreg:$0x0];
	s2 =	stileid.u32  }
0xb8: {  	s1 =	rddreg [dreg:$0x1];
	p0 =	sne.s32 s2, $0x0  }
0xb9: {  	s3 =	rddreg [dreg:$0x2];
	[bflag:$0x3] =	sbarrier.arrive $0xFFFF;
	s2 =	simm.s32 @!p0 $0x1C05  }
0xba: {  	[timem:s3], [sflag:s2] =	dma.local @!p0 [hbm:s0], s1  }
0xbb: {  	s0 =	simm.s32 @!p0 $0x5  }
0xbc: {  	_ =	swait.ge @!p0 [sflag:s0], s1  }
0xbd: {  	s1 =	ssub.s32 @!p0 $0x0, s1;
	[sflag:s0] =	ssyncset.done @!p0 $0x0  }
0xbe: {  	[sflag:s0] =	ssyncadd.s32 @!p0 s1  }
0xbf: {  	[bflag:$0x3] =	sbarrier.arrive $0xFFFF  }
0xc0: {  	_ =	shalt  }

</sc_bundles>
